<compile_context>
chip_gen: v7x
topology: tpu7x:2x2x1
jax: 0.10.2.dev20260603
libtpu: 0.0.44.dev20260713+nightly
codegen_flags: <defaults>
</compile_context>

<pallas_src>
import functools

import jax
import jax.numpy as jnp
from jax import lax
from jax.experimental import pallas as pl
from jax.experimental.pallas import tpu as pltpu
from jax.experimental.pallas import tpu_sc as plsc

D = 64
SCALE = 8.0
NC, NS = 2, 16
NW = NC * NS
B = 16384
T = 50
CBLK = 128
NCB = B // CBLK
CB_PER_W = NCB // NW
NUNITS = CB_PER_W * T


@functools.partial(
    pl.kernel,
    out_type=jax.ShapeDtypeStruct((T, D // 8, NCB, 8, CBLK), jnp.float32),
    mesh=plsc.VectorSubcoreMesh(core_axis_name="c", subcore_axis_name="s"),
    scratch_types=[
        pltpu.VMEM((CB_PER_W, T, CBLK), jnp.int32),
        pltpu.VMEM((4, CBLK), jnp.int32),
        pltpu.VMEM((4, CBLK, D), jnp.float32),
        pltpu.VMEM((2, D // 8, 8, CBLK), jnp.float32),
        pltpu.SemaphoreType.DMA,
        pltpu.SemaphoreType.DMA,
        pltpu.SemaphoreType.DMA,
        pltpu.SemaphoreType.DMA,
        pltpu.SemaphoreType.DMA,
        pltpu.SemaphoreType.DMA,
    ],
    compiler_params=pltpu.CompilerParams(
        use_tc_tiling_on_sc=False, needs_layout_passes=False
    ),
)
def _emb_lookup(
    idxt_hbm, table_hbm, out_hbm, idx_v, adj_v, rows_v, trans_v,
    si0, si1, si2, si3, so0, so1,
):
    wid = lax.axis_index("s") * NC + lax.axis_index("c")
    sem_in = (si0, si1, si2, si3)
    sem_out = (so0, so1)

    for cb in range(CB_PER_W):
        pltpu.sync_copy(
            idxt_hbm.at[:, pl.ds((wid * CB_PER_W + cb) * CBLK, CBLK)],
            idx_v.at[cb],
        )

    def prep_and_fire(cb, t, bb):
        for i0 in range(0, CBLK, 16):
            iv = idx_v[cb, t, pl.ds(i0, 16)]
            adj_v[bb, pl.ds(i0, 16)] = jnp.maximum(iv - 1, 0)
        pltpu.async_copy(table_hbm.at[adj_v.at[bb]], rows_v.at[bb], sem_in[bb])

    def wait_gather(bb):
        pltpu.make_async_copy(
            table_hbm.at[adj_v.at[bb]], rows_v.at[bb], sem_in[bb]
        ).wait()

    def drain_out(tb):
        pltpu.make_async_copy(out_hbm.at[0, :, 0], trans_v.at[tb], sem_out[tb]).wait()

    def compute(cb, t, bb, tb):
        @pl.loop(0, CBLK, step=16)
        def _i0(i0):
            iv = idx_v[cb, t, pl.ds(i0, 16)]
            sv = jnp.where(iv == 0, jnp.float32(0.0), jnp.float32(SCALE))
            lanes = lax.iota(jnp.int32, 16)
            rows16 = lanes + i0

            @pl.loop(0, D, step=8)
            def _c(c0):
                base = lanes + c0
                cols = [(base + k) & (D - 1) for k in range(8)]
                gs = [
                    plsc.load_gather(rows_v.at[bb], [rows16, cols[k]])
                    for k in range(8)
                ]
                for k in range(8):
                    plsc.store_scatter(
                        trans_v.at[tb],
                        [cols[k] >> 3, cols[k] & 7, rows16],
                        gs[k] * sv,
                    )

    for v in range(3):
        prep_and_fire(v & 3, v >> 2, v & 3)

    @pl.loop(0, NUNITS, step=4)
    def _u0(u0):
        for phase in range(4):
            u = u0 + phase
            cb = phase
            bb = phase
            tb = phase & 1
            t = u >> 2

            nxt = u + 3

            @pl.when(nxt < NUNITS)
            def _():
                prep_and_fire((phase + 3) & 3, nxt >> 2, (phase + 3) & 3)

            wait_gather(bb)

            @pl.when(u >= 2)
            def _():
                drain_out(tb)

            compute(cb, t, bb, tb)
            pltpu.async_copy(
                trans_v.at[tb], out_hbm.at[t, :, wid * CB_PER_W + cb], sem_out[tb]
            )

    drain_out(0)
    drain_out(1)


def kernel(inputs, pad_embeddings, post_pad_embeddings):
    del pad_embeddings
    idxt = inputs.astype(jnp.int32).T
    out5 = _emb_lookup(idxt, post_pad_embeddings)
    return out5.transpose(2, 4, 0, 1, 3).reshape(B, T, D)

# --- scband reference (transcript-rebuilt; emitter-appended) ---
"""Pipeline reference for scband-embedding-4475355922646 (READ-ONLY COPY).

The authoritative reference and input builder live on the scoring server;
editing this copy changes nothing except your own understanding.
"""

import jax, jax.numpy as jnp
import numpy as np

VOCAB_SIZE = 1000000
EMBEDDING_SIZE = 64
PAD_ID = 0


def setup_inputs(seed: int = 0) -> dict:
    key = jax.random.key(seed)
    k1, k2 = jax.random.split(key)
    inputs = jax.random.randint(k1, (16384, 50), 0, VOCAB_SIZE, dtype=jnp.int64 if jax.config.jax_enable_x64 else jnp.int32).astype(jnp.int32)
    # pad_id == 0: no pre_pad_embeddings; pad_embeddings is zeros (non-trainable)
    pad_embeddings = jnp.zeros((1, EMBEDDING_SIZE), dtype=jnp.float32)
    # glorot_uniform init for post_pad_embeddings of shape (vocab-1, d)
    fan_in = VOCAB_SIZE - PAD_ID - 1
    fan_out = EMBEDDING_SIZE
    limit = np.sqrt(6.0 / (fan_in + fan_out))
    post_pad_embeddings = jax.random.uniform(k2, (VOCAB_SIZE - PAD_ID - 1, EMBEDDING_SIZE), minval=-limit, maxval=limit, dtype=jnp.float32)
    return {"inputs": inputs, "pad_embeddings": pad_embeddings, "post_pad_embeddings": post_pad_embeddings}


def reference(inputs, pad_embeddings, post_pad_embeddings):
    # pad_id = 0 -> embeddings = concat([pad_embeddings, post_pad_embeddings], axis=0)
    embeddings = jnp.concatenate([pad_embeddings, post_pad_embeddings], axis=0)
    idx = inputs.astype(jnp.int32)
    out = jnp.take(embeddings, idx, axis=0)
    return out * np.sqrt(EMBEDDING_SIZE).astype(np.float32)

if __name__ == "__main__":
    import jax
    _d = setup_inputs()
    print(jax.jit(kernel)(*tuple(_d.values())))

</pallas_src>

<mosaic_0001>
#map = affine_map<(d0, d1) -> (0, 0)>
#map1 = affine_map<(d0, d1) -> (0, 0, 0, 0, 0)>
module attributes {stable_mosaic.version = 14 : i64} {
  func.func @_emb_lookup(%arg0: i32, %arg1: i32, %arg2: memref<50x16384xi32, #tpu.memory_space<hbm>>, %arg3: memref<999999x64xf32, #tpu.memory_space<hbm>>, %arg4: memref<50x8x128x8x128xf32, #tpu.memory_space<hbm>>, %arg5: memref<4x50x128xi32, #tpu.memory_space<vmem>>, %arg6: memref<4x128xi32, #tpu.memory_space<vmem>>, %arg7: memref<4x128x64xf32, #tpu.memory_space<vmem>>, %arg8: memref<2x8x8x128xf32, #tpu.memory_space<vmem>>, %arg9: memref<!tpu.dma_semaphore, #tpu.memory_space<semaphore_mem>>, %arg10: memref<!tpu.dma_semaphore, #tpu.memory_space<semaphore_mem>>, %arg11: memref<!tpu.dma_semaphore, #tpu.memory_space<semaphore_mem>>, %arg12: memref<!tpu.dma_semaphore, #tpu.memory_space<semaphore_mem>>, %arg13: memref<!tpu.dma_semaphore, #tpu.memory_space<semaphore_mem>>, %arg14: memref<!tpu.dma_semaphore, #tpu.memory_space<semaphore_mem>>) attributes {dimension_semantics = [#tpu.dimension_semantics<core_parallel>, #tpu.dimension_semantics<subcore_parallel>], iteration_bounds = array<i64: 2, 16>, scalar_prefetch = 0 : i64, scratch_operands = 10 : i64, tpu.core_type = #tpu.core_type<sc_vector_subcore>, window_params = [{transform_indices = #map}, {transform_indices = #map}, {transform_indices = #map1}]} {
    %mul3A = arith.constant 2 : i32
    %mul3A_0 = arith.muli %arg1, %mul3A : i32
    %add3A = arith.addi %mul3A_0, %arg0 : i32
    %mul3A_1 = arith.constant 4 : i32
    %mul3A_2 = arith.muli %add3A, %mul3A_1 : i32
    %add3A_3 = arith.constant 0 : i32
    %add3A_4 = arith.addi %mul3A_2, %add3A_3 : i32
    %mul3A_5 = arith.constant 128 : i32
    %mul3A_6 = arith.muli %add3A_4, %mul3A_5 : i32
    %run_scoped3A = arith.constant 0 : i32
    "tpu.region"() ({
      %run_scoped3A_492 = tpu.sem_alloc : memref<!tpu.dma_semaphore, #tpu.memory_space<semaphore_mem>>
      %dma_start3A_493 = arith.constant 0 : i32
      %dma_start3A_494 = arith.constant 0 : i32
      %dma_start3A_495 = tpu.memref_slice %arg5[%run_scoped3A, %dma_start3A_493, %dma_start3A_494] : memref<4x50x128xi32, #tpu.memory_space<vmem>> -> memref<1x50x128xi32, #tpu.memory_space<vmem>>
      %dma_start3A_496 = tpu.memref_squeeze %dma_start3A_495 : memref<1x50x128xi32, #tpu.memory_space<vmem>> -> memref<50x128xi32, #tpu.memory_space<vmem>>
      %dma_start3A_497 = arith.constant 0 : i32
      %dma_start3A_498 = tpu.memref_slice %arg2[%dma_start3A_497, %mul3A_6] : memref<50x16384xi32, #tpu.memory_space<hbm>> -> memref<50x128xi32, #tpu.memory_space<hbm>>
      %dma_start3A_499 = arith.constant 0 : i32
      %dma_start3A_500 = arith.constant 0 : i32
      %dma_start3A_501 = tpu.memref_slice %arg5[%run_scoped3A, %dma_start3A_499, %dma_start3A_500] : memref<4x50x128xi32, #tpu.memory_space<vmem>> -> memref<1x50x128xi32, #tpu.memory_space<vmem>>
      %dma_start3A_502 = tpu.memref_squeeze %dma_start3A_501 : memref<1x50x128xi32, #tpu.memory_space<vmem>> -> memref<50x128xi32, #tpu.memory_space<vmem>>
      %dma_start3A_503 = arith.constant 0 : i32
      %dma_start3A_504 = tpu.memref_slice %arg2[%dma_start3A_503, %mul3A_6] : memref<50x16384xi32, #tpu.memory_space<hbm>> -> memref<50x128xi32, #tpu.memory_space<hbm>>
      tpu.enqueue_dma source(%dma_start3A_504 : memref<50x128xi32, #tpu.memory_space<hbm>>) target(%dma_start3A_502 : memref<50x128xi32, #tpu.memory_space<vmem>>) target_semaphore(%run_scoped3A_492 : memref<!tpu.dma_semaphore, #tpu.memory_space<semaphore_mem>>)
      %dma_wait3A_505 = arith.constant 0 : i32
      %dma_wait3A_506 = arith.constant 0 : i32
      %dma_wait3A_507 = tpu.memref_slice %arg5[%run_scoped3A, %dma_wait3A_505, %dma_wait3A_506] : memref<4x50x128xi32, #tpu.memory_space<vmem>> -> memref<1x50x128xi32, #tpu.memory_space<vmem>>
      %dma_wait3A_508 = tpu.memref_squeeze %dma_wait3A_507 : memref<1x50x128xi32, #tpu.memory_space<vmem>> -> memref<50x128xi32, #tpu.memory_space<vmem>>
      %dma_wait3A_509 = arith.constant 0 : i32
      %dma_wait3A_510 = tpu.memref_slice %arg2[%dma_wait3A_509, %mul3A_6] : memref<50x16384xi32, #tpu.memory_space<hbm>> -> memref<50x128xi32, #tpu.memory_space<hbm>>
      %dma_wait3A_511 = arith.constant 0 : i32
      %dma_wait3A_512 = arith.constant 0 : i32
      %dma_wait3A_513 = tpu.memref_slice %arg5[%run_scoped3A, %dma_wait3A_511, %dma_wait3A_512] : memref<4x50x128xi32, #tpu.memory_space<vmem>> -> memref<1x50x128xi32, #tpu.memory_space<vmem>>
      %dma_wait3A_514 = tpu.memref_squeeze %dma_wait3A_513 : memref<1x50x128xi32, #tpu.memory_space<vmem>> -> memref<50x128xi32, #tpu.memory_space<vmem>>
      %dma_wait3A_515 = arith.constant 0 : i32
      %dma_wait3A_516 = tpu.memref_slice %arg2[%dma_wait3A_515, %mul3A_6] : memref<50x16384xi32, #tpu.memory_space<hbm>> -> memref<50x128xi32, #tpu.memory_space<hbm>>
      tpu.wait_dma2 semaphore(%run_scoped3A_492 : memref<!tpu.dma_semaphore, #tpu.memory_space<semaphore_mem>>) src(%dma_wait3A_516 : memref<50x128xi32, #tpu.memory_space<hbm>>) dst(%dma_wait3A_514 : memref<50x128xi32, #tpu.memory_space<vmem>>)
      tpu.yield
    }) : () -> ()
    %mul3A_7 = arith.constant 4 : i32
    %mul3A_8 = arith.muli %add3A, %mul3A_7 : i32
    %add3A_9 = arith.constant 1 : i32
    %add3A_10 = arith.addi %mul3A_8, %add3A_9 : i32
    %mul3A_11 = arith.constant 128 : i32
    %mul3A_12 = arith.muli %add3A_10, %mul3A_11 : i32
    %run_scoped3A_13 = arith.constant 1 : i32
    "tpu.region"() ({
      %run_scoped3A_492 = tpu.sem_alloc : memref<!tpu.dma_semaphore, #tpu.memory_space<semaphore_mem>>
      %dma_start3A_493 = arith.constant 0 : i32
      %dma_start3A_494 = arith.constant 0 : i32
      %dma_start3A_495 = tpu.memref_slice %arg5[%run_scoped3A_13, %dma_start3A_493, %dma_start3A_494] : memref<4x50x128xi32, #tpu.memory_space<vmem>> -> memref<1x50x128xi32, #tpu.memory_space<vmem>>
      %dma_start3A_496 = tpu.memref_squeeze %dma_start3A_495 : memref<1x50x128xi32, #tpu.memory_space<vmem>> -> memref<50x128xi32, #tpu.memory_space<vmem>>
      %dma_start3A_497 = arith.constant 0 : i32
      %dma_start3A_498 = tpu.memref_slice %arg2[%dma_start3A_497, %mul3A_12] : memref<50x16384xi32, #tpu.memory_space<hbm>> -> memref<50x128xi32, #tpu.memory_space<hbm>>
      %dma_start3A_499 = arith.constant 0 : i32
      %dma_start3A_500 = arith.constant 0 : i32
      %dma_start3A_501 = tpu.memref_slice %arg5[%run_scoped3A_13, %dma_start3A_499, %dma_start3A_500] : memref<4x50x128xi32, #tpu.memory_space<vmem>> -> memref<1x50x128xi32, #tpu.memory_space<vmem>>
      %dma_start3A_502 = tpu.memref_squeeze %dma_start3A_501 : memref<1x50x128xi32, #tpu.memory_space<vmem>> -> memref<50x128xi32, #tpu.memory_space<vmem>>
      %dma_start3A_503 = arith.constant 0 : i32
      %dma_start3A_504 = tpu.memref_slice %arg2[%dma_start3A_503, %mul3A_12] : memref<50x16384xi32, #tpu.memory_space<hbm>> -> memref<50x128xi32, #tpu.memory_space<hbm>>
      tpu.enqueue_dma source(%dma_start3A_504 : memref<50x128xi32, #tpu.memory_space<hbm>>) target(%dma_start3A_502 : memref<50x128xi32, #tpu.memory_space<vmem>>) target_semaphore(%run_scoped3A_492 : memref<!tpu.dma_semaphore, #tpu.memory_space<semaphore_mem>>)
      %dma_wait3A_505 = arith.constant 0 : i32
      %dma_wait3A_506 = arith.constant 0 : i32
      %dma_wait3A_507 = tpu.memref_slice %arg5[%run_scoped3A_13, %dma_wait3A_505, %dma_wait3A_506] : memref<4x50x128xi32, #tpu.memory_space<vmem>> -> memref<1x50x128xi32, #tpu.memory_space<vmem>>
      %dma_wait3A_508 = tpu.memref_squeeze %dma_wait3A_507 : memref<1x50x128xi32, #tpu.memory_space<vmem>> -> memref<50x128xi32, #tpu.memory_space<vmem>>
      %dma_wait3A_509 = arith.constant 0 : i32
      %dma_wait3A_510 = tpu.memref_slice %arg2[%dma_wait3A_509, %mul3A_12] : memref<50x16384xi32, #tpu.memory_space<hbm>> -> memref<50x128xi32, #tpu.memory_space<hbm>>
      %dma_wait3A_511 = arith.constant 0 : i32
      %dma_wait3A_512 = arith.constant 0 : i32
      %dma_wait3A_513 = tpu.memref_slice %arg5[%run_scoped3A_13, %dma_wait3A_511, %dma_wait3A_512] : memref<4x50x128xi32, #tpu.memory_space<vmem>> -> memref<1x50x128xi32, #tpu.memory_space<vmem>>
      %dma_wait3A_514 = tpu.memref_squeeze %dma_wait3A_513 : memref<1x50x128xi32, #tpu.memory_space<vmem>> -> memref<50x128xi32, #tpu.memory_space<vmem>>
      %dma_wait3A_515 = arith.constant 0 : i32
      %dma_wait3A_516 = tpu.memref_slice %arg2[%dma_wait3A_515, %mul3A_12] : memref<50x16384xi32, #tpu.memory_space<hbm>> -> memref<50x128xi32, #tpu.memory_space<hbm>>
      tpu.wait_dma2 semaphore(%run_scoped3A_492 : memref<!tpu.dma_semaphore, #tpu.memory_space<semaphore_mem>>) src(%dma_wait3A_516 : memref<50x128xi32, #tpu.memory_space<hbm>>) dst(%dma_wait3A_514 : memref<50x128xi32, #tpu.memory_space<vmem>>)
      tpu.yield
    }) : () -> ()
    %mul3A_14 = arith.constant 4 : i32
    %mul3A_15 = arith.muli %add3A, %mul3A_14 : i32
    %add3A_16 = arith.constant 2 : i32
    %add3A_17 = arith.addi %mul3A_15, %add3A_16 : i32
    %mul3A_18 = arith.constant 128 : i32
    %mul3A_19 = arith.muli %add3A_17, %mul3A_18 : i32
    %run_scoped3A_20 = arith.constant 2 : i32
    "tpu.region"() ({
      %run_scoped3A_492 = tpu.sem_alloc : memref<!tpu.dma_semaphore, #tpu.memory_space<semaphore_mem>>
      %dma_start3A_493 = arith.constant 0 : i32
      %dma_start3A_494 = arith.constant 0 : i32
      %dma_start3A_495 = tpu.memref_slice %arg5[%run_scoped3A_20, %dma_start3A_493, %dma_start3A_494] : memref<4x50x128xi32, #tpu.memory_space<vmem>> -> memref<1x50x128xi32, #tpu.memory_space<vmem>>
      %dma_start3A_496 = tpu.memref_squeeze %dma_start3A_495 : memref<1x50x128xi32, #tpu.memory_space<vmem>> -> memref<50x128xi32, #tpu.memory_space<vmem>>
      %dma_start3A_497 = arith.constant 0 : i32
      %dma_start3A_498 = tpu.memref_slice %arg2[%dma_start3A_497, %mul3A_19] : memref<50x16384xi32, #tpu.memory_space<hbm>> -> memref<50x128xi32, #tpu.memory_space<hbm>>
      %dma_start3A_499 = arith.constant 0 : i32
      %dma_start3A_500 = arith.constant 0 : i32
      %dma_start3A_501 = tpu.memref_slice %arg5[%run_scoped3A_20, %dma_start3A_499, %dma_start3A_500] : memref<4x50x128xi32, #tpu.memory_space<vmem>> -> memref<1x50x128xi32, #tpu.memory_space<vmem>>
      %dma_start3A_502 = tpu.memref_squeeze %dma_start3A_501 : memref<1x50x128xi32, #tpu.memory_space<vmem>> -> memref<50x128xi32, #tpu.memory_space<vmem>>
      %dma_start3A_503 = arith.constant 0 : i32
      %dma_start3A_504 = tpu.memref_slice %arg2[%dma_start3A_503, %mul3A_19] : memref<50x16384xi32, #tpu.memory_space<hbm>> -> memref<50x128xi32, #tpu.memory_space<hbm>>
      tpu.enqueue_dma source(%dma_start3A_504 : memref<50x128xi32, #tpu.memory_space<hbm>>) target(%dma_start3A_502 : memref<50x128xi32, #tpu.memory_space<vmem>>) target_semaphore(%run_scoped3A_492 : memref<!tpu.dma_semaphore, #tpu.memory_space<semaphore_mem>>)
      %dma_wait3A_505 = arith.constant 0 : i32
      %dma_wait3A_506 = arith.constant 0 : i32
      %dma_wait3A_507 = tpu.memref_slice %arg5[%run_scoped3A_20, %dma_wait3A_505, %dma_wait3A_506] : memref<4x50x128xi32, #tpu.memory_space<vmem>> -> memref<1x50x128xi32, #tpu.memory_space<vmem>>
      %dma_wait3A_508 = tpu.memref_squeeze %dma_wait3A_507 : memref<1x50x128xi32, #tpu.memory_space<vmem>> -> memref<50x128xi32, #tpu.memory_space<vmem>>
      %dma_wait3A_509 = arith.constant 0 : i32
      %dma_wait3A_510 = tpu.memref_slice %arg2[%dma_wait3A_509, %mul3A_19] : memref<50x16384xi32, #tpu.memory_space<hbm>> -> memref<50x128xi32, #tpu.memory_space<hbm>>
      %dma_wait3A_511 = arith.constant 0 : i32
      %dma_wait3A_512 = arith.constant 0 : i32
      %dma_wait3A_513 = tpu.memref_slice %arg5[%run_scoped3A_20, %dma_wait3A_511, %dma_wait3A_512] : memref<4x50x128xi32, #tpu.memory_space<vmem>> -> memref<1x50x128xi32, #tpu.memory_space<vmem>>
      %dma_wait3A_514 = tpu.memref_squeeze %dma_wait3A_513 : memref<1x50x128xi32, #tpu.memory_space<vmem>> -> memref<50x128xi32, #tpu.memory_space<vmem>>
      %dma_wait3A_515 = arith.constant 0 : i32
      %dma_wait3A_516 = tpu.memref_slice %arg2[%dma_wait3A_515, %mul3A_19] : memref<50x16384xi32, #tpu.memory_space<hbm>> -> memref<50x128xi32, #tpu.memory_space<hbm>>
      tpu.wait_dma2 semaphore(%run_scoped3A_492 : memref<!tpu.dma_semaphore, #tpu.memory_space<semaphore_mem>>) src(%dma_wait3A_516 : memref<50x128xi32, #tpu.memory_space<hbm>>) dst(%dma_wait3A_514 : memref<50x128xi32, #tpu.memory_space<vmem>>)
      tpu.yield
    }) : () -> ()
    %mul3A_21 = arith.constant 4 : i32
    %mul3A_22 = arith.muli %add3A, %mul3A_21 : i32
    %add3A_23 = arith.constant 3 : i32
    %add3A_24 = arith.addi %mul3A_22, %add3A_23 : i32
    %mul3A_25 = arith.constant 128 : i32
    %mul3A_26 = arith.muli %add3A_24, %mul3A_25 : i32
    %run_scoped3A_27 = arith.constant 3 : i32
    "tpu.region"() ({
      %run_scoped3A_492 = tpu.sem_alloc : memref<!tpu.dma_semaphore, #tpu.memory_space<semaphore_mem>>
      %dma_start3A_493 = arith.constant 0 : i32
      %dma_start3A_494 = arith.constant 0 : i32
      %dma_start3A_495 = tpu.memref_slice %arg5[%run_scoped3A_27, %dma_start3A_493, %dma_start3A_494] : memref<4x50x128xi32, #tpu.memory_space<vmem>> -> memref<1x50x128xi32, #tpu.memory_space<vmem>>
      %dma_start3A_496 = tpu.memref_squeeze %dma_start3A_495 : memref<1x50x128xi32, #tpu.memory_space<vmem>> -> memref<50x128xi32, #tpu.memory_space<vmem>>
      %dma_start3A_497 = arith.constant 0 : i32
      %dma_start3A_498 = tpu.memref_slice %arg2[%dma_start3A_497, %mul3A_26] : memref<50x16384xi32, #tpu.memory_space<hbm>> -> memref<50x128xi32, #tpu.memory_space<hbm>>
      %dma_start3A_499 = arith.constant 0 : i32
      %dma_start3A_500 = arith.constant 0 : i32
      %dma_start3A_501 = tpu.memref_slice %arg5[%run_scoped3A_27, %dma_start3A_499, %dma_start3A_500] : memref<4x50x128xi32, #tpu.memory_space<vmem>> -> memref<1x50x128xi32, #tpu.memory_space<vmem>>
      %dma_start3A_502 = tpu.memref_squeeze %dma_start3A_501 : memref<1x50x128xi32, #tpu.memory_space<vmem>> -> memref<50x128xi32, #tpu.memory_space<vmem>>
      %dma_start3A_503 = arith.constant 0 : i32
      %dma_start3A_504 = tpu.memref_slice %arg2[%dma_start3A_503, %mul3A_26] : memref<50x16384xi32, #tpu.memory_space<hbm>> -> memref<50x128xi32, #tpu.memory_space<hbm>>
      tpu.enqueue_dma source(%dma_start3A_504 : memref<50x128xi32, #tpu.memory_space<hbm>>) target(%dma_start3A_502 : memref<50x128xi32, #tpu.memory_space<vmem>>) target_semaphore(%run_scoped3A_492 : memref<!tpu.dma_semaphore, #tpu.memory_space<semaphore_mem>>)
      %dma_wait3A_505 = arith.constant 0 : i32
      %dma_wait3A_506 = arith.constant 0 : i32
      %dma_wait3A_507 = tpu.memref_slice %arg5[%run_scoped3A_27, %dma_wait3A_505, %dma_wait3A_506] : memref<4x50x128xi32, #tpu.memory_space<vmem>> -> memref<1x50x128xi32, #tpu.memory_space<vmem>>
      %dma_wait3A_508 = tpu.memref_squeeze %dma_wait3A_507 : memref<1x50x128xi32, #tpu.memory_space<vmem>> -> memref<50x128xi32, #tpu.memory_space<vmem>>
      %dma_wait3A_509 = arith.constant 0 : i32
      %dma_wait3A_510 = tpu.memref_slice %arg2[%dma_wait3A_509, %mul3A_26] : memref<50x16384xi32, #tpu.memory_space<hbm>> -> memref<50x128xi32, #tpu.memory_space<hbm>>
      %dma_wait3A_511 = arith.constant 0 : i32
      %dma_wait3A_512 = arith.constant 0 : i32
      %dma_wait3A_513 = tpu.memref_slice %arg5[%run_scoped3A_27, %dma_wait3A_511, %dma_wait3A_512] : memref<4x50x128xi32, #tpu.memory_space<vmem>> -> memref<1x50x128xi32, #tpu.memory_space<vmem>>
      %dma_wait3A_514 = tpu.memref_squeeze %dma_wait3A_513 : memref<1x50x128xi32, #tpu.memory_space<vmem>> -> memref<50x128xi32, #tpu.memory_space<vmem>>
      %dma_wait3A_515 = arith.constant 0 : i32
      %dma_wait3A_516 = tpu.memref_slice %arg2[%dma_wait3A_515, %mul3A_26] : memref<50x16384xi32, #tpu.memory_space<hbm>> -> memref<50x128xi32, #tpu.memory_space<hbm>>
      tpu.wait_dma2 semaphore(%run_scoped3A_492 : memref<!tpu.dma_semaphore, #tpu.memory_space<semaphore_mem>>) src(%dma_wait3A_516 : memref<50x128xi32, #tpu.memory_space<hbm>>) dst(%dma_wait3A_514 : memref<50x128xi32, #tpu.memory_space<vmem>>)
      tpu.yield
    }) : () -> ()
    %get3A = arith.constant 0 : i32
    %get3A_28 = arith.constant 0 : i32
    %get3A_29 = arith.index_cast %get3A : i32 to index
    %get3A_30 = arith.index_cast %get3A_28 : i32 to index
    %get3A_31 = arith.constant 0 : index
    %get3A_32 = tpu.vector_load %arg5[%get3A_29, %get3A_30, %get3A_31] {strides = array<i32>} : memref<4x50x128xi32, #tpu.memory_space<vmem>>, vector<16xi32>,
    %sub3A = arith.constant 1 : i32
    %sub3A_33 = vector.broadcast %sub3A : i32 to vector<16xi32>
    %sub3A_34 = arith.subi %get3A_32, %sub3A_33 : vector<16xi32>
    %max3A = arith.constant 0 : i32
    %max3A_35 = vector.broadcast %max3A : i32 to vector<16xi32>
    %max3A_36 = arith.maxsi %sub3A_34, %max3A_35 : vector<16xi32>
    %swap3A = arith.constant 0 : i32
    %swap3A_37 = arith.index_cast %swap3A : i32 to index
    %swap3A_38 = arith.constant 0 : index
    %swap3A_39 = tpu.vector_load %arg6[%swap3A_37, %swap3A_38] {strides = array<i32>} : memref<4x128xi32, #tpu.memory_space<vmem>>, vector<16xi32>,
    tpu.vector_store %arg6[%swap3A_37, %swap3A_38], %max3A_36 {strides = array<i32>} : memref<4x128xi32, #tpu.memory_space<vmem>>, vector<16xi32>,
    %get3A_40 = arith.constant 0 : i32
    %get3A_41 = arith.constant 0 : i32
    %get3A_42 = arith.index_cast %get3A_40 : i32 to index
    %get3A_43 = arith.index_cast %get3A_41 : i32 to index
    %get3A_44 = arith.constant 16 : index
    %get3A_45 = tpu.vector_load %arg5[%get3A_42, %get3A_43, %get3A_44] {strides = array<i32>} : memref<4x50x128xi32, #tpu.memory_space<vmem>>, vector<16xi32>,
    %sub3A_46 = arith.constant 1 : i32
    %sub3A_47 = vector.broadcast %sub3A_46 : i32 to vector<16xi32>
    %sub3A_48 = arith.subi %get3A_45, %sub3A_47 : vector<16xi32>
    %max3A_49 = arith.constant 0 : i32
    %max3A_50 = vector.broadcast %max3A_49 : i32 to vector<16xi32>
    %max3A_51 = arith.maxsi %sub3A_48, %max3A_50 : vector<16xi32>
    %swap3A_52 = arith.constant 0 : i32
    %swap3A_53 = arith.index_cast %swap3A_52 : i32 to index
    %swap3A_54 = arith.constant 16 : index
    %swap3A_55 = tpu.vector_load %arg6[%swap3A_53, %swap3A_54] {strides = array<i32>} : memref<4x128xi32, #tpu.memory_space<vmem>>, vector<16xi32>,
    tpu.vector_store %arg6[%swap3A_53, %swap3A_54], %max3A_51 {strides = array<i32>} : memref<4x128xi32, #tpu.memory_space<vmem>>, vector<16xi32>,
    %get3A_56 = arith.constant 0 : i32
    %get3A_57 = arith.constant 0 : i32
    %get3A_58 = arith.index_cast %get3A_56 : i32 to index
    %get3A_59 = arith.index_cast %get3A_57 : i32 to index
    %get3A_60 = arith.constant 32 : index
    %get3A_61 = tpu.vector_load %arg5[%get3A_58, %get3A_59, %get3A_60] {strides = array<i32>} : memref<4x50x128xi32, #tpu.memory_space<vmem>>, vector<16xi32>,
    %sub3A_62 = arith.constant 1 : i32
    %sub3A_63 = vector.broadcast %sub3A_62 : i32 to vector<16xi32>
    %sub3A_64 = arith.subi %get3A_61, %sub3A_63 : vector<16xi32>
    %max3A_65 = arith.constant 0 : i32
    %max3A_66 = vector.broadcast %max3A_65 : i32 to vector<16xi32>
    %max3A_67 = arith.maxsi %sub3A_64, %max3A_66 : vector<16xi32>
    %swap3A_68 = arith.constant 0 : i32
    %swap3A_69 = arith.index_cast %swap3A_68 : i32 to index
    %swap3A_70 = arith.constant 32 : index
    %swap3A_71 = tpu.vector_load %arg6[%swap3A_69, %swap3A_70] {strides = array<i32>} : memref<4x128xi32, #tpu.memory_space<vmem>>, vector<16xi32>,
    tpu.vector_store %arg6[%swap3A_69, %swap3A_70], %max3A_67 {strides = array<i32>} : memref<4x128xi32, #tpu.memory_space<vmem>>, vector<16xi32>,
    %get3A_72 = arith.constant 0 : i32
    %get3A_73 = arith.constant 0 : i32
    %get3A_74 = arith.index_cast %get3A_72 : i32 to index
    %get3A_75 = arith.index_cast %get3A_73 : i32 to index
    %get3A_76 = arith.constant 48 : index
    %get3A_77 = tpu.vector_load %arg5[%get3A_74, %get3A_75, %get3A_76] {strides = array<i32>} : memref<4x50x128xi32, #tpu.memory_space<vmem>>, vector<16xi32>,
    %sub3A_78 = arith.constant 1 : i32
    %sub3A_79 = vector.broadcast %sub3A_78 : i32 to vector<16xi32>
    %sub3A_80 = arith.subi %get3A_77, %sub3A_79 : vector<16xi32>
    %max3A_81 = arith.constant 0 : i32
    %max3A_82 = vector.broadcast %max3A_81 : i32 to vector<16xi32>
    %max3A_83 = arith.maxsi %sub3A_80, %max3A_82 : vector<16xi32>
    %swap3A_84 = arith.constant 0 : i32
    %swap3A_85 = arith.index_cast %swap3A_84 : i32 to index
    %swap3A_86 = arith.constant 48 : index
    %swap3A_87 = tpu.vector_load %arg6[%swap3A_85, %swap3A_86] {strides = array<i32>} : memref<4x128xi32, #tpu.memory_space<vmem>>, vector<16xi32>,
    tpu.vector_store %arg6[%swap3A_85, %swap3A_86], %max3A_83 {strides = array<i32>} : memref<4x128xi32, #tpu.memory_space<vmem>>, vector<16xi32>,
    %get3A_88 = arith.constant 0 : i32
    %get3A_89 = arith.constant 0 : i32
    %get3A_90 = arith.index_cast %get3A_88 : i32 to index
    %get3A_91 = arith.index_cast %get3A_89 : i32 to index
    %get3A_92 = arith.constant 64 : index
    %get3A_93 = tpu.vector_load %arg5[%get3A_90, %get3A_91, %get3A_92] {strides = array<i32>} : memref<4x50x128xi32, #tpu.memory_space<vmem>>, vector<16xi32>,
    %sub3A_94 = arith.constant 1 : i32
    %sub3A_95 = vector.broadcast %sub3A_94 : i32 to vector<16xi32>
    %sub3A_96 = arith.subi %get3A_93, %sub3A_95 : vector<16xi32>
    %max3A_97 = arith.constant 0 : i32
    %max3A_98 = vector.broadcast %max3A_97 : i32 to vector<16xi32>
    %max3A_99 = arith.maxsi %sub3A_96, %max3A_98 : vector<16xi32>
    %swap3A_100 = arith.constant 0 : i32
    %swap3A_101 = arith.index_cast %swap3A_100 : i32 to index
    %swap3A_102 = arith.constant 64 : index
    %swap3A_103 = tpu.vector_load %arg6[%swap3A_101, %swap3A_102] {strides = array<i32>} : memref<4x128xi32, #tpu.memory_space<vmem>>, vector<16xi32>,
    tpu.vector_store %arg6[%swap3A_101, %swap3A_102], %max3A_99 {strides = array<i32>} : memref<4x128xi32, #tpu.memory_space<vmem>>, vector<16xi32>,
    %get3A_104 = arith.constant 0 : i32
    %get3A_105 = arith.constant 0 : i32
    %get3A_106 = arith.index_cast %get3A_104 : i32 to index
    %get3A_107 = arith.index_cast %get3A_105 : i32 to index
    %get3A_108 = arith.constant 80 : index
    %get3A_109 = tpu.vector_load %arg5[%get3A_106, %get3A_107, %get3A_108] {strides = array<i32>} : memref<4x50x128xi32, #tpu.memory_space<vmem>>, vector<16xi32>,
    %sub3A_110 = arith.constant 1 : i32
    %sub3A_111 = vector.broadcast %sub3A_110 : i32 to vector<16xi32>
    %sub3A_112 = arith.subi %get3A_109, %sub3A_111 : vector<16xi32>
    %max3A_113 = arith.constant 0 : i32
    %max3A_114 = vector.broadcast %max3A_113 : i32 to vector<16xi32>
    %max3A_115 = arith.maxsi %sub3A_112, %max3A_114 : vector<16xi32>
    %swap3A_116 = arith.constant 0 : i32
    %swap3A_117 = arith.index_cast %swap3A_116 : i32 to index
    %swap3A_118 = arith.constant 80 : index
    %swap3A_119 = tpu.vector_load %arg6[%swap3A_117, %swap3A_118] {strides = array<i32>} : memref<4x128xi32, #tpu.memory_space<vmem>>, vector<16xi32>,
    tpu.vector_store %arg6[%swap3A_117, %swap3A_118], %max3A_115 {strides = array<i32>} : memref<4x128xi32, #tpu.memory_space<vmem>>, vector<16xi32>,
    %get3A_120 = arith.constant 0 : i32
    %get3A_121 = arith.constant 0 : i32
    %get3A_122 = arith.index_cast %get3A_120 : i32 to index
    %get3A_123 = arith.index_cast %get3A_121 : i32 to index
    %get3A_124 = arith.constant 96 : index
    %get3A_125 = tpu.vector_load %arg5[%get3A_122, %get3A_123, %get3A_124] {strides = array<i32>} : memref<4x50x128xi32, #tpu.memory_space<vmem>>, vector<16xi32>,
    %sub3A_126 = arith.constant 1 : i32
    %sub3A_127 = vector.broadcast %sub3A_126 : i32 to vector<16xi32>
    %sub3A_128 = arith.subi %get3A_125, %sub3A_127 : vector<16xi32>
    %max3A_129 = arith.constant 0 : i32
    %max3A_130 = vector.broadcast %max3A_129 : i32 to vector<16xi32>
    %max3A_131 = arith.maxsi %sub3A_128, %max3A_130 : vector<16xi32>
    %swap3A_132 = arith.constant 0 : i32
    %swap3A_133 = arith.index_cast %swap3A_132 : i32 to index
    %swap3A_134 = arith.constant 96 : index
    %swap3A_135 = tpu.vector_load %arg6[%swap3A_133, %swap3A_134] {strides = array<i32>} : memref<4x128xi32, #tpu.memory_space<vmem>>, vector<16xi32>,
    tpu.vector_store %arg6[%swap3A_133, %swap3A_134], %max3A_131 {strides = array<i32>} : memref<4x128xi32, #tpu.memory_space<vmem>>, vector<16xi32>,
    %get3A_136 = arith.constant 0 : i32
    %get3A_137 = arith.constant 0 : i32
    %get3A_138 = arith.index_cast %get3A_136 : i32 to index
    %get3A_139 = arith.index_cast %get3A_137 : i32 to index
    %get3A_140 = arith.constant 112 : index
    %get3A_141 = tpu.vector_load %arg5[%get3A_138, %get3A_139, %get3A_140] {strides = array<i32>} : memref<4x50x128xi32, #tpu.memory_space<vmem>>, vector<16xi32>,
    %sub3A_142 = arith.constant 1 : i32
    %sub3A_143 = vector.broadcast %sub3A_142 : i32 to vector<16xi32>
    %sub3A_144 = arith.subi %get3A_141, %sub3A_143 : vector<16xi32>
    %max3A_145 = arith.constant 0 : i32
    %max3A_146 = vector.broadcast %max3A_145 : i32 to vector<16xi32>
    %max3A_147 = arith.maxsi %sub3A_144, %max3A_146 : vector<16xi32>
    %swap3A_148 = arith.constant 0 : i32
    %swap3A_149 = arith.index_cast %swap3A_148 : i32 to index
    %swap3A_150 = arith.constant 112 : index
    %swap3A_151 = tpu.vector_load %arg6[%swap3A_149, %swap3A_150] {strides = array<i32>} : memref<4x128xi32, #tpu.memory_space<vmem>>, vector<16xi32>,
    tpu.vector_store %arg6[%swap3A_149, %swap3A_150], %max3A_147 {strides = array<i32>} : memref<4x128xi32, #tpu.memory_space<vmem>>, vector<16xi32>,
    %dma_start3A = arith.constant 0 : i32
    %dma_start3A_152 = arith.constant 0 : i32
    %dma_start3A_153 = arith.constant 0 : i32
    %dma_start3A_154 = arith.constant 0 : i32
    %dma_start3A_155 = tpu.memref_slice %arg7[%dma_start3A_152, %dma_start3A_153, %dma_start3A_154] : memref<4x128x64xf32, #tpu.memory_space<vmem>> -> memref<1x128x64xf32, #tpu.memory_space<vmem>>
    %dma_start3A_156 = tpu.memref_squeeze %dma_start3A_155 : memref<1x128x64xf32, #tpu.memory_space<vmem>> -> memref<128x64xf32, #tpu.memory_space<vmem>>
    %dma_start3A_157 = arith.constant 0 : i32
    %dma_start3A_158 = tpu.memref_slice %arg6[%dma_start3A, %dma_start3A_157] : memref<4x128xi32, #tpu.memory_space<vmem>> -> memref<1x128xi32, #tpu.memory_space<vmem>>
    %dma_start3A_159 = tpu.memref_squeeze %dma_start3A_158 : memref<1x128xi32, #tpu.memory_space<vmem>> -> memref<128xi32, #tpu.memory_space<vmem>>
    %dma_start3A_160 = arith.constant 0 : i32
    %dma_start3A_161 = arith.constant 0 : i32
    %dma_start3A_162 = tpu.memref_slice %arg3[%dma_start3A_160, %dma_start3A_161] : memref<999999x64xf32, #tpu.memory_space<hbm>> -> memref<999999x64xf32, #tpu.memory_space<hbm>>
    tpu.enqueue_indirect_dma source(%dma_start3A_162 : memref<999999x64xf32, #tpu.memory_space<hbm>>) target(%dma_start3A_156 : memref<128x64xf32, #tpu.memory_space<vmem>>) offsets(%dma_start3A_159 : memref<128xi32, #tpu.memory_space<vmem>>) semaphore(%arg9 : memref<!tpu.dma_semaphore, #tpu.memory_space<semaphore_mem>>)
    %get3A_163 = arith.constant 1 : i32
    %get3A_164 = arith.constant 0 : i32
    %get3A_165 = arith.index_cast %get3A_163 : i32 to index
    %get3A_166 = arith.index_cast %get3A_164 : i32 to index
    %get3A_167 = arith.constant 0 : index
    %get3A_168 = tpu.vector_load %arg5[%get3A_165, %get3A_166, %get3A_167] {strides = array<i32>} : memref<4x50x128xi32, #tpu.memory_space<vmem>>, vector<16xi32>,
    %sub3A_169 = arith.constant 1 : i32
    %sub3A_170 = vector.broadcast %sub3A_169 : i32 to vector<16xi32>
    %sub3A_171 = arith.subi %get3A_168, %sub3A_170 : vector<16xi32>
    %max3A_172 = arith.constant 0 : i32
    %max3A_173 = vector.broadcast %max3A_172 : i32 to vector<16xi32>
    %max3A_174 = arith.maxsi %sub3A_171, %max3A_173 : vector<16xi32>
    %swap3A_175 = arith.constant 1 : i32
    %swap3A_176 = arith.index_cast %swap3A_175 : i32 to index
    %swap3A_177 = arith.constant 0 : index
    %swap3A_178 = tpu.vector_load %arg6[%swap3A_176, %swap3A_177] {strides = array<i32>} : memref<4x128xi32, #tpu.memory_space<vmem>>, vector<16xi32>,
    tpu.vector_store %arg6[%swap3A_176, %swap3A_177], %max3A_174 {strides = array<i32>} : memref<4x128xi32, #tpu.memory_space<vmem>>, vector<16xi32>,
    %get3A_179 = arith.constant 1 : i32
    %get3A_180 = arith.constant 0 : i32
    %get3A_181 = arith.index_cast %get3A_179 : i32 to index
    %get3A_182 = arith.index_cast %get3A_180 : i32 to index
    %get3A_183 = arith.constant 16 : index
    %get3A_184 = tpu.vector_load %arg5[%get3A_181, %get3A_182, %get3A_183] {strides = array<i32>} : memref<4x50x128xi32, #tpu.memory_space<vmem>>, vector<16xi32>,
    %sub3A_185 = arith.constant 1 : i32
    %sub3A_186 = vector.broadcast %sub3A_185 : i32 to vector<16xi32>
    %sub3A_187 = arith.subi %get3A_184, %sub3A_186 : vector<16xi32>
    %max3A_188 = arith.constant 0 : i32
    %max3A_189 = vector.broadcast %max3A_188 : i32 to vector<16xi32>
    %max3A_190 = arith.maxsi %sub3A_187, %max3A_189 : vector<16xi32>
    %swap3A_191 = arith.constant 1 : i32
    %swap3A_192 = arith.index_cast %swap3A_191 : i32 to index
    %swap3A_193 = arith.constant 16 : index
    %swap3A_194 = tpu.vector_load %arg6[%swap3A_192, %swap3A_193] {strides = array<i32>} : memref<4x128xi32, #tpu.memory_space<vmem>>, vector<16xi32>,
    tpu.vector_store %arg6[%swap3A_192, %swap3A_193], %max3A_190 {strides = array<i32>} : memref<4x128xi32, #tpu.memory_space<vmem>>, vector<16xi32>,
    %get3A_195 = arith.constant 1 : i32
    %get3A_196 = arith.constant 0 : i32
    %get3A_197 = arith.index_cast %get3A_195 : i32 to index
    %get3A_198 = arith.index_cast %get3A_196 : i32 to index
    %get3A_199 = arith.constant 32 : index
    %get3A_200 = tpu.vector_load %arg5[%get3A_197, %get3A_198, %get3A_199] {strides = array<i32>} : memref<4x50x128xi32, #tpu.memory_space<vmem>>, vector<16xi32>,
    %sub3A_201 = arith.constant 1 : i32
    %sub3A_202 = vector.broadcast %sub3A_201 : i32 to vector<16xi32>
    %sub3A_203 = arith.subi %get3A_200, %sub3A_202 : vector<16xi32>
    %max3A_204 = arith.constant 0 : i32
    %max3A_205 = vector.broadcast %max3A_204 : i32 to vector<16xi32>
    %max3A_206 = arith.maxsi %sub3A_203, %max3A_205 : vector<16xi32>
    %swap3A_207 = arith.constant 1 : i32
    %swap3A_208 = arith.index_cast %swap3A_207 : i32 to index
    %swap3A_209 = arith.constant 32 : index
    %swap3A_210 = tpu.vector_load %arg6[%swap3A_208, %swap3A_209] {strides = array<i32>} : memref<4x128xi32, #tpu.memory_space<vmem>>, vector<16xi32>,
    tpu.vector_store %arg6[%swap3A_208, %swap3A_209], %max3A_206 {strides = array<i32>} : memref<4x128xi32, #tpu.memory_space<vmem>>, vector<16xi32>,
    %get3A_211 = arith.constant 1 : i32
    %get3A_212 = arith.constant 0 : i32
    %get3A_213 = arith.index_cast %get3A_211 : i32 to index
    %get3A_214 = arith.index_cast %get3A_212 : i32 to index
    %get3A_215 = arith.constant 48 : index
    %get3A_216 = tpu.vector_load %arg5[%get3A_213, %get3A_214, %get3A_215] {strides = array<i32>} : memref<4x50x128xi32, #tpu.memory_space<vmem>>, vector<16xi32>,
    %sub3A_217 = arith.constant 1 : i32
    %sub3A_218 = vector.broadcast %sub3A_217 : i32 to vector<16xi32>
    %sub3A_219 = arith.subi %get3A_216, %sub3A_218 : vector<16xi32>
    %max3A_220 = arith.constant 0 : i32
    %max3A_221 = vector.broadcast %max3A_220 : i32 to vector<16xi32>
    %max3A_222 = arith.maxsi %sub3A_219, %max3A_221 : vector<16xi32>
    %swap3A_223 = arith.constant 1 : i32
    %swap3A_224 = arith.index_cast %swap3A_223 : i32 to index
    %swap3A_225 = arith.constant 48 : index
    %swap3A_226 = tpu.vector_load %arg6[%swap3A_224, %swap3A_225] {strides = array<i32>} : memref<4x128xi32, #tpu.memory_space<vmem>>, vector<16xi32>,
    tpu.vector_store %arg6[%swap3A_224, %swap3A_225], %max3A_222 {strides = array<i32>} : memref<4x128xi32, #tpu.memory_space<vmem>>, vector<16xi32>,
    %get3A_227 = arith.constant 1 : i32
    %get3A_228 = arith.constant 0 : i32
    %get3A_229 = arith.index_cast %get3A_227 : i32 to index
    %get3A_230 = arith.index_cast %get3A_228 : i32 to index
    %get3A_231 = arith.constant 64 : index
    %get3A_232 = tpu.vector_load %arg5[%get3A_229, %get3A_230, %get3A_231] {strides = array<i32>} : memref<4x50x128xi32, #tpu.memory_space<vmem>>, vector<16xi32>,
    %sub3A_233 = arith.constant 1 : i32
    %sub3A_234 = vector.broadcast %sub3A_233 : i32 to vector<16xi32>
    %sub3A_235 = arith.subi %get3A_232, %sub3A_234 : vector<16xi32>
    %max3A_236 = arith.constant 0 : i32
    %max3A_237 = vector.broadcast %max3A_236 : i32 to vector<16xi32>
    %max3A_238 = arith.maxsi %sub3A_235, %max3A_237 : vector<16xi32>
    %swap3A_239 = arith.constant 1 : i32
    %swap3A_240 = arith.index_cast %swap3A_239 : i32 to index
    %swap3A_241 = arith.constant 64 : index
    %swap3A_242 = tpu.vector_load %arg6[%swap3A_240, %swap3A_241] {strides = array<i32>} : memref<4x128xi32, #tpu.memory_space<vmem>>, vector<16xi32>,
    tpu.vector_store %arg6[%swap3A_240, %swap3A_241], %max3A_238 {strides = array<i32>} : memref<4x128xi32, #tpu.memory_space<vmem>>, vector<16xi32>,
    %get3A_243 = arith.constant 1 : i32
    %get3A_244 = arith.constant 0 : i32
    %get3A_245 = arith.index_cast %get3A_243 : i32 to index
    %get3A_246 = arith.index_cast %get3A_244 : i32 to index
    %get3A_247 = arith.constant 80 : index
    %get3A_248 = tpu.vector_load %arg5[%get3A_245, %get3A_246, %get3A_247] {strides = array<i32>} : memref<4x50x128xi32, #tpu.memory_space<vmem>>, vector<16xi32>,
    %sub3A_249 = arith.constant 1 : i32
    %sub3A_250 = vector.broadcast %sub3A_249 : i32 to vector<16xi32>
    %sub3A_251 = arith.subi %get3A_248, %sub3A_250 : vector<16xi32>
    %max3A_252 = arith.constant 0 : i32
    %max3A_253 = vector.broadcast %max3A_252 : i32 to vector<16xi32>
    %max3A_254 = arith.maxsi %sub3A_251, %max3A_253 : vector<16xi32>
    %swap3A_255 = arith.constant 1 : i32
    %swap3A_256 = arith.index_cast %swap3A_255 : i32 to index
    %swap3A_257 = arith.constant 80 : index
    %swap3A_258 = tpu.vector_load %arg6[%swap3A_256, %swap3A_257] {strides = array<i32>} : memref<4x128xi32, #tpu.memory_space<vmem>>, vector<16xi32>,
    tpu.vector_store %arg6[%swap3A_256, %swap3A_257], %max3A_254 {strides = array<i32>} : memref<4x128xi32, #tpu.memory_space<vmem>>, vector<16xi32>,
    %get3A_259 = arith.constant 1 : i32
    %get3A_260 = arith.constant 0 : i32
    %get3A_261 = arith.index_cast %get3A_259 : i32 to index
    %get3A_262 = arith.index_cast %get3A_260 : i32 to index
    %get3A_263 = arith.constant 96 : index
    %get3A_264 = tpu.vector_load %arg5[%get3A_261, %get3A_262, %get3A_263] {strides = array<i32>} : memref<4x50x128xi32, #tpu.memory_space<vmem>>, vector<16xi32>,
    %sub3A_265 = arith.constant 1 : i32
    %sub3A_266 = vector.broadcast %sub3A_265 : i32 to vector<16xi32>
    %sub3A_267 = arith.subi %get3A_264, %sub3A_266 : vector<16xi32>
    %max3A_268 = arith.constant 0 : i32
    %max3A_269 = vector.broadcast %max3A_268 : i32 to vector<16xi32>
    %max3A_270 = arith.maxsi %sub3A_267, %max3A_269 : vector<16xi32>
    %swap3A_271 = arith.constant 1 : i32
    %swap3A_272 = arith.index_cast %swap3A_271 : i32 to index
    %swap3A_273 = arith.constant 96 : index
    %swap3A_274 = tpu.vector_load %arg6[%swap3A_272, %swap3A_273] {strides = array<i32>} : memref<4x128xi32, #tpu.memory_space<vmem>>, vector<16xi32>,
    tpu.vector_store %arg6[%swap3A_272, %swap3A_273], %max3A_270 {strides = array<i32>} : memref<4x128xi32, #tpu.memory_space<vmem>>, vector<16xi32>,
    %get3A_275 = arith.constant 1 : i32
    %get3A_276 = arith.constant 0 : i32
    %get3A_277 = arith.index_cast %get3A_275 : i32 to index
    %get3A_278 = arith.index_cast %get3A_276 : i32 to index
    %get3A_279 = arith.constant 112 : index
    %get3A_280 = tpu.vector_load %arg5[%get3A_277, %get3A_278, %get3A_279] {strides = array<i32>} : memref<4x50x128xi32, #tpu.memory_space<vmem>>, vector<16xi32>,
    %sub3A_281 = arith.constant 1 : i32
    %sub3A_282 = vector.broadcast %sub3A_281 : i32 to vector<16xi32>
    %sub3A_283 = arith.subi %get3A_280, %sub3A_282 : vector<16xi32>
    %max3A_284 = arith.constant 0 : i32
    %max3A_285 = vector.broadcast %max3A_284 : i32 to vector<16xi32>
    %max3A_286 = arith.maxsi %sub3A_283, %max3A_285 : vector<16xi32>
    %swap3A_287 = arith.constant 1 : i32
    %swap3A_288 = arith.index_cast %swap3A_287 : i32 to index
    %swap3A_289 = arith.constant 112 : index
    %swap3A_290 = tpu.vector_load %arg6[%swap3A_288, %swap3A_289] {strides = array<i32>} : memref<4x128xi32, #tpu.memory_space<vmem>>, vector<16xi32>,
    tpu.vector_store %arg6[%swap3A_288, %swap3A_289], %max3A_286 {strides = array<i32>} : memref<4x128xi32, #tpu.memory_space<vmem>>, vector<16xi32>,
    %dma_start3A_291 = arith.constant 1 : i32
    %dma_start3A_292 = arith.constant 1 : i32
    %dma_start3A_293 = arith.constant 0 : i32
    %dma_start3A_294 = arith.constant 0 : i32
    %dma_start3A_295 = tpu.memref_slice %arg7[%dma_start3A_292, %dma_start3A_293, %dma_start3A_294] : memref<4x128x64xf32, #tpu.memory_space<vmem>> -> memref<1x128x64xf32, #tpu.memory_space<vmem>>
    %dma_start3A_296 = tpu.memref_squeeze %dma_start3A_295 : memref<1x128x64xf32, #tpu.memory_space<vmem>> -> memref<128x64xf32, #tpu.memory_space<vmem>>
    %dma_start3A_297 = arith.constant 0 : i32
    %dma_start3A_298 = tpu.memref_slice %arg6[%dma_start3A_291, %dma_start3A_297] : memref<4x128xi32, #tpu.memory_space<vmem>> -> memref<1x128xi32, #tpu.memory_space<vmem>>
    %dma_start3A_299 = tpu.memref_squeeze %dma_start3A_298 : memref<1x128xi32, #tpu.memory_space<vmem>> -> memref<128xi32, #tpu.memory_space<vmem>>
    %dma_start3A_300 = arith.constant 0 : i32
    %dma_start3A_301 = arith.constant 0 : i32
    %dma_start3A_302 = tpu.memref_slice %arg3[%dma_start3A_300, %dma_start3A_301] : memref<999999x64xf32, #tpu.memory_space<hbm>> -> memref<999999x64xf32, #tpu.memory_space<hbm>>
    tpu.enqueue_indirect_dma source(%dma_start3A_302 : memref<999999x64xf32, #tpu.memory_space<hbm>>) target(%dma_start3A_296 : memref<128x64xf32, #tpu.memory_space<vmem>>) offsets(%dma_start3A_299 : memref<128xi32, #tpu.memory_space<vmem>>) semaphore(%arg10 : memref<!tpu.dma_semaphore, #tpu.memory_space<semaphore_mem>>)
    %get3A_303 = arith.constant 2 : i32
    %get3A_304 = arith.constant 0 : i32
    %get3A_305 = arith.index_cast %get3A_303 : i32 to index
    %get3A_306 = arith.index_cast %get3A_304 : i32 to index
    %get3A_307 = arith.constant 0 : index
    %get3A_308 = tpu.vector_load %arg5[%get3A_305, %get3A_306, %get3A_307] {strides = array<i32>} : memref<4x50x128xi32, #tpu.memory_space<vmem>>, vector<16xi32>,
    %sub3A_309 = arith.constant 1 : i32
    %sub3A_310 = vector.broadcast %sub3A_309 : i32 to vector<16xi32>
    %sub3A_311 = arith.subi %get3A_308, %sub3A_310 : vector<16xi32>
    %max3A_312 = arith.constant 0 : i32
    %max3A_313 = vector.broadcast %max3A_312 : i32 to vector<16xi32>
    %max3A_314 = arith.maxsi %sub3A_311, %max3A_313 : vector<16xi32>
    %swap3A_315 = arith.constant 2 : i32
    %swap3A_316 = arith.index_cast %swap3A_315 : i32 to index
    %swap3A_317 = arith.constant 0 : index
    %swap3A_318 = tpu.vector_load %arg6[%swap3A_316, %swap3A_317] {strides = array<i32>} : memref<4x128xi32, #tpu.memory_space<vmem>>, vector<16xi32>,
    tpu.vector_store %arg6[%swap3A_316, %swap3A_317], %max3A_314 {strides = array<i32>} : memref<4x128xi32, #tpu.memory_space<vmem>>, vector<16xi32>,
    %get3A_319 = arith.constant 2 : i32
    %get3A_320 = arith.constant 0 : i32
    %get3A_321 = arith.index_cast %get3A_319 : i32 to index
    %get3A_322 = arith.index_cast %get3A_320 : i32 to index
    %get3A_323 = arith.constant 16 : index
    %get3A_324 = tpu.vector_load %arg5[%get3A_321, %get3A_322, %get3A_323] {strides = array<i32>} : memref<4x50x128xi32, #tpu.memory_space<vmem>>, vector<16xi32>,
    %sub3A_325 = arith.constant 1 : i32
    %sub3A_326 = vector.broadcast %sub3A_325 : i32 to vector<16xi32>
    %sub3A_327 = arith.subi %get3A_324, %sub3A_326 : vector<16xi32>
    %max3A_328 = arith.constant 0 : i32
    %max3A_329 = vector.broadcast %max3A_328 : i32 to vector<16xi32>
    %max3A_330 = arith.maxsi %sub3A_327, %max3A_329 : vector<16xi32>
    %swap3A_331 = arith.constant 2 : i32
    %swap3A_332 = arith.index_cast %swap3A_331 : i32 to index
    %swap3A_333 = arith.constant 16 : index
    %swap3A_334 = tpu.vector_load %arg6[%swap3A_332, %swap3A_333] {strides = array<i32>} : memref<4x128xi32, #tpu.memory_space<vmem>>, vector<16xi32>,
    tpu.vector_store %arg6[%swap3A_332, %swap3A_333], %max3A_330 {strides = array<i32>} : memref<4x128xi32, #tpu.memory_space<vmem>>, vector<16xi32>,
    %get3A_335 = arith.constant 2 : i32
    %get3A_336 = arith.constant 0 : i32
    %get3A_337 = arith.index_cast %get3A_335 : i32 to index
    %get3A_338 = arith.index_cast %get3A_336 : i32 to index
    %get3A_339 = arith.constant 32 : index
    %get3A_340 = tpu.vector_load %arg5[%get3A_337, %get3A_338, %get3A_339] {strides = array<i32>} : memref<4x50x128xi32, #tpu.memory_space<vmem>>, vector<16xi32>,
    %sub3A_341 = arith.constant 1 : i32
    %sub3A_342 = vector.broadcast %sub3A_341 : i32 to vector<16xi32>
    %sub3A_343 = arith.subi %get3A_340, %sub3A_342 : vector<16xi32>
    %max3A_344 = arith.constant 0 : i32
    %max3A_345 = vector.broadcast %max3A_344 : i32 to vector<16xi32>
    %max3A_346 = arith.maxsi %sub3A_343, %max3A_345 : vector<16xi32>
    %swap3A_347 = arith.constant 2 : i32
    %swap3A_348 = arith.index_cast %swap3A_347 : i32 to index
    %swap3A_349 = arith.constant 32 : index
    %swap3A_350 = tpu.vector_load %arg6[%swap3A_348, %swap3A_349] {strides = array<i32>} : memref<4x128xi32, #tpu.memory_space<vmem>>, vector<16xi32>,
    tpu.vector_store %arg6[%swap3A_348, %swap3A_349], %max3A_346 {strides = array<i32>} : memref<4x128xi32, #tpu.memory_space<vmem>>, vector<16xi32>,
    %get3A_351 = arith.constant 2 : i32
    %get3A_352 = arith.constant 0 : i32
    %get3A_353 = arith.index_cast %get3A_351 : i32 to index
    %get3A_354 = arith.index_cast %get3A_352 : i32 to index
    %get3A_355 = arith.constant 48 : index
    %get3A_356 = tpu.vector_load %arg5[%get3A_353, %get3A_354, %get3A_355] {strides = array<i32>} : memref<4x50x128xi32, #tpu.memory_space<vmem>>, vector<16xi32>,
    %sub3A_357 = arith.constant 1 : i32
    %sub3A_358 = vector.broadcast %sub3A_357 : i32 to vector<16xi32>
    %sub3A_359 = arith.subi %get3A_356, %sub3A_358 : vector<16xi32>
    %max3A_360 = arith.constant 0 : i32
    %max3A_361 = vector.broadcast %max3A_360 : i32 to vector<16xi32>
    %max3A_362 = arith.maxsi %sub3A_359, %max3A_361 : vector<16xi32>
    %swap3A_363 = arith.constant 2 : i32
    %swap3A_364 = arith.index_cast %swap3A_363 : i32 to index
    %swap3A_365 = arith.constant 48 : index
    %swap3A_366 = tpu.vector_load %arg6[%swap3A_364, %swap3A_365] {strides = array<i32>} : memref<4x128xi32, #tpu.memory_space<vmem>>, vector<16xi32>,
    tpu.vector_store %arg6[%swap3A_364, %swap3A_365], %max3A_362 {strides = array<i32>} : memref<4x128xi32, #tpu.memory_space<vmem>>, vector<16xi32>,
    %get3A_367 = arith.constant 2 : i32
    %get3A_368 = arith.constant 0 : i32
    %get3A_369 = arith.index_cast %get3A_367 : i32 to index
    %get3A_370 = arith.index_cast %get3A_368 : i32 to index
    %get3A_371 = arith.constant 64 : index
    %get3A_372 = tpu.vector_load %arg5[%get3A_369, %get3A_370, %get3A_371] {strides = array<i32>} : memref<4x50x128xi32, #tpu.memory_space<vmem>>, vector<16xi32>,
    %sub3A_373 = arith.constant 1 : i32
    %sub3A_374 = vector.broadcast %sub3A_373 : i32 to vector<16xi32>
    %sub3A_375 = arith.subi %get3A_372, %sub3A_374 : vector<16xi32>
    %max3A_376 = arith.constant 0 : i32
    %max3A_377 = vector.broadcast %max3A_376 : i32 to vector<16xi32>
    %max3A_378 = arith.maxsi %sub3A_375, %max3A_377 : vector<16xi32>
    %swap3A_379 = arith.constant 2 : i32
    %swap3A_380 = arith.index_cast %swap3A_379 : i32 to index
    %swap3A_381 = arith.constant 64 : index
    %swap3A_382 = tpu.vector_load %arg6[%swap3A_380, %swap3A_381] {strides = array<i32>} : memref<4x128xi32, #tpu.memory_space<vmem>>, vector<16xi32>,
    tpu.vector_store %arg6[%swap3A_380, %swap3A_381], %max3A_378 {strides = array<i32>} : memref<4x128xi32, #tpu.memory_space<vmem>>, vector<16xi32>,
    %get3A_383 = arith.constant 2 : i32
    %get3A_384 = arith.constant 0 : i32
    %get3A_385 = arith.index_cast %get3A_383 : i32 to index
    %get3A_386 = arith.index_cast %get3A_384 : i32 to index
    %get3A_387 = arith.constant 80 : index
    %get3A_388 = tpu.vector_load %arg5[%get3A_385, %get3A_386, %get3A_387] {strides = array<i32>} : memref<4x50x128xi32, #tpu.memory_space<vmem>>, vector<16xi32>,
    %sub3A_389 = arith.constant 1 : i32
    %sub3A_390 = vector.broadcast %sub3A_389 : i32 to vector<16xi32>
    %sub3A_391 = arith.subi %get3A_388, %sub3A_390 : vector<16xi32>
    %max3A_392 = arith.constant 0 : i32
    %max3A_393 = vector.broadcast %max3A_392 : i32 to vector<16xi32>
    %max3A_394 = arith.maxsi %sub3A_391, %max3A_393 : vector<16xi32>
    %swap3A_395 = arith.constant 2 : i32
    %swap3A_396 = arith.index_cast %swap3A_395 : i32 to index
    %swap3A_397 = arith.constant 80 : index
    %swap3A_398 = tpu.vector_load %arg6[%swap3A_396, %swap3A_397] {strides = array<i32>} : memref<4x128xi32, #tpu.memory_space<vmem>>, vector<16xi32>,
    tpu.vector_store %arg6[%swap3A_396, %swap3A_397], %max3A_394 {strides = array<i32>} : memref<4x128xi32, #tpu.memory_space<vmem>>, vector<16xi32>,
    %get3A_399 = arith.constant 2 : i32
    %get3A_400 = arith.constant 0 : i32
    %get3A_401 = arith.index_cast %get3A_399 : i32 to index
    %get3A_402 = arith.index_cast %get3A_400 : i32 to index
    %get3A_403 = arith.constant 96 : index
    %get3A_404 = tpu.vector_load %arg5[%get3A_401, %get3A_402, %get3A_403] {strides = array<i32>} : memref<4x50x128xi32, #tpu.memory_space<vmem>>, vector<16xi32>,
    %sub3A_405 = arith.constant 1 : i32
    %sub3A_406 = vector.broadcast %sub3A_405 : i32 to vector<16xi32>
    %sub3A_407 = arith.subi %get3A_404, %sub3A_406 : vector<16xi32>
    %max3A_408 = arith.constant 0 : i32
    %max3A_409 = vector.broadcast %max3A_408 : i32 to vector<16xi32>
    %max3A_410 = arith.maxsi %sub3A_407, %max3A_409 : vector<16xi32>
    %swap3A_411 = arith.constant 2 : i32
    %swap3A_412 = arith.index_cast %swap3A_411 : i32 to index
    %swap3A_413 = arith.constant 96 : index
    %swap3A_414 = tpu.vector_load %arg6[%swap3A_412, %swap3A_413] {strides = array<i32>} : memref<4x128xi32, #tpu.memory_space<vmem>>, vector<16xi32>,
    tpu.vector_store %arg6[%swap3A_412, %swap3A_413], %max3A_410 {strides = array<i32>} : memref<4x128xi32, #tpu.memory_space<vmem>>, vector<16xi32>,
    %get3A_415 = arith.constant 2 : i32
    %get3A_416 = arith.constant 0 : i32
    %get3A_417 = arith.index_cast %get3A_415 : i32 to index
    %get3A_418 = arith.index_cast %get3A_416 : i32 to index
    %get3A_419 = arith.constant 112 : index
    %get3A_420 = tpu.vector_load %arg5[%get3A_417, %get3A_418, %get3A_419] {strides = array<i32>} : memref<4x50x128xi32, #tpu.memory_space<vmem>>, vector<16xi32>,
    %sub3A_421 = arith.constant 1 : i32
    %sub3A_422 = vector.broadcast %sub3A_421 : i32 to vector<16xi32>
    %sub3A_423 = arith.subi %get3A_420, %sub3A_422 : vector<16xi32>
    %max3A_424 = arith.constant 0 : i32
    %max3A_425 = vector.broadcast %max3A_424 : i32 to vector<16xi32>
    %max3A_426 = arith.maxsi %sub3A_423, %max3A_425 : vector<16xi32>
    %swap3A_427 = arith.constant 2 : i32
    %swap3A_428 = arith.index_cast %swap3A_427 : i32 to index
    %swap3A_429 = arith.constant 112 : index
    %swap3A_430 = tpu.vector_load %arg6[%swap3A_428, %swap3A_429] {strides = array<i32>} : memref<4x128xi32, #tpu.memory_space<vmem>>, vector<16xi32>,
    tpu.vector_store %arg6[%swap3A_428, %swap3A_429], %max3A_426 {strides = array<i32>} : memref<4x128xi32, #tpu.memory_space<vmem>>, vector<16xi32>,
    %dma_start3A_431 = arith.constant 2 : i32
    %dma_start3A_432 = arith.constant 2 : i32
    %dma_start3A_433 = arith.constant 0 : i32
    %dma_start3A_434 = arith.constant 0 : i32
    %dma_start3A_435 = tpu.memref_slice %arg7[%dma_start3A_432, %dma_start3A_433, %dma_start3A_434] : memref<4x128x64xf32, #tpu.memory_space<vmem>> -> memref<1x128x64xf32, #tpu.memory_space<vmem>>
    %dma_start3A_436 = tpu.memref_squeeze %dma_start3A_435 : memref<1x128x64xf32, #tpu.memory_space<vmem>> -> memref<128x64xf32, #tpu.memory_space<vmem>>
    %dma_start3A_437 = arith.constant 0 : i32
    %dma_start3A_438 = tpu.memref_slice %arg6[%dma_start3A_431, %dma_start3A_437] : memref<4x128xi32, #tpu.memory_space<vmem>> -> memref<1x128xi32, #tpu.memory_space<vmem>>
    %dma_start3A_439 = tpu.memref_squeeze %dma_start3A_438 : memref<1x128xi32, #tpu.memory_space<vmem>> -> memref<128xi32, #tpu.memory_space<vmem>>
    %dma_start3A_440 = arith.constant 0 : i32
    %dma_start3A_441 = arith.constant 0 : i32
    %dma_start3A_442 = tpu.memref_slice %arg3[%dma_start3A_440, %dma_start3A_441] : memref<999999x64xf32, #tpu.memory_space<hbm>> -> memref<999999x64xf32, #tpu.memory_space<hbm>>
    tpu.enqueue_indirect_dma source(%dma_start3A_442 : memref<999999x64xf32, #tpu.memory_space<hbm>>) target(%dma_start3A_436 : memref<128x64xf32, #tpu.memory_space<vmem>>) offsets(%dma_start3A_439 : memref<128xi32, #tpu.memory_space<vmem>>) semaphore(%arg11 : memref<!tpu.dma_semaphore, #tpu.memory_space<semaphore_mem>>)
    %scan3A = arith.constant 0 : i32
    %scan3A_443 = arith.constant 50 : i32
    %scan3A_444 = arith.addi %scan3A, %scan3A_443 : i32
    %scan3A_445 = arith.constant 1 : i32
    scf.for %scan3A_492 = %scan3A to %scan3A_444 step %scan3A_445  : i32 {
      %mul3A_493 = arith.constant 4 : i32
      %mul3A_494 = arith.muli %scan3A_492, %mul3A_493 : i32
      %add3A_495 = arith.constant 0 : i32
      %add3A_496 = arith.addi %add3A_495, %mul3A_494 : i32
      %add3A_497 = arith.constant 0 : i32
      %add3A_498 = arith.addi %add3A_496, %add3A_497 : i32
      %shift_right_arithmetic3A = arith.constant 2 : i32
      %shift_right_arithmetic3A_499 = arith.shrsi %add3A_498, %shift_right_arithmetic3A : i32
      %add3A_500 = arith.constant 3 : i32
      %add3A_501 = arith.addi %add3A_498, %add3A_500 : i32
      %lt3A = arith.constant 200 : i32
      %lt3A_502 = arith.cmpi slt, %add3A_501, %lt3A : i32
      %convert_element_type3A = arith.extui %lt3A_502 : i1 to i32
      %cond3A = arith.constant 0 : i32
      %cond3A_503 = arith.cmpi ne, %convert_element_type3A, %cond3A : i32
      scf.if %cond3A_503 {
        %shift_right_arithmetic3A_724 = arith.constant 2 : i32
        %shift_right_arithmetic3A_725 = arith.shrsi %add3A_501, %shift_right_arithmetic3A_724 : i32
        %get3A_726 = arith.constant 3 : i32
        %get3A_727 = arith.index_cast %get3A_726 : i32 to index
        %get3A_728 = arith.index_cast %shift_right_arithmetic3A_725 : i32 to index
        %get3A_729 = arith.constant 0 : index
        %get3A_730 = tpu.vector_load %arg5[%get3A_727, %get3A_728, %get3A_729] {strides = array<i32>} : memref<4x50x128xi32, #tpu.memory_space<vmem>>, vector<16xi32>,
        %sub3A_731 = arith.constant 1 : i32
        %sub3A_732 = vector.broadcast %sub3A_731 : i32 to vector<16xi32>
        %sub3A_733 = arith.subi %get3A_730, %sub3A_732 : vector<16xi32>
        %max3A_734 = arith.constant 0 : i32
        %max3A_735 = vector.broadcast %max3A_734 : i32 to vector<16xi32>
        %max3A_736 = arith.maxsi %sub3A_733, %max3A_735 : vector<16xi32>
        %swap3A_737 = arith.constant 3 : i32
        %swap3A_738 = arith.index_cast %swap3A_737 : i32 to index
        %swap3A_739 = arith.constant 0 : index
        %swap3A_740 = tpu.vector_load %arg6[%swap3A_738, %swap3A_739] {strides = array<i32>} : memref<4x128xi32, #tpu.memory_space<vmem>>, vector<16xi32>,
        tpu.vector_store %arg6[%swap3A_738, %swap3A_739], %max3A_736 {strides = array<i32>} : memref<4x128xi32, #tpu.memory_space<vmem>>, vector<16xi32>,
        %get3A_741 = arith.constant 3 : i32
        %get3A_742 = arith.index_cast %get3A_741 : i32 to index
        %get3A_743 = arith.index_cast %shift_right_arithmetic3A_725 : i32 to index
        %get3A_744 = arith.constant 16 : index
        %get3A_745 = tpu.vector_load %arg5[%get3A_742, %get3A_743, %get3A_744] {strides = array<i32>} : memref<4x50x128xi32, #tpu.memory_space<vmem>>, vector<16xi32>,
        %sub3A_746 = arith.constant 1 : i32
        %sub3A_747 = vector.broadcast %sub3A_746 : i32 to vector<16xi32>
        %sub3A_748 = arith.subi %get3A_745, %sub3A_747 : vector<16xi32>
        %max3A_749 = arith.constant 0 : i32
        %max3A_750 = vector.broadcast %max3A_749 : i32 to vector<16xi32>
        %max3A_751 = arith.maxsi %sub3A_748, %max3A_750 : vector<16xi32>
        %swap3A_752 = arith.constant 3 : i32
        %swap3A_753 = arith.index_cast %swap3A_752 : i32 to index
        %swap3A_754 = arith.constant 16 : index
        %swap3A_755 = tpu.vector_load %arg6[%swap3A_753, %swap3A_754] {strides = array<i32>} : memref<4x128xi32, #tpu.memory_space<vmem>>, vector<16xi32>,
        tpu.vector_store %arg6[%swap3A_753, %swap3A_754], %max3A_751 {strides = array<i32>} : memref<4x128xi32, #tpu.memory_space<vmem>>, vector<16xi32>,
        %get3A_756 = arith.constant 3 : i32
        %get3A_757 = arith.index_cast %get3A_756 : i32 to index
        %get3A_758 = arith.index_cast %shift_right_arithmetic3A_725 : i32 to index
        %get3A_759 = arith.constant 32 : index
        %get3A_760 = tpu.vector_load %arg5[%get3A_757, %get3A_758, %get3A_759] {strides = array<i32>} : memref<4x50x128xi32, #tpu.memory_space<vmem>>, vector<16xi32>,
        %sub3A_761 = arith.constant 1 : i32
        %sub3A_762 = vector.broadcast %sub3A_761 : i32 to vector<16xi32>
        %sub3A_763 = arith.subi %get3A_760, %sub3A_762 : vector<16xi32>
        %max3A_764 = arith.constant 0 : i32
        %max3A_765 = vector.broadcast %max3A_764 : i32 to vector<16xi32>
        %max3A_766 = arith.maxsi %sub3A_763, %max3A_765 : vector<16xi32>
        %swap3A_767 = arith.constant 3 : i32
        %swap3A_768 = arith.index_cast %swap3A_767 : i32 to index
        %swap3A_769 = arith.constant 32 : index
        %swap3A_770 = tpu.vector_load %arg6[%swap3A_768, %swap3A_769] {strides = array<i32>} : memref<4x128xi32, #tpu.memory_space<vmem>>, vector<16xi32>,
        tpu.vector_store %arg6[%swap3A_768, %swap3A_769], %max3A_766 {strides = array<i32>} : memref<4x128xi32, #tpu.memory_space<vmem>>, vector<16xi32>,
        %get3A_771 = arith.constant 3 : i32
        %get3A_772 = arith.index_cast %get3A_771 : i32 to index
        %get3A_773 = arith.index_cast %shift_right_arithmetic3A_725 : i32 to index
        %get3A_774 = arith.constant 48 : index
        %get3A_775 = tpu.vector_load %arg5[%get3A_772, %get3A_773, %get3A_774] {strides = array<i32>} : memref<4x50x128xi32, #tpu.memory_space<vmem>>, vector<16xi32>,
        %sub3A_776 = arith.constant 1 : i32
        %sub3A_777 = vector.broadcast %sub3A_776 : i32 to vector<16xi32>
        %sub3A_778 = arith.subi %get3A_775, %sub3A_777 : vector<16xi32>
        %max3A_779 = arith.constant 0 : i32
        %max3A_780 = vector.broadcast %max3A_779 : i32 to vector<16xi32>
        %max3A_781 = arith.maxsi %sub3A_778, %max3A_780 : vector<16xi32>
        %swap3A_782 = arith.constant 3 : i32
        %swap3A_783 = arith.index_cast %swap3A_782 : i32 to index
        %swap3A_784 = arith.constant 48 : index
        %swap3A_785 = tpu.vector_load %arg6[%swap3A_783, %swap3A_784] {strides = array<i32>} : memref<4x128xi32, #tpu.memory_space<vmem>>, vector<16xi32>,
        tpu.vector_store %arg6[%swap3A_783, %swap3A_784], %max3A_781 {strides = array<i32>} : memref<4x128xi32, #tpu.memory_space<vmem>>, vector<16xi32>,
        %get3A_786 = arith.constant 3 : i32
        %get3A_787 = arith.index_cast %get3A_786 : i32 to index
        %get3A_788 = arith.index_cast %shift_right_arithmetic3A_725 : i32 to index
        %get3A_789 = arith.constant 64 : index
        %get3A_790 = tpu.vector_load %arg5[%get3A_787, %get3A_788, %get3A_789] {strides = array<i32>} : memref<4x50x128xi32, #tpu.memory_space<vmem>>, vector<16xi32>,
        %sub3A_791 = arith.constant 1 : i32
        %sub3A_792 = vector.broadcast %sub3A_791 : i32 to vector<16xi32>
        %sub3A_793 = arith.subi %get3A_790, %sub3A_792 : vector<16xi32>
        %max3A_794 = arith.constant 0 : i32
        %max3A_795 = vector.broadcast %max3A_794 : i32 to vector<16xi32>
        %max3A_796 = arith.maxsi %sub3A_793, %max3A_795 : vector<16xi32>
        %swap3A_797 = arith.constant 3 : i32
        %swap3A_798 = arith.index_cast %swap3A_797 : i32 to index
        %swap3A_799 = arith.constant 64 : index
        %swap3A_800 = tpu.vector_load %arg6[%swap3A_798, %swap3A_799] {strides = array<i32>} : memref<4x128xi32, #tpu.memory_space<vmem>>, vector<16xi32>,
        tpu.vector_store %arg6[%swap3A_798, %swap3A_799], %max3A_796 {strides = array<i32>} : memref<4x128xi32, #tpu.memory_space<vmem>>, vector<16xi32>,
        %get3A_801 = arith.constant 3 : i32
        %get3A_802 = arith.index_cast %get3A_801 : i32 to index
        %get3A_803 = arith.index_cast %shift_right_arithmetic3A_725 : i32 to index
        %get3A_804 = arith.constant 80 : index
        %get3A_805 = tpu.vector_load %arg5[%get3A_802, %get3A_803, %get3A_804] {strides = array<i32>} : memref<4x50x128xi32, #tpu.memory_space<vmem>>, vector<16xi32>,
        %sub3A_806 = arith.constant 1 : i32
        %sub3A_807 = vector.broadcast %sub3A_806 : i32 to vector<16xi32>
        %sub3A_808 = arith.subi %get3A_805, %sub3A_807 : vector<16xi32>
        %max3A_809 = arith.constant 0 : i32
        %max3A_810 = vector.broadcast %max3A_809 : i32 to vector<16xi32>
        %max3A_811 = arith.maxsi %sub3A_808, %max3A_810 : vector<16xi32>
        %swap3A_812 = arith.constant 3 : i32
        %swap3A_813 = arith.index_cast %swap3A_812 : i32 to index
        %swap3A_814 = arith.constant 80 : index
        %swap3A_815 = tpu.vector_load %arg6[%swap3A_813, %swap3A_814] {strides = array<i32>} : memref<4x128xi32, #tpu.memory_space<vmem>>, vector<16xi32>,
        tpu.vector_store %arg6[%swap3A_813, %swap3A_814], %max3A_811 {strides = array<i32>} : memref<4x128xi32, #tpu.memory_space<vmem>>, vector<16xi32>,
        %get3A_816 = arith.constant 3 : i32
        %get3A_817 = arith.index_cast %get3A_816 : i32 to index
        %get3A_818 = arith.index_cast %shift_right_arithmetic3A_725 : i32 to index
        %get3A_819 = arith.constant 96 : index
        %get3A_820 = tpu.vector_load %arg5[%get3A_817, %get3A_818, %get3A_819] {strides = array<i32>} : memref<4x50x128xi32, #tpu.memory_space<vmem>>, vector<16xi32>,
        %sub3A_821 = arith.constant 1 : i32
        %sub3A_822 = vector.broadcast %sub3A_821 : i32 to vector<16xi32>
        %sub3A_823 = arith.subi %get3A_820, %sub3A_822 : vector<16xi32>
        %max3A_824 = arith.constant 0 : i32
        %max3A_825 = vector.broadcast %max3A_824 : i32 to vector<16xi32>
        %max3A_826 = arith.maxsi %sub3A_823, %max3A_825 : vector<16xi32>
        %swap3A_827 = arith.constant 3 : i32
        %swap3A_828 = arith.index_cast %swap3A_827 : i32 to index
        %swap3A_829 = arith.constant 96 : index
        %swap3A_830 = tpu.vector_load %arg6[%swap3A_828, %swap3A_829] {strides = array<i32>} : memref<4x128xi32, #tpu.memory_space<vmem>>, vector<16xi32>,
        tpu.vector_store %arg6[%swap3A_828, %swap3A_829], %max3A_826 {strides = array<i32>} : memref<4x128xi32, #tpu.memory_space<vmem>>, vector<16xi32>,
        %get3A_831 = arith.constant 3 : i32
        %get3A_832 = arith.index_cast %get3A_831 : i32 to index
        %get3A_833 = arith.index_cast %shift_right_arithmetic3A_725 : i32 to index
        %get3A_834 = arith.constant 112 : index
        %get3A_835 = tpu.vector_load %arg5[%get3A_832, %get3A_833, %get3A_834] {strides = array<i32>} : memref<4x50x128xi32, #tpu.memory_space<vmem>>, vector<16xi32>,
        %sub3A_836 = arith.constant 1 : i32
        %sub3A_837 = vector.broadcast %sub3A_836 : i32 to vector<16xi32>
        %sub3A_838 = arith.subi %get3A_835, %sub3A_837 : vector<16xi32>
        %max3A_839 = arith.constant 0 : i32
        %max3A_840 = vector.broadcast %max3A_839 : i32 to vector<16xi32>
        %max3A_841 = arith.maxsi %sub3A_838, %max3A_840 : vector<16xi32>
        %swap3A_842 = arith.constant 3 : i32
        %swap3A_843 = arith.index_cast %swap3A_842 : i32 to index
        %swap3A_844 = arith.constant 112 : index
        %swap3A_845 = tpu.vector_load %arg6[%swap3A_843, %swap3A_844] {strides = array<i32>} : memref<4x128xi32, #tpu.memory_space<vmem>>, vector<16xi32>,
        tpu.vector_store %arg6[%swap3A_843, %swap3A_844], %max3A_841 {strides = array<i32>} : memref<4x128xi32, #tpu.memory_space<vmem>>, vector<16xi32>,
        %dma_start3A_846 = arith.constant 3 : i32
        %dma_start3A_847 = arith.constant 3 : i32
        %dma_start3A_848 = arith.constant 0 : i32
        %dma_start3A_849 = arith.constant 0 : i32
        %dma_start3A_850 = tpu.memref_slice %arg7[%dma_start3A_847, %dma_start3A_848, %dma_start3A_849] : memref<4x128x64xf32, #tpu.memory_space<vmem>> -> memref<1x128x64xf32, #tpu.memory_space<vmem>>
        %dma_start3A_851 = tpu.memref_squeeze %dma_start3A_850 : memref<1x128x64xf32, #tpu.memory_space<vmem>> -> memref<128x64xf32, #tpu.memory_space<vmem>>
        %dma_start3A_852 = arith.constant 0 : i32
        %dma_start3A_853 = tpu.memref_slice %arg6[%dma_start3A_846, %dma_start3A_852] : memref<4x128xi32, #tpu.memory_space<vmem>> -> memref<1x128xi32, #tpu.memory_space<vmem>>
        %dma_start3A_854 = tpu.memref_squeeze %dma_start3A_853 : memref<1x128xi32, #tpu.memory_space<vmem>> -> memref<128xi32, #tpu.memory_space<vmem>>
        %dma_start3A_855 = arith.constant 0 : i32
        %dma_start3A_856 = arith.constant 0 : i32
        %dma_start3A_857 = tpu.memref_slice %arg3[%dma_start3A_855, %dma_start3A_856] : memref<999999x64xf32, #tpu.memory_space<hbm>> -> memref<999999x64xf32, #tpu.memory_space<hbm>>
        tpu.enqueue_indirect_dma source(%dma_start3A_857 : memref<999999x64xf32, #tpu.memory_space<hbm>>) target(%dma_start3A_851 : memref<128x64xf32, #tpu.memory_space<vmem>>) offsets(%dma_start3A_854 : memref<128xi32, #tpu.memory_space<vmem>>) semaphore(%arg12 : memref<!tpu.dma_semaphore, #tpu.memory_space<semaphore_mem>>)
      } else {
      }
      %dma_wait3A_504 = arith.constant 0 : i32
      %dma_wait3A_505 = arith.constant 0 : i32
      %dma_wait3A_506 = arith.constant 0 : i32
      %dma_wait3A_507 = arith.constant 0 : i32
      %dma_wait3A_508 = tpu.memref_slice %arg7[%dma_wait3A_505, %dma_wait3A_506, %dma_wait3A_507] : memref<4x128x64xf32, #tpu.memory_space<vmem>> -> memref<1x128x64xf32, #tpu.memory_space<vmem>>
      %dma_wait3A_509 = tpu.memref_squeeze %dma_wait3A_508 : memref<1x128x64xf32, #tpu.memory_space<vmem>> -> memref<128x64xf32, #tpu.memory_space<vmem>>
      %dma_wait3A_510 = arith.constant 0 : i32
      %dma_wait3A_511 = tpu.memref_slice %arg6[%dma_wait3A_504, %dma_wait3A_510] : memref<4x128xi32, #tpu.memory_space<vmem>> -> memref<1x128xi32, #tpu.memory_space<vmem>>
      %dma_wait3A_512 = tpu.memref_squeeze %dma_wait3A_511 : memref<1x128xi32, #tpu.memory_space<vmem>> -> memref<128xi32, #tpu.memory_space<vmem>>
      %dma_wait3A_513 = arith.constant 0 : i32
      %dma_wait3A_514 = arith.constant 0 : i32
      %dma_wait3A_515 = tpu.memref_slice %arg3[%dma_wait3A_513, %dma_wait3A_514] : memref<999999x64xf32, #tpu.memory_space<hbm>> -> memref<999999x64xf32, #tpu.memory_space<hbm>>
      tpu.wait_indirect_dma semaphore(%arg9 : memref<!tpu.dma_semaphore, #tpu.memory_space<semaphore_mem>>) src(%dma_wait3A_515 : memref<999999x64xf32, #tpu.memory_space<hbm>>) dst(%dma_wait3A_509 : memref<128x64xf32, #tpu.memory_space<vmem>>)
      %ge3A = arith.constant 2 : i32
      %ge3A_516 = arith.cmpi sge, %add3A_498, %ge3A : i32
      %convert_element_type3A_517 = arith.extui %ge3A_516 : i1 to i32
      %cond3A_518 = arith.constant 0 : i32
      %cond3A_519 = arith.cmpi ne, %convert_element_type3A_517, %cond3A_518 : i32
      scf.if %cond3A_519 {
        %dma_wait3A_724 = arith.constant 0 : i32
        %dma_wait3A_725 = arith.constant 0 : i32
        %dma_wait3A_726 = arith.constant 0 : i32
        %dma_wait3A_727 = arith.constant 0 : i32
        %dma_wait3A_728 = arith.constant 0 : i32
        %dma_wait3A_729 = arith.constant 0 : i32
        %dma_wait3A_730 = tpu.memref_slice %arg8[%dma_wait3A_726, %dma_wait3A_727, %dma_wait3A_728, %dma_wait3A_729] : memref<2x8x8x128xf32, #tpu.memory_space<vmem>> -> memref<1x8x8x128xf32, #tpu.memory_space<vmem>>
        %dma_wait3A_731 = tpu.memref_squeeze %dma_wait3A_730 : memref<1x8x8x128xf32, #tpu.memory_space<vmem>> -> memref<8x8x128xf32, #tpu.memory_space<vmem>>
        %dma_wait3A_732 = arith.constant 0 : i32
        %dma_wait3A_733 = arith.constant 0 : i32
        %dma_wait3A_734 = arith.constant 0 : i32
        %dma_wait3A_735 = tpu.memref_slice %arg4[%dma_wait3A_724, %dma_wait3A_732, %dma_wait3A_725, %dma_wait3A_733, %dma_wait3A_734] : memref<50x8x128x8x128xf32, #tpu.memory_space<hbm>> -> memref<1x8x1x8x128xf32, #tpu.memory_space<hbm>>
        %dma_wait3A_736 = tpu.memref_squeeze %dma_wait3A_735 : memref<1x8x1x8x128xf32, #tpu.memory_space<hbm>> -> memref<8x8x128xf32, #tpu.memory_space<hbm>>
        %dma_wait3A_737 = arith.constant 0 : i32
        %dma_wait3A_738 = arith.constant 0 : i32
        %dma_wait3A_739 = arith.constant 0 : i32
        %dma_wait3A_740 = tpu.memref_slice %arg8[%dma_wait3A_726, %dma_wait3A_737, %dma_wait3A_738, %dma_wait3A_739] : memref<2x8x8x128xf32, #tpu.memory_space<vmem>> -> memref<1x8x8x128xf32, #tpu.memory_space<vmem>>
        %dma_wait3A_741 = tpu.memref_squeeze %dma_wait3A_740 : memref<1x8x8x128xf32, #tpu.memory_space<vmem>> -> memref<8x8x128xf32, #tpu.memory_space<vmem>>
        %dma_wait3A_742 = arith.constant 0 : i32
        %dma_wait3A_743 = arith.constant 0 : i32
        %dma_wait3A_744 = arith.constant 0 : i32
        %dma_wait3A_745 = tpu.memref_slice %arg4[%dma_wait3A_724, %dma_wait3A_742, %dma_wait3A_725, %dma_wait3A_743, %dma_wait3A_744] : memref<50x8x128x8x128xf32, #tpu.memory_space<hbm>> -> memref<1x8x1x8x128xf32, #tpu.memory_space<hbm>>
        %dma_wait3A_746 = tpu.memref_squeeze %dma_wait3A_745 : memref<1x8x1x8x128xf32, #tpu.memory_space<hbm>> -> memref<8x8x128xf32, #tpu.memory_space<hbm>>
        tpu.wait_dma2 semaphore(%arg13 : memref<!tpu.dma_semaphore, #tpu.memory_space<semaphore_mem>>) src(%dma_wait3A_746 : memref<8x8x128xf32, #tpu.memory_space<hbm>>) dst(%dma_wait3A_741 : memref<8x8x128xf32, #tpu.memory_space<vmem>>)
      } else {
      }
      %scan3A_520 = arith.constant 0 : i32
      %scan3A_521 = arith.constant 8 : i32
      %scan3A_522 = arith.addi %scan3A_520, %scan3A_521 : i32
      %scan3A_523 = arith.constant 1 : i32
      scf.for %scan3A_724 = %scan3A_520 to %scan3A_522 step %scan3A_523  : i32 {
        %mul3A_725 = arith.constant 16 : i32
        %mul3A_726 = arith.muli %scan3A_724, %mul3A_725 : i32
        %add3A_727 = arith.constant 0 : i32
        %add3A_728 = arith.addi %add3A_727, %mul3A_726 : i32
        %get3A_729 = arith.constant 0 : i32
        %get3A_730 = arith.index_cast %get3A_729 : i32 to index
        %get3A_731 = arith.index_cast %shift_right_arithmetic3A_499 : i32 to index
        %get3A_732 = arith.index_cast %add3A_728 : i32 to index
        %get3A_733 = tpu.vector_load %arg5[%get3A_730, %get3A_731, %get3A_732] {strides = array<i32>} : memref<4x50x128xi32, #tpu.memory_space<vmem>>, vector<16xi32>,
        %eq3A = arith.constant 0 : i32
        %eq3A_734 = vector.broadcast %eq3A : i32 to vector<16xi32>
        %eq3A_735 = arith.cmpi eq, %get3A_733, %eq3A_734 : vector<16xi32>
        %jit3A = arith.constant 0.000000e+00 : f32
        %jit3A_736 = arith.constant 8.000000e+00 : f32
        %broadcast_in_dim3A = vector.broadcast %jit3A : f32 to vector<16xf32>
        %broadcast_in_dim3A_737 = vector.broadcast %jit3A_736 : f32 to vector<16xf32>
        %select_n3A = arith.select %eq3A_735, %broadcast_in_dim3A, %broadcast_in_dim3A_737 : vector<16xi1>, vector<16xf32>
        %iota3A = tpu.iota {dimensions = array<i32: 0>} : vector<16xi32>
        %add3A_738 = vector.broadcast %add3A_728 : i32 to vector<16xi32>
        %add3A_739 = arith.addi %iota3A, %add3A_738 : vector<16xi32>
        %scan3A_740 = arith.constant 0 : i32
        %scan3A_741 = arith.constant 8 : i32
        %scan3A_742 = arith.addi %scan3A_740, %scan3A_741 : i32
        %scan3A_743 = arith.constant 1 : i32
        scf.for %scan3A_745 = %scan3A_740 to %scan3A_742 step %scan3A_743  : i32 {
          %mul3A_746 = arith.constant 8 : i32
          %mul3A_747 = arith.muli %scan3A_745, %mul3A_746 : i32
          %add3A_748 = arith.constant 0 : i32
          %add3A_749 = arith.addi %add3A_748, %mul3A_747 : i32
          %add3A_750 = vector.broadcast %add3A_749 : i32 to vector<16xi32>
          %add3A_751 = arith.addi %iota3A, %add3A_750 : vector<16xi32>
          %add3A_752 = arith.constant 0 : i32
          %add3A_753 = vector.broadcast %add3A_752 : i32 to vector<16xi32>
          %add3A_754 = arith.addi %add3A_751, %add3A_753 : vector<16xi32>
          %and3A = arith.constant 63 : i32
          %and3A_755 = vector.broadcast %and3A : i32 to vector<16xi32>
          %and3A_756 = arith.andi %add3A_754, %and3A_755 : vector<16xi32>
          %add3A_757 = arith.constant 1 : i32
          %add3A_758 = vector.broadcast %add3A_757 : i32 to vector<16xi32>
          %add3A_759 = arith.addi %add3A_751, %add3A_758 : vector<16xi32>
          %and3A_760 = arith.constant 63 : i32
          %and3A_761 = vector.broadcast %and3A_760 : i32 to vector<16xi32>
          %and3A_762 = arith.andi %add3A_759, %and3A_761 : vector<16xi32>
          %add3A_763 = arith.constant 2 : i32
          %add3A_764 = vector.broadcast %add3A_763 : i32 to vector<16xi32>
          %add3A_765 = arith.addi %add3A_751, %add3A_764 : vector<16xi32>
          %and3A_766 = arith.constant 63 : i32
          %and3A_767 = vector.broadcast %and3A_766 : i32 to vector<16xi32>
          %and3A_768 = arith.andi %add3A_765, %and3A_767 : vector<16xi32>
          %add3A_769 = arith.constant 3 : i32
          %add3A_770 = vector.broadcast %add3A_769 : i32 to vector<16xi32>
          %add3A_771 = arith.addi %add3A_751, %add3A_770 : vector<16xi32>
          %and3A_772 = arith.constant 63 : i32
          %and3A_773 = vector.broadcast %and3A_772 : i32 to vector<16xi32>
          %and3A_774 = arith.andi %add3A_771, %and3A_773 : vector<16xi32>
          %add3A_775 = arith.constant 4 : i32
          %add3A_776 = vector.broadcast %add3A_775 : i32 to vector<16xi32>
          %add3A_777 = arith.addi %add3A_751, %add3A_776 : vector<16xi32>
          %and3A_778 = arith.constant 63 : i32
          %and3A_779 = vector.broadcast %and3A_778 : i32 to vector<16xi32>
          %and3A_780 = arith.andi %add3A_777, %and3A_779 : vector<16xi32>
          %add3A_781 = arith.constant 5 : i32
          %add3A_782 = vector.broadcast %add3A_781 : i32 to vector<16xi32>
          %add3A_783 = arith.addi %add3A_751, %add3A_782 : vector<16xi32>
          %and3A_784 = arith.constant 63 : i32
          %and3A_785 = vector.broadcast %and3A_784 : i32 to vector<16xi32>
          %and3A_786 = arith.andi %add3A_783, %and3A_785 : vector<16xi32>
          %add3A_787 = arith.constant 6 : i32
          %add3A_788 = vector.broadcast %add3A_787 : i32 to vector<16xi32>
          %add3A_789 = arith.addi %add3A_751, %add3A_788 : vector<16xi32>
          %and3A_790 = arith.constant 63 : i32
          %and3A_791 = vector.broadcast %and3A_790 : i32 to vector<16xi32>
          %and3A_792 = arith.andi %add3A_789, %and3A_791 : vector<16xi32>
          %add3A_793 = arith.constant 7 : i32
          %add3A_794 = vector.broadcast %add3A_793 : i32 to vector<16xi32>
          %add3A_795 = arith.addi %add3A_751, %add3A_794 : vector<16xi32>
          %and3A_796 = arith.constant 63 : i32
          %and3A_797 = vector.broadcast %and3A_796 : i32 to vector<16xi32>
          %and3A_798 = arith.andi %add3A_795, %and3A_797 : vector<16xi32>
          %gather3A = arith.constant 0 : i32
          %gather3A_799 = arith.constant 0 : i32
          %gather3A_800 = arith.constant 0 : i32
          %gather3A_801 = tpu.memref_slice %arg7[%gather3A, %gather3A_799, %gather3A_800] : memref<4x128x64xf32, #tpu.memory_space<vmem>> -> memref<1x128x64xf32, #tpu.memory_space<vmem>>
          %gather3A_802 = tpu.memref_squeeze %gather3A_801 : memref<1x128x64xf32, #tpu.memory_space<vmem>> -> memref<128x64xf32, #tpu.memory_space<vmem>>
          %gather3A_803 = tpu.vector_load_idx %gather3A_802[%add3A_739, %and3A_756] : memref<128x64xf32, #tpu.memory_space<vmem>>[vector<16xi32>, vector<16xi32>], vector<16xf32>,
          %gather3A_804 = arith.constant 0 : i32
          %gather3A_805 = arith.constant 0 : i32
          %gather3A_806 = arith.constant 0 : i32
          %gather3A_807 = tpu.memref_slice %arg7[%gather3A_804, %gather3A_805, %gather3A_806] : memref<4x128x64xf32, #tpu.memory_space<vmem>> -> memref<1x128x64xf32, #tpu.memory_space<vmem>>
          %gather3A_808 = tpu.memref_squeeze %gather3A_807 : memref<1x128x64xf32, #tpu.memory_space<vmem>> -> memref<128x64xf32, #tpu.memory_space<vmem>>
          %gather3A_809 = tpu.vector_load_idx %gather3A_808[%add3A_739, %and3A_762] : memref<128x64xf32, #tpu.memory_space<vmem>>[vector<16xi32>, vector<16xi32>], vector<16xf32>,
          %gather3A_810 = arith.constant 0 : i32
          %gather3A_811 = arith.constant 0 : i32
          %gather3A_812 = arith.constant 0 : i32
          %gather3A_813 = tpu.memref_slice %arg7[%gather3A_810, %gather3A_811, %gather3A_812] : memref<4x128x64xf32, #tpu.memory_space<vmem>> -> memref<1x128x64xf32, #tpu.memory_space<vmem>>
          %gather3A_814 = tpu.memref_squeeze %gather3A_813 : memref<1x128x64xf32, #tpu.memory_space<vmem>> -> memref<128x64xf32, #tpu.memory_space<vmem>>
          %gather3A_815 = tpu.vector_load_idx %gather3A_814[%add3A_739, %and3A_768] : memref<128x64xf32, #tpu.memory_space<vmem>>[vector<16xi32>, vector<16xi32>], vector<16xf32>,
          %gather3A_816 = arith.constant 0 : i32
          %gather3A_817 = arith.constant 0 : i32
          %gather3A_818 = arith.constant 0 : i32
          %gather3A_819 = tpu.memref_slice %arg7[%gather3A_816, %gather3A_817, %gather3A_818] : memref<4x128x64xf32, #tpu.memory_space<vmem>> -> memref<1x128x64xf32, #tpu.memory_space<vmem>>
          %gather3A_820 = tpu.memref_squeeze %gather3A_819 : memref<1x128x64xf32, #tpu.memory_space<vmem>> -> memref<128x64xf32, #tpu.memory_space<vmem>>
          %gather3A_821 = tpu.vector_load_idx %gather3A_820[%add3A_739, %and3A_774] : memref<128x64xf32, #tpu.memory_space<vmem>>[vector<16xi32>, vector<16xi32>], vector<16xf32>,
          %gather3A_822 = arith.constant 0 : i32
          %gather3A_823 = arith.constant 0 : i32
          %gather3A_824 = arith.constant 0 : i32
          %gather3A_825 = tpu.memref_slice %arg7[%gather3A_822, %gather3A_823, %gather3A_824] : memref<4x128x64xf32, #tpu.memory_space<vmem>> -> memref<1x128x64xf32, #tpu.memory_space<vmem>>
          %gather3A_826 = tpu.memref_squeeze %gather3A_825 : memref<1x128x64xf32, #tpu.memory_space<vmem>> -> memref<128x64xf32, #tpu.memory_space<vmem>>
          %gather3A_827 = tpu.vector_load_idx %gather3A_826[%add3A_739, %and3A_780] : memref<128x64xf32, #tpu.memory_space<vmem>>[vector<16xi32>, vector<16xi32>], vector<16xf32>,
          %gather3A_828 = arith.constant 0 : i32
          %gather3A_829 = arith.constant 0 : i32
          %gather3A_830 = arith.constant 0 : i32
          %gather3A_831 = tpu.memref_slice %arg7[%gather3A_828, %gather3A_829, %gather3A_830] : memref<4x128x64xf32, #tpu.memory_space<vmem>> -> memref<1x128x64xf32, #tpu.memory_space<vmem>>
          %gather3A_832 = tpu.memref_squeeze %gather3A_831 : memref<1x128x64xf32, #tpu.memory_space<vmem>> -> memref<128x64xf32, #tpu.memory_space<vmem>>
          %gather3A_833 = tpu.vector_load_idx %gather3A_832[%add3A_739, %and3A_786] : memref<128x64xf32, #tpu.memory_space<vmem>>[vector<16xi32>, vector<16xi32>], vector<16xf32>,
          %gather3A_834 = arith.constant 0 : i32
          %gather3A_835 = arith.constant 0 : i32
          %gather3A_836 = arith.constant 0 : i32
          %gather3A_837 = tpu.memref_slice %arg7[%gather3A_834, %gather3A_835, %gather3A_836] : memref<4x128x64xf32, #tpu.memory_space<vmem>> -> memref<1x128x64xf32, #tpu.memory_space<vmem>>
          %gather3A_838 = tpu.memref_squeeze %gather3A_837 : memref<1x128x64xf32, #tpu.memory_space<vmem>> -> memref<128x64xf32, #tpu.memory_space<vmem>>
          %gather3A_839 = tpu.vector_load_idx %gather3A_838[%add3A_739, %and3A_792] : memref<128x64xf32, #tpu.memory_space<vmem>>[vector<16xi32>, vector<16xi32>], vector<16xf32>,
          %gather3A_840 = arith.constant 0 : i32
          %gather3A_841 = arith.constant 0 : i32
          %gather3A_842 = arith.constant 0 : i32
          %gather3A_843 = tpu.memref_slice %arg7[%gather3A_840, %gather3A_841, %gather3A_842] : memref<4x128x64xf32, #tpu.memory_space<vmem>> -> memref<1x128x64xf32, #tpu.memory_space<vmem>>
          %gather3A_844 = tpu.memref_squeeze %gather3A_843 : memref<1x128x64xf32, #tpu.memory_space<vmem>> -> memref<128x64xf32, #tpu.memory_space<vmem>>
          %gather3A_845 = tpu.vector_load_idx %gather3A_844[%add3A_739, %and3A_798] : memref<128x64xf32, #tpu.memory_space<vmem>>[vector<16xi32>, vector<16xi32>], vector<16xf32>,
          %shift_right_arithmetic3A_846 = arith.constant 3 : i32
          %shift_right_arithmetic3A_847 = vector.broadcast %shift_right_arithmetic3A_846 : i32 to vector<16xi32>
          %shift_right_arithmetic3A_848 = arith.shrsi %and3A_756, %shift_right_arithmetic3A_847 : vector<16xi32>
          %and3A_849 = arith.constant 7 : i32
          %and3A_850 = vector.broadcast %and3A_849 : i32 to vector<16xi32>
          %and3A_851 = arith.andi %and3A_756, %and3A_850 : vector<16xi32>
          %mul3A_852 = arith.mulf %gather3A_803, %select_n3A : vector<16xf32>
          %scatter3A = arith.constant 0 : i32
          %scatter3A_853 = arith.constant 0 : i32
          %scatter3A_854 = arith.constant 0 : i32
          %scatter3A_855 = arith.constant 0 : i32
          %scatter3A_856 = tpu.memref_slice %arg8[%scatter3A, %scatter3A_853, %scatter3A_854, %scatter3A_855] : memref<2x8x8x128xf32, #tpu.memory_space<vmem>> -> memref<1x8x8x128xf32, #tpu.memory_space<vmem>>
          %scatter3A_857 = tpu.memref_squeeze %scatter3A_856 : memref<1x8x8x128xf32, #tpu.memory_space<vmem>> -> memref<8x8x128xf32, #tpu.memory_space<vmem>>
          tpu.vector_store_idx %scatter3A_857[%shift_right_arithmetic3A_848, %and3A_851, %add3A_739], %mul3A_852 : memref<8x8x128xf32, #tpu.memory_space<vmem>>[vector<16xi32>, vector<16xi32>, vector<16xi32>], vector<16xf32>,
          %shift_right_arithmetic3A_858 = arith.constant 3 : i32
          %shift_right_arithmetic3A_859 = vector.broadcast %shift_right_arithmetic3A_858 : i32 to vector<16xi32>
          %shift_right_arithmetic3A_860 = arith.shrsi %and3A_762, %shift_right_arithmetic3A_859 : vector<16xi32>
          %and3A_861 = arith.constant 7 : i32
          %and3A_862 = vector.broadcast %and3A_861 : i32 to vector<16xi32>
          %and3A_863 = arith.andi %and3A_762, %and3A_862 : vector<16xi32>
          %mul3A_864 = arith.mulf %gather3A_809, %select_n3A : vector<16xf32>
          %scatter3A_865 = arith.constant 0 : i32
          %scatter3A_866 = arith.constant 0 : i32
          %scatter3A_867 = arith.constant 0 : i32
          %scatter3A_868 = arith.constant 0 : i32
          %scatter3A_869 = tpu.memref_slice %arg8[%scatter3A_865, %scatter3A_866, %scatter3A_867, %scatter3A_868] : memref<2x8x8x128xf32, #tpu.memory_space<vmem>> -> memref<1x8x8x128xf32, #tpu.memory_space<vmem>>
          %scatter3A_870 = tpu.memref_squeeze %scatter3A_869 : memref<1x8x8x128xf32, #tpu.memory_space<vmem>> -> memref<8x8x128xf32, #tpu.memory_space<vmem>>
          tpu.vector_store_idx %scatter3A_870[%shift_right_arithmetic3A_860, %and3A_863, %add3A_739], %mul3A_864 : memref<8x8x128xf32, #tpu.memory_space<vmem>>[vector<16xi32>, vector<16xi32>, vector<16xi32>], vector<16xf32>,
          %shift_right_arithmetic3A_871 = arith.constant 3 : i32
          %shift_right_arithmetic3A_872 = vector.broadcast %shift_right_arithmetic3A_871 : i32 to vector<16xi32>
          %shift_right_arithmetic3A_873 = arith.shrsi %and3A_768, %shift_right_arithmetic3A_872 : vector<16xi32>
          %and3A_874 = arith.constant 7 : i32
          %and3A_875 = vector.broadcast %and3A_874 : i32 to vector<16xi32>
          %and3A_876 = arith.andi %and3A_768, %and3A_875 : vector<16xi32>
          %mul3A_877 = arith.mulf %gather3A_815, %select_n3A : vector<16xf32>
          %scatter3A_878 = arith.constant 0 : i32
          %scatter3A_879 = arith.constant 0 : i32
          %scatter3A_880 = arith.constant 0 : i32
          %scatter3A_881 = arith.constant 0 : i32
          %scatter3A_882 = tpu.memref_slice %arg8[%scatter3A_878, %scatter3A_879, %scatter3A_880, %scatter3A_881] : memref<2x8x8x128xf32, #tpu.memory_space<vmem>> -> memref<1x8x8x128xf32, #tpu.memory_space<vmem>>
          %scatter3A_883 = tpu.memref_squeeze %scatter3A_882 : memref<1x8x8x128xf32, #tpu.memory_space<vmem>> -> memref<8x8x128xf32, #tpu.memory_space<vmem>>
          tpu.vector_store_idx %scatter3A_883[%shift_right_arithmetic3A_873, %and3A_876, %add3A_739], %mul3A_877 : memref<8x8x128xf32, #tpu.memory_space<vmem>>[vector<16xi32>, vector<16xi32>, vector<16xi32>], vector<16xf32>,
          %shift_right_arithmetic3A_884 = arith.constant 3 : i32
          %shift_right_arithmetic3A_885 = vector.broadcast %shift_right_arithmetic3A_884 : i32 to vector<16xi32>
          %shift_right_arithmetic3A_886 = arith.shrsi %and3A_774, %shift_right_arithmetic3A_885 : vector<16xi32>
          %and3A_887 = arith.constant 7 : i32
          %and3A_888 = vector.broadcast %and3A_887 : i32 to vector<16xi32>
          %and3A_889 = arith.andi %and3A_774, %and3A_888 : vector<16xi32>
          %mul3A_890 = arith.mulf %gather3A_821, %select_n3A : vector<16xf32>
          %scatter3A_891 = arith.constant 0 : i32
          %scatter3A_892 = arith.constant 0 : i32
          %scatter3A_893 = arith.constant 0 : i32
          %scatter3A_894 = arith.constant 0 : i32
          %scatter3A_895 = tpu.memref_slice %arg8[%scatter3A_891, %scatter3A_892, %scatter3A_893, %scatter3A_894] : memref<2x8x8x128xf32, #tpu.memory_space<vmem>> -> memref<1x8x8x128xf32, #tpu.memory_space<vmem>>
          %scatter3A_896 = tpu.memref_squeeze %scatter3A_895 : memref<1x8x8x128xf32, #tpu.memory_space<vmem>> -> memref<8x8x128xf32, #tpu.memory_space<vmem>>
          tpu.vector_store_idx %scatter3A_896[%shift_right_arithmetic3A_886, %and3A_889, %add3A_739], %mul3A_890 : memref<8x8x128xf32, #tpu.memory_space<vmem>>[vector<16xi32>, vector<16xi32>, vector<16xi32>], vector<16xf32>,
          %shift_right_arithmetic3A_897 = arith.constant 3 : i32
          %shift_right_arithmetic3A_898 = vector.broadcast %shift_right_arithmetic3A_897 : i32 to vector<16xi32>
          %shift_right_arithmetic3A_899 = arith.shrsi %and3A_780, %shift_right_arithmetic3A_898 : vector<16xi32>
          %and3A_900 = arith.constant 7 : i32
          %and3A_901 = vector.broadcast %and3A_900 : i32 to vector<16xi32>
          %and3A_902 = arith.andi %and3A_780, %and3A_901 : vector<16xi32>
          %mul3A_903 = arith.mulf %gather3A_827, %select_n3A : vector<16xf32>
          %scatter3A_904 = arith.constant 0 : i32
          %scatter3A_905 = arith.constant 0 : i32
          %scatter3A_906 = arith.constant 0 : i32
          %scatter3A_907 = arith.constant 0 : i32
          %scatter3A_908 = tpu.memref_slice %arg8[%scatter3A_904, %scatter3A_905, %scatter3A_906, %scatter3A_907] : memref<2x8x8x128xf32, #tpu.memory_space<vmem>> -> memref<1x8x8x128xf32, #tpu.memory_space<vmem>>
          %scatter3A_909 = tpu.memref_squeeze %scatter3A_908 : memref<1x8x8x128xf32, #tpu.memory_space<vmem>> -> memref<8x8x128xf32, #tpu.memory_space<vmem>>
          tpu.vector_store_idx %scatter3A_909[%shift_right_arithmetic3A_899, %and3A_902, %add3A_739], %mul3A_903 : memref<8x8x128xf32, #tpu.memory_space<vmem>>[vector<16xi32>, vector<16xi32>, vector<16xi32>], vector<16xf32>,
          %shift_right_arithmetic3A_910 = arith.constant 3 : i32
          %shift_right_arithmetic3A_911 = vector.broadcast %shift_right_arithmetic3A_910 : i32 to vector<16xi32>
          %shift_right_arithmetic3A_912 = arith.shrsi %and3A_786, %shift_right_arithmetic3A_911 : vector<16xi32>
          %and3A_913 = arith.constant 7 : i32
          %and3A_914 = vector.broadcast %and3A_913 : i32 to vector<16xi32>
          %and3A_915 = arith.andi %and3A_786, %and3A_914 : vector<16xi32>
          %mul3A_916 = arith.mulf %gather3A_833, %select_n3A : vector<16xf32>
          %scatter3A_917 = arith.constant 0 : i32
          %scatter3A_918 = arith.constant 0 : i32
          %scatter3A_919 = arith.constant 0 : i32
          %scatter3A_920 = arith.constant 0 : i32
          %scatter3A_921 = tpu.memref_slice %arg8[%scatter3A_917, %scatter3A_918, %scatter3A_919, %scatter3A_920] : memref<2x8x8x128xf32, #tpu.memory_space<vmem>> -> memref<1x8x8x128xf32, #tpu.memory_space<vmem>>
          %scatter3A_922 = tpu.memref_squeeze %scatter3A_921 : memref<1x8x8x128xf32, #tpu.memory_space<vmem>> -> memref<8x8x128xf32, #tpu.memory_space<vmem>>
          tpu.vector_store_idx %scatter3A_922[%shift_right_arithmetic3A_912, %and3A_915, %add3A_739], %mul3A_916 : memref<8x8x128xf32, #tpu.memory_space<vmem>>[vector<16xi32>, vector<16xi32>, vector<16xi32>], vector<16xf32>,
          %shift_right_arithmetic3A_923 = arith.constant 3 : i32
          %shift_right_arithmetic3A_924 = vector.broadcast %shift_right_arithmetic3A_923 : i32 to vector<16xi32>
          %shift_right_arithmetic3A_925 = arith.shrsi %and3A_792, %shift_right_arithmetic3A_924 : vector<16xi32>
          %and3A_926 = arith.constant 7 : i32
          %and3A_927 = vector.broadcast %and3A_926 : i32 to vector<16xi32>
          %and3A_928 = arith.andi %and3A_792, %and3A_927 : vector<16xi32>
          %mul3A_929 = arith.mulf %gather3A_839, %select_n3A : vector<16xf32>
          %scatter3A_930 = arith.constant 0 : i32
          %scatter3A_931 = arith.constant 0 : i32
          %scatter3A_932 = arith.constant 0 : i32
          %scatter3A_933 = arith.constant 0 : i32
          %scatter3A_934 = tpu.memref_slice %arg8[%scatter3A_930, %scatter3A_931, %scatter3A_932, %scatter3A_933] : memref<2x8x8x128xf32, #tpu.memory_space<vmem>> -> memref<1x8x8x128xf32, #tpu.memory_space<vmem>>
          %scatter3A_935 = tpu.memref_squeeze %scatter3A_934 : memref<1x8x8x128xf32, #tpu.memory_space<vmem>> -> memref<8x8x128xf32, #tpu.memory_space<vmem>>
          tpu.vector_store_idx %scatter3A_935[%shift_right_arithmetic3A_925, %and3A_928, %add3A_739], %mul3A_929 : memref<8x8x128xf32, #tpu.memory_space<vmem>>[vector<16xi32>, vector<16xi32>, vector<16xi32>], vector<16xf32>,
          %shift_right_arithmetic3A_936 = arith.constant 3 : i32
          %shift_right_arithmetic3A_937 = vector.broadcast %shift_right_arithmetic3A_936 : i32 to vector<16xi32>
          %shift_right_arithmetic3A_938 = arith.shrsi %and3A_798, %shift_right_arithmetic3A_937 : vector<16xi32>
          %and3A_939 = arith.constant 7 : i32
          %and3A_940 = vector.broadcast %and3A_939 : i32 to vector<16xi32>
          %and3A_941 = arith.andi %and3A_798, %and3A_940 : vector<16xi32>
          %mul3A_942 = arith.mulf %gather3A_845, %select_n3A : vector<16xf32>
          %scatter3A_943 = arith.constant 0 : i32
          %scatter3A_944 = arith.constant 0 : i32
          %scatter3A_945 = arith.constant 0 : i32
          %scatter3A_946 = arith.constant 0 : i32
          %scatter3A_947 = tpu.memref_slice %arg8[%scatter3A_943, %scatter3A_944, %scatter3A_945, %scatter3A_946] : memref<2x8x8x128xf32, #tpu.memory_space<vmem>> -> memref<1x8x8x128xf32, #tpu.memory_space<vmem>>
          %scatter3A_948 = tpu.memref_squeeze %scatter3A_947 : memref<1x8x8x128xf32, #tpu.memory_space<vmem>> -> memref<8x8x128xf32, #tpu.memory_space<vmem>>
          tpu.vector_store_idx %scatter3A_948[%shift_right_arithmetic3A_938, %and3A_941, %add3A_739], %mul3A_942 : memref<8x8x128xf32, #tpu.memory_space<vmem>>[vector<16xi32>, vector<16xi32>, vector<16xi32>], vector<16xf32>,
        }
        %scan3A_744 = arith.constant 8 : i32
      }
      %scan3A_524 = arith.constant 8 : i32
      %mul3A_525 = arith.constant 4 : i32
      %mul3A_526 = arith.muli %add3A, %mul3A_525 : i32
      %add3A_527 = arith.constant 0 : i32
      %add3A_528 = arith.addi %mul3A_526, %add3A_527 : i32
      %dma_start3A_529 = arith.constant 0 : i32
      %dma_start3A_530 = arith.constant 0 : i32
      %dma_start3A_531 = arith.constant 0 : i32
      %dma_start3A_532 = arith.constant 0 : i32
      %dma_start3A_533 = tpu.memref_slice %arg8[%dma_start3A_529, %dma_start3A_530, %dma_start3A_531, %dma_start3A_532] : memref<2x8x8x128xf32, #tpu.memory_space<vmem>> -> memref<1x8x8x128xf32, #tpu.memory_space<vmem>>
      %dma_start3A_534 = tpu.memref_squeeze %dma_start3A_533 : memref<1x8x8x128xf32, #tpu.memory_space<vmem>> -> memref<8x8x128xf32, #tpu.memory_space<vmem>>
      %dma_start3A_535 = arith.constant 0 : i32
      %dma_start3A_536 = arith.constant 0 : i32
      %dma_start3A_537 = arith.constant 0 : i32
      %dma_start3A_538 = tpu.memref_slice %arg4[%shift_right_arithmetic3A_499, %dma_start3A_535, %add3A_528, %dma_start3A_536, %dma_start3A_537] : memref<50x8x128x8x128xf32, #tpu.memory_space<hbm>> -> memref<1x8x1x8x128xf32, #tpu.memory_space<hbm>>
      %dma_start3A_539 = tpu.memref_squeeze %dma_start3A_538 : memref<1x8x1x8x128xf32, #tpu.memory_space<hbm>> -> memref<8x8x128xf32, #tpu.memory_space<hbm>>
      %dma_start3A_540 = arith.constant 0 : i32
      %dma_start3A_541 = arith.constant 0 : i32
      %dma_start3A_542 = arith.constant 0 : i32
      %dma_start3A_543 = tpu.memref_slice %arg4[%shift_right_arithmetic3A_499, %dma_start3A_540, %add3A_528, %dma_start3A_541, %dma_start3A_542] : memref<50x8x128x8x128xf32, #tpu.memory_space<hbm>> -> memref<1x8x1x8x128xf32, #tpu.memory_space<hbm>>
      %dma_start3A_544 = tpu.memref_squeeze %dma_start3A_543 : memref<1x8x1x8x128xf32, #tpu.memory_space<hbm>> -> memref<8x8x128xf32, #tpu.memory_space<hbm>>
      %dma_start3A_545 = arith.constant 0 : i32
      %dma_start3A_546 = arith.constant 0 : i32
      %dma_start3A_547 = arith.constant 0 : i32
      %dma_start3A_548 = tpu.memref_slice %arg8[%dma_start3A_529, %dma_start3A_545, %dma_start3A_546, %dma_start3A_547] : memref<2x8x8x128xf32, #tpu.memory_space<vmem>> -> memref<1x8x8x128xf32, #tpu.memory_space<vmem>>
      %dma_start3A_549 = tpu.memref_squeeze %dma_start3A_548 : memref<1x8x8x128xf32, #tpu.memory_space<vmem>> -> memref<8x8x128xf32, #tpu.memory_space<vmem>>
      tpu.enqueue_dma source(%dma_start3A_549 : memref<8x8x128xf32, #tpu.memory_space<vmem>>) target(%dma_start3A_544 : memref<8x8x128xf32, #tpu.memory_space<hbm>>) target_semaphore(%arg13 : memref<!tpu.dma_semaphore, #tpu.memory_space<semaphore_mem>>)
      %add3A_550 = arith.constant 1 : i32
      %add3A_551 = arith.addi %add3A_496, %add3A_550 : i32
      %shift_right_arithmetic3A_552 = arith.constant 2 : i32
      %shift_right_arithmetic3A_553 = arith.shrsi %add3A_551, %shift_right_arithmetic3A_552 : i32
      %add3A_554 = arith.constant 3 : i32
      %add3A_555 = arith.addi %add3A_551, %add3A_554 : i32
      %lt3A_556 = arith.constant 200 : i32
      %lt3A_557 = arith.cmpi slt, %add3A_555, %lt3A_556 : i32
      %convert_element_type3A_558 = arith.extui %lt3A_557 : i1 to i32
      %cond3A_559 = arith.constant 0 : i32
      %cond3A_560 = arith.cmpi ne, %convert_element_type3A_558, %cond3A_559 : i32
      scf.if %cond3A_560 {
        %shift_right_arithmetic3A_724 = arith.constant 2 : i32
        %shift_right_arithmetic3A_725 = arith.shrsi %add3A_555, %shift_right_arithmetic3A_724 : i32
        %get3A_726 = arith.constant 0 : i32
        %get3A_727 = arith.index_cast %get3A_726 : i32 to index
        %get3A_728 = arith.index_cast %shift_right_arithmetic3A_725 : i32 to index
        %get3A_729 = arith.constant 0 : index
        %get3A_730 = tpu.vector_load %arg5[%get3A_727, %get3A_728, %get3A_729] {strides = array<i32>} : memref<4x50x128xi32, #tpu.memory_space<vmem>>, vector<16xi32>,
        %sub3A_731 = arith.constant 1 : i32
        %sub3A_732 = vector.broadcast %sub3A_731 : i32 to vector<16xi32>
        %sub3A_733 = arith.subi %get3A_730, %sub3A_732 : vector<16xi32>
        %max3A_734 = arith.constant 0 : i32
        %max3A_735 = vector.broadcast %max3A_734 : i32 to vector<16xi32>
        %max3A_736 = arith.maxsi %sub3A_733, %max3A_735 : vector<16xi32>
        %swap3A_737 = arith.constant 0 : i32
        %swap3A_738 = arith.index_cast %swap3A_737 : i32 to index
        %swap3A_739 = arith.constant 0 : index
        %swap3A_740 = tpu.vector_load %arg6[%swap3A_738, %swap3A_739] {strides = array<i32>} : memref<4x128xi32, #tpu.memory_space<vmem>>, vector<16xi32>,
        tpu.vector_store %arg6[%swap3A_738, %swap3A_739], %max3A_736 {strides = array<i32>} : memref<4x128xi32, #tpu.memory_space<vmem>>, vector<16xi32>,
        %get3A_741 = arith.constant 0 : i32
        %get3A_742 = arith.index_cast %get3A_741 : i32 to index
        %get3A_743 = arith.index_cast %shift_right_arithmetic3A_725 : i32 to index
        %get3A_744 = arith.constant 16 : index
        %get3A_745 = tpu.vector_load %arg5[%get3A_742, %get3A_743, %get3A_744] {strides = array<i32>} : memref<4x50x128xi32, #tpu.memory_space<vmem>>, vector<16xi32>,
        %sub3A_746 = arith.constant 1 : i32
        %sub3A_747 = vector.broadcast %sub3A_746 : i32 to vector<16xi32>
        %sub3A_748 = arith.subi %get3A_745, %sub3A_747 : vector<16xi32>
        %max3A_749 = arith.constant 0 : i32
        %max3A_750 = vector.broadcast %max3A_749 : i32 to vector<16xi32>
        %max3A_751 = arith.maxsi %sub3A_748, %max3A_750 : vector<16xi32>
        %swap3A_752 = arith.constant 0 : i32
        %swap3A_753 = arith.index_cast %swap3A_752 : i32 to index
        %swap3A_754 = arith.constant 16 : index
        %swap3A_755 = tpu.vector_load %arg6[%swap3A_753, %swap3A_754] {strides = array<i32>} : memref<4x128xi32, #tpu.memory_space<vmem>>, vector<16xi32>,
        tpu.vector_store %arg6[%swap3A_753, %swap3A_754], %max3A_751 {strides = array<i32>} : memref<4x128xi32, #tpu.memory_space<vmem>>, vector<16xi32>,
        %get3A_756 = arith.constant 0 : i32
        %get3A_757 = arith.index_cast %get3A_756 : i32 to index
        %get3A_758 = arith.index_cast %shift_right_arithmetic3A_725 : i32 to index
        %get3A_759 = arith.constant 32 : index
        %get3A_760 = tpu.vector_load %arg5[%get3A_757, %get3A_758, %get3A_759] {strides = array<i32>} : memref<4x50x128xi32, #tpu.memory_space<vmem>>, vector<16xi32>,
        %sub3A_761 = arith.constant 1 : i32
        %sub3A_762 = vector.broadcast %sub3A_761 : i32 to vector<16xi32>
        %sub3A_763 = arith.subi %get3A_760, %sub3A_762 : vector<16xi32>
        %max3A_764 = arith.constant 0 : i32
        %max3A_765 = vector.broadcast %max3A_764 : i32 to vector<16xi32>
        %max3A_766 = arith.maxsi %sub3A_763, %max3A_765 : vector<16xi32>
        %swap3A_767 = arith.constant 0 : i32
        %swap3A_768 = arith.index_cast %swap3A_767 : i32 to index
        %swap3A_769 = arith.constant 32 : index
        %swap3A_770 = tpu.vector_load %arg6[%swap3A_768, %swap3A_769] {strides = array<i32>} : memref<4x128xi32, #tpu.memory_space<vmem>>, vector<16xi32>,
        tpu.vector_store %arg6[%swap3A_768, %swap3A_769], %max3A_766 {strides = array<i32>} : memref<4x128xi32, #tpu.memory_space<vmem>>, vector<16xi32>,
        %get3A_771 = arith.constant 0 : i32
        %get3A_772 = arith.index_cast %get3A_771 : i32 to index
        %get3A_773 = arith.index_cast %shift_right_arithmetic3A_725 : i32 to index
        %get3A_774 = arith.constant 48 : index
        %get3A_775 = tpu.vector_load %arg5[%get3A_772, %get3A_773, %get3A_774] {strides = array<i32>} : memref<4x50x128xi32, #tpu.memory_space<vmem>>, vector<16xi32>,
        %sub3A_776 = arith.constant 1 : i32
        %sub3A_777 = vector.broadcast %sub3A_776 : i32 to vector<16xi32>
        %sub3A_778 = arith.subi %get3A_775, %sub3A_777 : vector<16xi32>
        %max3A_779 = arith.constant 0 : i32
        %max3A_780 = vector.broadcast %max3A_779 : i32 to vector<16xi32>
        %max3A_781 = arith.maxsi %sub3A_778, %max3A_780 : vector<16xi32>
        %swap3A_782 = arith.constant 0 : i32
        %swap3A_783 = arith.index_cast %swap3A_782 : i32 to index
        %swap3A_784 = arith.constant 48 : index
        %swap3A_785 = tpu.vector_load %arg6[%swap3A_783, %swap3A_784] {strides = array<i32>} : memref<4x128xi32, #tpu.memory_space<vmem>>, vector<16xi32>,
        tpu.vector_store %arg6[%swap3A_783, %swap3A_784], %max3A_781 {strides = array<i32>} : memref<4x128xi32, #tpu.memory_space<vmem>>, vector<16xi32>,
        %get3A_786 = arith.constant 0 : i32
        %get3A_787 = arith.index_cast %get3A_786 : i32 to index
        %get3A_788 = arith.index_cast %shift_right_arithmetic3A_725 : i32 to index
        %get3A_789 = arith.constant 64 : index
        %get3A_790 = tpu.vector_load %arg5[%get3A_787, %get3A_788, %get3A_789] {strides = array<i32>} : memref<4x50x128xi32, #tpu.memory_space<vmem>>, vector<16xi32>,
        %sub3A_791 = arith.constant 1 : i32
        %sub3A_792 = vector.broadcast %sub3A_791 : i32 to vector<16xi32>
        %sub3A_793 = arith.subi %get3A_790, %sub3A_792 : vector<16xi32>
        %max3A_794 = arith.constant 0 : i32
        %max3A_795 = vector.broadcast %max3A_794 : i32 to vector<16xi32>
        %max3A_796 = arith.maxsi %sub3A_793, %max3A_795 : vector<16xi32>
        %swap3A_797 = arith.constant 0 : i32
        %swap3A_798 = arith.index_cast %swap3A_797 : i32 to index
        %swap3A_799 = arith.constant 64 : index
        %swap3A_800 = tpu.vector_load %arg6[%swap3A_798, %swap3A_799] {strides = array<i32>} : memref<4x128xi32, #tpu.memory_space<vmem>>, vector<16xi32>,
        tpu.vector_store %arg6[%swap3A_798, %swap3A_799], %max3A_796 {strides = array<i32>} : memref<4x128xi32, #tpu.memory_space<vmem>>, vector<16xi32>,
        %get3A_801 = arith.constant 0 : i32
        %get3A_802 = arith.index_cast %get3A_801 : i32 to index
        %get3A_803 = arith.index_cast %shift_right_arithmetic3A_725 : i32 to index
        %get3A_804 = arith.constant 80 : index
        %get3A_805 = tpu.vector_load %arg5[%get3A_802, %get3A_803, %get3A_804] {strides = array<i32>} : memref<4x50x128xi32, #tpu.memory_space<vmem>>, vector<16xi32>,
        %sub3A_806 = arith.constant 1 : i32
        %sub3A_807 = vector.broadcast %sub3A_806 : i32 to vector<16xi32>
        %sub3A_808 = arith.subi %get3A_805, %sub3A_807 : vector<16xi32>
        %max3A_809 = arith.constant 0 : i32
        %max3A_810 = vector.broadcast %max3A_809 : i32 to vector<16xi32>
        %max3A_811 = arith.maxsi %sub3A_808, %max3A_810 : vector<16xi32>
        %swap3A_812 = arith.constant 0 : i32
        %swap3A_813 = arith.index_cast %swap3A_812 : i32 to index
        %swap3A_814 = arith.constant 80 : index
        %swap3A_815 = tpu.vector_load %arg6[%swap3A_813, %swap3A_814] {strides = array<i32>} : memref<4x128xi32, #tpu.memory_space<vmem>>, vector<16xi32>,
        tpu.vector_store %arg6[%swap3A_813, %swap3A_814], %max3A_811 {strides = array<i32>} : memref<4x128xi32, #tpu.memory_space<vmem>>, vector<16xi32>,
        %get3A_816 = arith.constant 0 : i32
        %get3A_817 = arith.index_cast %get3A_816 : i32 to index
        %get3A_818 = arith.index_cast %shift_right_arithmetic3A_725 : i32 to index
        %get3A_819 = arith.constant 96 : index
        %get3A_820 = tpu.vector_load %arg5[%get3A_817, %get3A_818, %get3A_819] {strides = array<i32>} : memref<4x50x128xi32, #tpu.memory_space<vmem>>, vector<16xi32>,
        %sub3A_821 = arith.constant 1 : i32
        %sub3A_822 = vector.broadcast %sub3A_821 : i32 to vector<16xi32>
        %sub3A_823 = arith.subi %get3A_820, %sub3A_822 : vector<16xi32>
        %max3A_824 = arith.constant 0 : i32
        %max3A_825 = vector.broadcast %max3A_824 : i32 to vector<16xi32>
        %max3A_826 = arith.maxsi %sub3A_823, %max3A_825 : vector<16xi32>
        %swap3A_827 = arith.constant 0 : i32
        %swap3A_828 = arith.index_cast %swap3A_827 : i32 to index
        %swap3A_829 = arith.constant 96 : index
        %swap3A_830 = tpu.vector_load %arg6[%swap3A_828, %swap3A_829] {strides = array<i32>} : memref<4x128xi32, #tpu.memory_space<vmem>>, vector<16xi32>,
        tpu.vector_store %arg6[%swap3A_828, %swap3A_829], %max3A_826 {strides = array<i32>} : memref<4x128xi32, #tpu.memory_space<vmem>>, vector<16xi32>,
        %get3A_831 = arith.constant 0 : i32
        %get3A_832 = arith.index_cast %get3A_831 : i32 to index
        %get3A_833 = arith.index_cast %shift_right_arithmetic3A_725 : i32 to index
        %get3A_834 = arith.constant 112 : index
        %get3A_835 = tpu.vector_load %arg5[%get3A_832, %get3A_833, %get3A_834] {strides = array<i32>} : memref<4x50x128xi32, #tpu.memory_space<vmem>>, vector<16xi32>,
        %sub3A_836 = arith.constant 1 : i32
        %sub3A_837 = vector.broadcast %sub3A_836 : i32 to vector<16xi32>
        %sub3A_838 = arith.subi %get3A_835, %sub3A_837 : vector<16xi32>
        %max3A_839 = arith.constant 0 : i32
        %max3A_840 = vector.broadcast %max3A_839 : i32 to vector<16xi32>
        %max3A_841 = arith.maxsi %sub3A_838, %max3A_840 : vector<16xi32>
        %swap3A_842 = arith.constant 0 : i32
        %swap3A_843 = arith.index_cast %swap3A_842 : i32 to index
        %swap3A_844 = arith.constant 112 : index
        %swap3A_845 = tpu.vector_load %arg6[%swap3A_843, %swap3A_844] {strides = array<i32>} : memref<4x128xi32, #tpu.memory_space<vmem>>, vector<16xi32>,
        tpu.vector_store %arg6[%swap3A_843, %swap3A_844], %max3A_841 {strides = array<i32>} : memref<4x128xi32, #tpu.memory_space<vmem>>, vector<16xi32>,
        %dma_start3A_846 = arith.constant 0 : i32
        %dma_start3A_847 = arith.constant 0 : i32
        %dma_start3A_848 = arith.constant 0 : i32
        %dma_start3A_849 = arith.constant 0 : i32
        %dma_start3A_850 = tpu.memref_slice %arg7[%dma_start3A_847, %dma_start3A_848, %dma_start3A_849] : memref<4x128x64xf32, #tpu.memory_space<vmem>> -> memref<1x128x64xf32, #tpu.memory_space<vmem>>
        %dma_start3A_851 = tpu.memref_squeeze %dma_start3A_850 : memref<1x128x64xf32, #tpu.memory_space<vmem>> -> memref<128x64xf32, #tpu.memory_space<vmem>>
        %dma_start3A_852 = arith.constant 0 : i32
        %dma_start3A_853 = tpu.memref_slice %arg6[%dma_start3A_846, %dma_start3A_852] : memref<4x128xi32, #tpu.memory_space<vmem>> -> memref<1x128xi32, #tpu.memory_space<vmem>>
        %dma_start3A_854 = tpu.memref_squeeze %dma_start3A_853 : memref<1x128xi32, #tpu.memory_space<vmem>> -> memref<128xi32, #tpu.memory_space<vmem>>
        %dma_start3A_855 = arith.constant 0 : i32
        %dma_start3A_856 = arith.constant 0 : i32
        %dma_start3A_857 = tpu.memref_slice %arg3[%dma_start3A_855, %dma_start3A_856] : memref<999999x64xf32, #tpu.memory_space<hbm>> -> memref<999999x64xf32, #tpu.memory_space<hbm>>
        tpu.enqueue_indirect_dma source(%dma_start3A_857 : memref<999999x64xf32, #tpu.memory_space<hbm>>) target(%dma_start3A_851 : memref<128x64xf32, #tpu.memory_space<vmem>>) offsets(%dma_start3A_854 : memref<128xi32, #tpu.memory_space<vmem>>) semaphore(%arg9 : memref<!tpu.dma_semaphore, #tpu.memory_space<semaphore_mem>>)
      } else {
      }
      %dma_wait3A_561 = arith.constant 1 : i32
      %dma_wait3A_562 = arith.constant 1 : i32
      %dma_wait3A_563 = arith.constant 0 : i32
      %dma_wait3A_564 = arith.constant 0 : i32
      %dma_wait3A_565 = tpu.memref_slice %arg7[%dma_wait3A_562, %dma_wait3A_563, %dma_wait3A_564] : memref<4x128x64xf32, #tpu.memory_space<vmem>> -> memref<1x128x64xf32, #tpu.memory_space<vmem>>
      %dma_wait3A_566 = tpu.memref_squeeze %dma_wait3A_565 : memref<1x128x64xf32, #tpu.memory_space<vmem>> -> memref<128x64xf32, #tpu.memory_space<vmem>>
      %dma_wait3A_567 = arith.constant 0 : i32
      %dma_wait3A_568 = tpu.memref_slice %arg6[%dma_wait3A_561, %dma_wait3A_567] : memref<4x128xi32, #tpu.memory_space<vmem>> -> memref<1x128xi32, #tpu.memory_space<vmem>>
      %dma_wait3A_569 = tpu.memref_squeeze %dma_wait3A_568 : memref<1x128xi32, #tpu.memory_space<vmem>> -> memref<128xi32, #tpu.memory_space<vmem>>
      %dma_wait3A_570 = arith.constant 0 : i32
      %dma_wait3A_571 = arith.constant 0 : i32
      %dma_wait3A_572 = tpu.memref_slice %arg3[%dma_wait3A_570, %dma_wait3A_571] : memref<999999x64xf32, #tpu.memory_space<hbm>> -> memref<999999x64xf32, #tpu.memory_space<hbm>>
      tpu.wait_indirect_dma semaphore(%arg10 : memref<!tpu.dma_semaphore, #tpu.memory_space<semaphore_mem>>) src(%dma_wait3A_572 : memref<999999x64xf32, #tpu.memory_space<hbm>>) dst(%dma_wait3A_566 : memref<128x64xf32, #tpu.memory_space<vmem>>)
      %ge3A_573 = arith.constant 2 : i32
      %ge3A_574 = arith.cmpi sge, %add3A_551, %ge3A_573 : i32
      %convert_element_type3A_575 = arith.extui %ge3A_574 : i1 to i32
      %cond3A_576 = arith.constant 0 : i32
      %cond3A_577 = arith.cmpi ne, %convert_element_type3A_575, %cond3A_576 : i32
      scf.if %cond3A_577 {
        %dma_wait3A_724 = arith.constant 0 : i32
        %dma_wait3A_725 = arith.constant 0 : i32
        %dma_wait3A_726 = arith.constant 1 : i32
        %dma_wait3A_727 = arith.constant 0 : i32
        %dma_wait3A_728 = arith.constant 0 : i32
        %dma_wait3A_729 = arith.constant 0 : i32
        %dma_wait3A_730 = tpu.memref_slice %arg8[%dma_wait3A_726, %dma_wait3A_727, %dma_wait3A_728, %dma_wait3A_729] : memref<2x8x8x128xf32, #tpu.memory_space<vmem>> -> memref<1x8x8x128xf32, #tpu.memory_space<vmem>>
        %dma_wait3A_731 = tpu.memref_squeeze %dma_wait3A_730 : memref<1x8x8x128xf32, #tpu.memory_space<vmem>> -> memref<8x8x128xf32, #tpu.memory_space<vmem>>
        %dma_wait3A_732 = arith.constant 0 : i32
        %dma_wait3A_733 = arith.constant 0 : i32
        %dma_wait3A_734 = arith.constant 0 : i32
        %dma_wait3A_735 = tpu.memref_slice %arg4[%dma_wait3A_724, %dma_wait3A_732, %dma_wait3A_725, %dma_wait3A_733, %dma_wait3A_734] : memref<50x8x128x8x128xf32, #tpu.memory_space<hbm>> -> memref<1x8x1x8x128xf32, #tpu.memory_space<hbm>>
        %dma_wait3A_736 = tpu.memref_squeeze %dma_wait3A_735 : memref<1x8x1x8x128xf32, #tpu.memory_space<hbm>> -> memref<8x8x128xf32, #tpu.memory_space<hbm>>
        %dma_wait3A_737 = arith.constant 0 : i32
        %dma_wait3A_738 = arith.constant 0 : i32
        %dma_wait3A_739 = arith.constant 0 : i32
        %dma_wait3A_740 = tpu.memref_slice %arg8[%dma_wait3A_726, %dma_wait3A_737, %dma_wait3A_738, %dma_wait3A_739] : memref<2x8x8x128xf32, #tpu.memory_space<vmem>> -> memref<1x8x8x128xf32, #tpu.memory_space<vmem>>
        %dma_wait3A_741 = tpu.memref_squeeze %dma_wait3A_740 : memref<1x8x8x128xf32, #tpu.memory_space<vmem>> -> memref<8x8x128xf32, #tpu.memory_space<vmem>>
        %dma_wait3A_742 = arith.constant 0 : i32
        %dma_wait3A_743 = arith.constant 0 : i32
        %dma_wait3A_744 = arith.constant 0 : i32
        %dma_wait3A_745 = tpu.memref_slice %arg4[%dma_wait3A_724, %dma_wait3A_742, %dma_wait3A_725, %dma_wait3A_743, %dma_wait3A_744] : memref<50x8x128x8x128xf32, #tpu.memory_space<hbm>> -> memref<1x8x1x8x128xf32, #tpu.memory_space<hbm>>
        %dma_wait3A_746 = tpu.memref_squeeze %dma_wait3A_745 : memref<1x8x1x8x128xf32, #tpu.memory_space<hbm>> -> memref<8x8x128xf32, #tpu.memory_space<hbm>>
        tpu.wait_dma2 semaphore(%arg14 : memref<!tpu.dma_semaphore, #tpu.memory_space<semaphore_mem>>) src(%dma_wait3A_746 : memref<8x8x128xf32, #tpu.memory_space<hbm>>) dst(%dma_wait3A_741 : memref<8x8x128xf32, #tpu.memory_space<vmem>>)
      } else {
      }
      %scan3A_578 = arith.constant 0 : i32
      %scan3A_579 = arith.constant 8 : i32
      %scan3A_580 = arith.addi %scan3A_578, %scan3A_579 : i32
      %scan3A_581 = arith.constant 1 : i32
      scf.for %scan3A_724 = %scan3A_578 to %scan3A_580 step %scan3A_581  : i32 {
        %mul3A_725 = arith.constant 16 : i32
        %mul3A_726 = arith.muli %scan3A_724, %mul3A_725 : i32
        %add3A_727 = arith.constant 0 : i32
        %add3A_728 = arith.addi %add3A_727, %mul3A_726 : i32
        %get3A_729 = arith.constant 1 : i32
        %get3A_730 = arith.index_cast %get3A_729 : i32 to index
        %get3A_731 = arith.index_cast %shift_right_arithmetic3A_553 : i32 to index
        %get3A_732 = arith.index_cast %add3A_728 : i32 to index
        %get3A_733 = tpu.vector_load %arg5[%get3A_730, %get3A_731, %get3A_732] {strides = array<i32>} : memref<4x50x128xi32, #tpu.memory_space<vmem>>, vector<16xi32>,
        %eq3A = arith.constant 0 : i32
        %eq3A_734 = vector.broadcast %eq3A : i32 to vector<16xi32>
        %eq3A_735 = arith.cmpi eq, %get3A_733, %eq3A_734 : vector<16xi32>
        %jit3A = arith.constant 0.000000e+00 : f32
        %jit3A_736 = arith.constant 8.000000e+00 : f32
        %broadcast_in_dim3A = vector.broadcast %jit3A : f32 to vector<16xf32>
        %broadcast_in_dim3A_737 = vector.broadcast %jit3A_736 : f32 to vector<16xf32>
        %select_n3A = arith.select %eq3A_735, %broadcast_in_dim3A, %broadcast_in_dim3A_737 : vector<16xi1>, vector<16xf32>
        %iota3A = tpu.iota {dimensions = array<i32: 0>} : vector<16xi32>
        %add3A_738 = vector.broadcast %add3A_728 : i32 to vector<16xi32>
        %add3A_739 = arith.addi %iota3A, %add3A_738 : vector<16xi32>
        %scan3A_740 = arith.constant 0 : i32
        %scan3A_741 = arith.constant 8 : i32
        %scan3A_742 = arith.addi %scan3A_740, %scan3A_741 : i32
        %scan3A_743 = arith.constant 1 : i32
        scf.for %scan3A_745 = %scan3A_740 to %scan3A_742 step %scan3A_743  : i32 {
          %mul3A_746 = arith.constant 8 : i32
          %mul3A_747 = arith.muli %scan3A_745, %mul3A_746 : i32
          %add3A_748 = arith.constant 0 : i32
          %add3A_749 = arith.addi %add3A_748, %mul3A_747 : i32
          %add3A_750 = vector.broadcast %add3A_749 : i32 to vector<16xi32>
          %add3A_751 = arith.addi %iota3A, %add3A_750 : vector<16xi32>
          %add3A_752 = arith.constant 0 : i32
          %add3A_753 = vector.broadcast %add3A_752 : i32 to vector<16xi32>
          %add3A_754 = arith.addi %add3A_751, %add3A_753 : vector<16xi32>
          %and3A = arith.constant 63 : i32
          %and3A_755 = vector.broadcast %and3A : i32 to vector<16xi32>
          %and3A_756 = arith.andi %add3A_754, %and3A_755 : vector<16xi32>
          %add3A_757 = arith.constant 1 : i32
          %add3A_758 = vector.broadcast %add3A_757 : i32 to vector<16xi32>
          %add3A_759 = arith.addi %add3A_751, %add3A_758 : vector<16xi32>
          %and3A_760 = arith.constant 63 : i32
          %and3A_761 = vector.broadcast %and3A_760 : i32 to vector<16xi32>
          %and3A_762 = arith.andi %add3A_759, %and3A_761 : vector<16xi32>
          %add3A_763 = arith.constant 2 : i32
          %add3A_764 = vector.broadcast %add3A_763 : i32 to vector<16xi32>
          %add3A_765 = arith.addi %add3A_751, %add3A_764 : vector<16xi32>
          %and3A_766 = arith.constant 63 : i32
          %and3A_767 = vector.broadcast %and3A_766 : i32 to vector<16xi32>
          %and3A_768 = arith.andi %add3A_765, %and3A_767 : vector<16xi32>
          %add3A_769 = arith.constant 3 : i32
          %add3A_770 = vector.broadcast %add3A_769 : i32 to vector<16xi32>
          %add3A_771 = arith.addi %add3A_751, %add3A_770 : vector<16xi32>
          %and3A_772 = arith.constant 63 : i32
          %and3A_773 = vector.broadcast %and3A_772 : i32 to vector<16xi32>
          %and3A_774 = arith.andi %add3A_771, %and3A_773 : vector<16xi32>
          %add3A_775 = arith.constant 4 : i32
          %add3A_776 = vector.broadcast %add3A_775 : i32 to vector<16xi32>
          %add3A_777 = arith.addi %add3A_751, %add3A_776 : vector<16xi32>
          %and3A_778 = arith.constant 63 : i32
          %and3A_779 = vector.broadcast %and3A_778 : i32 to vector<16xi32>
          %and3A_780 = arith.andi %add3A_777, %and3A_779 : vector<16xi32>
          %add3A_781 = arith.constant 5 : i32
          %add3A_782 = vector.broadcast %add3A_781 : i32 to vector<16xi32>
          %add3A_783 = arith.addi %add3A_751, %add3A_782 : vector<16xi32>
          %and3A_784 = arith.constant 63 : i32
          %and3A_785 = vector.broadcast %and3A_784 : i32 to vector<16xi32>
          %and3A_786 = arith.andi %add3A_783, %and3A_785 : vector<16xi32>
          %add3A_787 = arith.constant 6 : i32
          %add3A_788 = vector.broadcast %add3A_787 : i32 to vector<16xi32>
          %add3A_789 = arith.addi %add3A_751, %add3A_788 : vector<16xi32>
          %and3A_790 = arith.constant 63 : i32
          %and3A_791 = vector.broadcast %and3A_790 : i32 to vector<16xi32>
          %and3A_792 = arith.andi %add3A_789, %and3A_791 : vector<16xi32>
          %add3A_793 = arith.constant 7 : i32
          %add3A_794 = vector.broadcast %add3A_793 : i32 to vector<16xi32>
          %add3A_795 = arith.addi %add3A_751, %add3A_794 : vector<16xi32>
          %and3A_796 = arith.constant 63 : i32
          %and3A_797 = vector.broadcast %and3A_796 : i32 to vector<16xi32>
          %and3A_798 = arith.andi %add3A_795, %and3A_797 : vector<16xi32>
          %gather3A = arith.constant 1 : i32
          %gather3A_799 = arith.constant 0 : i32
          %gather3A_800 = arith.constant 0 : i32
          %gather3A_801 = tpu.memref_slice %arg7[%gather3A, %gather3A_799, %gather3A_800] : memref<4x128x64xf32, #tpu.memory_space<vmem>> -> memref<1x128x64xf32, #tpu.memory_space<vmem>>
          %gather3A_802 = tpu.memref_squeeze %gather3A_801 : memref<1x128x64xf32, #tpu.memory_space<vmem>> -> memref<128x64xf32, #tpu.memory_space<vmem>>
          %gather3A_803 = tpu.vector_load_idx %gather3A_802[%add3A_739, %and3A_756] : memref<128x64xf32, #tpu.memory_space<vmem>>[vector<16xi32>, vector<16xi32>], vector<16xf32>,
          %gather3A_804 = arith.constant 1 : i32
          %gather3A_805 = arith.constant 0 : i32
          %gather3A_806 = arith.constant 0 : i32
          %gather3A_807 = tpu.memref_slice %arg7[%gather3A_804, %gather3A_805, %gather3A_806] : memref<4x128x64xf32, #tpu.memory_space<vmem>> -> memref<1x128x64xf32, #tpu.memory_space<vmem>>
          %gather3A_808 = tpu.memref_squeeze %gather3A_807 : memref<1x128x64xf32, #tpu.memory_space<vmem>> -> memref<128x64xf32, #tpu.memory_space<vmem>>
          %gather3A_809 = tpu.vector_load_idx %gather3A_808[%add3A_739, %and3A_762] : memref<128x64xf32, #tpu.memory_space<vmem>>[vector<16xi32>, vector<16xi32>], vector<16xf32>,
          %gather3A_810 = arith.constant 1 : i32
          %gather3A_811 = arith.constant 0 : i32
          %gather3A_812 = arith.constant 0 : i32
          %gather3A_813 = tpu.memref_slice %arg7[%gather3A_810, %gather3A_811, %gather3A_812] : memref<4x128x64xf32, #tpu.memory_space<vmem>> -> memref<1x128x64xf32, #tpu.memory_space<vmem>>
          %gather3A_814 = tpu.memref_squeeze %gather3A_813 : memref<1x128x64xf32, #tpu.memory_space<vmem>> -> memref<128x64xf32, #tpu.memory_space<vmem>>
          %gather3A_815 = tpu.vector_load_idx %gather3A_814[%add3A_739, %and3A_768] : memref<128x64xf32, #tpu.memory_space<vmem>>[vector<16xi32>, vector<16xi32>], vector<16xf32>,
          %gather3A_816 = arith.constant 1 : i32
          %gather3A_817 = arith.constant 0 : i32
          %gather3A_818 = arith.constant 0 : i32
          %gather3A_819 = tpu.memref_slice %arg7[%gather3A_816, %gather3A_817, %gather3A_818] : memref<4x128x64xf32, #tpu.memory_space<vmem>> -> memref<1x128x64xf32, #tpu.memory_space<vmem>>
          %gather3A_820 = tpu.memref_squeeze %gather3A_819 : memref<1x128x64xf32, #tpu.memory_space<vmem>> -> memref<128x64xf32, #tpu.memory_space<vmem>>
          %gather3A_821 = tpu.vector_load_idx %gather3A_820[%add3A_739, %and3A_774] : memref<128x64xf32, #tpu.memory_space<vmem>>[vector<16xi32>, vector<16xi32>], vector<16xf32>,
          %gather3A_822 = arith.constant 1 : i32
          %gather3A_823 = arith.constant 0 : i32
          %gather3A_824 = arith.constant 0 : i32
          %gather3A_825 = tpu.memref_slice %arg7[%gather3A_822, %gather3A_823, %gather3A_824] : memref<4x128x64xf32, #tpu.memory_space<vmem>> -> memref<1x128x64xf32, #tpu.memory_space<vmem>>
          %gather3A_826 = tpu.memref_squeeze %gather3A_825 : memref<1x128x64xf32, #tpu.memory_space<vmem>> -> memref<128x64xf32, #tpu.memory_space<vmem>>
          %gather3A_827 = tpu.vector_load_idx %gather3A_826[%add3A_739, %and3A_780] : memref<128x64xf32, #tpu.memory_space<vmem>>[vector<16xi32>, vector<16xi32>], vector<16xf32>,
          %gather3A_828 = arith.constant 1 : i32
          %gather3A_829 = arith.constant 0 : i32
          %gather3A_830 = arith.constant 0 : i32
          %gather3A_831 = tpu.memref_slice %arg7[%gather3A_828, %gather3A_829, %gather3A_830] : memref<4x128x64xf32, #tpu.memory_space<vmem>> -> memref<1x128x64xf32, #tpu.memory_space<vmem>>
          %gather3A_832 = tpu.memref_squeeze %gather3A_831 : memref<1x128x64xf32, #tpu.memory_space<vmem>> -> memref<128x64xf32, #tpu.memory_space<vmem>>
          %gather3A_833 = tpu.vector_load_idx %gather3A_832[%add3A_739, %and3A_786] : memref<128x64xf32, #tpu.memory_space<vmem>>[vector<16xi32>, vector<16xi32>], vector<16xf32>,
          %gather3A_834 = arith.constant 1 : i32
          %gather3A_835 = arith.constant 0 : i32
          %gather3A_836 = arith.constant 0 : i32
          %gather3A_837 = tpu.memref_slice %arg7[%gather3A_834, %gather3A_835, %gather3A_836] : memref<4x128x64xf32, #tpu.memory_space<vmem>> -> memref<1x128x64xf32, #tpu.memory_space<vmem>>
          %gather3A_838 = tpu.memref_squeeze %gather3A_837 : memref<1x128x64xf32, #tpu.memory_space<vmem>> -> memref<128x64xf32, #tpu.memory_space<vmem>>
          %gather3A_839 = tpu.vector_load_idx %gather3A_838[%add3A_739, %and3A_792] : memref<128x64xf32, #tpu.memory_space<vmem>>[vector<16xi32>, vector<16xi32>], vector<16xf32>,
          %gather3A_840 = arith.constant 1 : i32
          %gather3A_841 = arith.constant 0 : i32
          %gather3A_842 = arith.constant 0 : i32
          %gather3A_843 = tpu.memref_slice %arg7[%gather3A_840, %gather3A_841, %gather3A_842] : memref<4x128x64xf32, #tpu.memory_space<vmem>> -> memref<1x128x64xf32, #tpu.memory_space<vmem>>
          %gather3A_844 = tpu.memref_squeeze %gather3A_843 : memref<1x128x64xf32, #tpu.memory_space<vmem>> -> memref<128x64xf32, #tpu.memory_space<vmem>>
          %gather3A_845 = tpu.vector_load_idx %gather3A_844[%add3A_739, %and3A_798] : memref<128x64xf32, #tpu.memory_space<vmem>>[vector<16xi32>, vector<16xi32>], vector<16xf32>,
          %shift_right_arithmetic3A_846 = arith.constant 3 : i32
          %shift_right_arithmetic3A_847 = vector.broadcast %shift_right_arithmetic3A_846 : i32 to vector<16xi32>
          %shift_right_arithmetic3A_848 = arith.shrsi %and3A_756, %shift_right_arithmetic3A_847 : vector<16xi32>
          %and3A_849 = arith.constant 7 : i32
          %and3A_850 = vector.broadcast %and3A_849 : i32 to vector<16xi32>
          %and3A_851 = arith.andi %and3A_756, %and3A_850 : vector<16xi32>
          %mul3A_852 = arith.mulf %gather3A_803, %select_n3A : vector<16xf32>
          %scatter3A = arith.constant 1 : i32
          %scatter3A_853 = arith.constant 0 : i32
          %scatter3A_854 = arith.constant 0 : i32
          %scatter3A_855 = arith.constant 0 : i32
          %scatter3A_856 = tpu.memref_slice %arg8[%scatter3A, %scatter3A_853, %scatter3A_854, %scatter3A_855] : memref<2x8x8x128xf32, #tpu.memory_space<vmem>> -> memref<1x8x8x128xf32, #tpu.memory_space<vmem>>
          %scatter3A_857 = tpu.memref_squeeze %scatter3A_856 : memref<1x8x8x128xf32, #tpu.memory_space<vmem>> -> memref<8x8x128xf32, #tpu.memory_space<vmem>>
          tpu.vector_store_idx %scatter3A_857[%shift_right_arithmetic3A_848, %and3A_851, %add3A_739], %mul3A_852 : memref<8x8x128xf32, #tpu.memory_space<vmem>>[vector<16xi32>, vector<16xi32>, vector<16xi32>], vector<16xf32>,
          %shift_right_arithmetic3A_858 = arith.constant 3 : i32
          %shift_right_arithmetic3A_859 = vector.broadcast %shift_right_arithmetic3A_858 : i32 to vector<16xi32>
          %shift_right_arithmetic3A_860 = arith.shrsi %and3A_762, %shift_right_arithmetic3A_859 : vector<16xi32>
          %and3A_861 = arith.constant 7 : i32
          %and3A_862 = vector.broadcast %and3A_861 : i32 to vector<16xi32>
          %and3A_863 = arith.andi %and3A_762, %and3A_862 : vector<16xi32>
          %mul3A_864 = arith.mulf %gather3A_809, %select_n3A : vector<16xf32>
          %scatter3A_865 = arith.constant 1 : i32
          %scatter3A_866 = arith.constant 0 : i32
          %scatter3A_867 = arith.constant 0 : i32
          %scatter3A_868 = arith.constant 0 : i32
          %scatter3A_869 = tpu.memref_slice %arg8[%scatter3A_865, %scatter3A_866, %scatter3A_867, %scatter3A_868] : memref<2x8x8x128xf32, #tpu.memory_space<vmem>> -> memref<1x8x8x128xf32, #tpu.memory_space<vmem>>
          %scatter3A_870 = tpu.memref_squeeze %scatter3A_869 : memref<1x8x8x128xf32, #tpu.memory_space<vmem>> -> memref<8x8x128xf32, #tpu.memory_space<vmem>>
          tpu.vector_store_idx %scatter3A_870[%shift_right_arithmetic3A_860, %and3A_863, %add3A_739], %mul3A_864 : memref<8x8x128xf32, #tpu.memory_space<vmem>>[vector<16xi32>, vector<16xi32>, vector<16xi32>], vector<16xf32>,
          %shift_right_arithmetic3A_871 = arith.constant 3 : i32
          %shift_right_arithmetic3A_872 = vector.broadcast %shift_right_arithmetic3A_871 : i32 to vector<16xi32>
          %shift_right_arithmetic3A_873 = arith.shrsi %and3A_768, %shift_right_arithmetic3A_872 : vector<16xi32>
          %and3A_874 = arith.constant 7 : i32
          %and3A_875 = vector.broadcast %and3A_874 : i32 to vector<16xi32>
          %and3A_876 = arith.andi %and3A_768, %and3A_875 : vector<16xi32>
          %mul3A_877 = arith.mulf %gather3A_815, %select_n3A : vector<16xf32>
          %scatter3A_878 = arith.constant 1 : i32
          %scatter3A_879 = arith.constant 0 : i32
          %scatter3A_880 = arith.constant 0 : i32
          %scatter3A_881 = arith.constant 0 : i32
          %scatter3A_882 = tpu.memref_slice %arg8[%scatter3A_878, %scatter3A_879, %scatter3A_880, %scatter3A_881] : memref<2x8x8x128xf32, #tpu.memory_space<vmem>> -> memref<1x8x8x128xf32, #tpu.memory_space<vmem>>
          %scatter3A_883 = tpu.memref_squeeze %scatter3A_882 : memref<1x8x8x128xf32, #tpu.memory_space<vmem>> -> memref<8x8x128xf32, #tpu.memory_space<vmem>>
          tpu.vector_store_idx %scatter3A_883[%shift_right_arithmetic3A_873, %and3A_876, %add3A_739], %mul3A_877 : memref<8x8x128xf32, #tpu.memory_space<vmem>>[vector<16xi32>, vector<16xi32>, vector<16xi32>], vector<16xf32>,
          %shift_right_arithmetic3A_884 = arith.constant 3 : i32
          %shift_right_arithmetic3A_885 = vector.broadcast %shift_right_arithmetic3A_884 : i32 to vector<16xi32>
          %shift_right_arithmetic3A_886 = arith.shrsi %and3A_774, %shift_right_arithmetic3A_885 : vector<16xi32>
          %and3A_887 = arith.constant 7 : i32
          %and3A_888 = vector.broadcast %and3A_887 : i32 to vector<16xi32>
          %and3A_889 = arith.andi %and3A_774, %and3A_888 : vector<16xi32>
          %mul3A_890 = arith.mulf %gather3A_821, %select_n3A : vector<16xf32>
          %scatter3A_891 = arith.constant 1 : i32
          %scatter3A_892 = arith.constant 0 : i32
          %scatter3A_893 = arith.constant 0 : i32
          %scatter3A_894 = arith.constant 0 : i32
          %scatter3A_895 = tpu.memref_slice %arg8[%scatter3A_891, %scatter3A_892, %scatter3A_893, %scatter3A_894] : memref<2x8x8x128xf32, #tpu.memory_space<vmem>> -> memref<1x8x8x128xf32, #tpu.memory_space<vmem>>
          %scatter3A_896 = tpu.memref_squeeze %scatter3A_895 : memref<1x8x8x128xf32, #tpu.memory_space<vmem>> -> memref<8x8x128xf32, #tpu.memory_space<vmem>>
          tpu.vector_store_idx %scatter3A_896[%shift_right_arithmetic3A_886, %and3A_889, %add3A_739], %mul3A_890 : memref<8x8x128xf32, #tpu.memory_space<vmem>>[vector<16xi32>, vector<16xi32>, vector<16xi32>], vector<16xf32>,
          %shift_right_arithmetic3A_897 = arith.constant 3 : i32
          %shift_right_arithmetic3A_898 = vector.broadcast %shift_right_arithmetic3A_897 : i32 to vector<16xi32>
          %shift_right_arithmetic3A_899 = arith.shrsi %and3A_780, %shift_right_arithmetic3A_898 : vector<16xi32>
          %and3A_900 = arith.constant 7 : i32
          %and3A_901 = vector.broadcast %and3A_900 : i32 to vector<16xi32>
          %and3A_902 = arith.andi %and3A_780, %and3A_901 : vector<16xi32>
          %mul3A_903 = arith.mulf %gather3A_827, %select_n3A : vector<16xf32>
          %scatter3A_904 = arith.constant 1 : i32
          %scatter3A_905 = arith.constant 0 : i32
          %scatter3A_906 = arith.constant 0 : i32
          %scatter3A_907 = arith.constant 0 : i32
          %scatter3A_908 = tpu.memref_slice %arg8[%scatter3A_904, %scatter3A_905, %scatter3A_906, %scatter3A_907] : memref<2x8x8x128xf32, #tpu.memory_space<vmem>> -> memref<1x8x8x128xf32, #tpu.memory_space<vmem>>
          %scatter3A_909 = tpu.memref_squeeze %scatter3A_908 : memref<1x8x8x128xf32, #tpu.memory_space<vmem>> -> memref<8x8x128xf32, #tpu.memory_space<vmem>>
          tpu.vector_store_idx %scatter3A_909[%shift_right_arithmetic3A_899, %and3A_902, %add3A_739], %mul3A_903 : memref<8x8x128xf32, #tpu.memory_space<vmem>>[vector<16xi32>, vector<16xi32>, vector<16xi32>], vector<16xf32>,
          %shift_right_arithmetic3A_910 = arith.constant 3 : i32
          %shift_right_arithmetic3A_911 = vector.broadcast %shift_right_arithmetic3A_910 : i32 to vector<16xi32>
          %shift_right_arithmetic3A_912 = arith.shrsi %and3A_786, %shift_right_arithmetic3A_911 : vector<16xi32>
          %and3A_913 = arith.constant 7 : i32
          %and3A_914 = vector.broadcast %and3A_913 : i32 to vector<16xi32>
          %and3A_915 = arith.andi %and3A_786, %and3A_914 : vector<16xi32>
          %mul3A_916 = arith.mulf %gather3A_833, %select_n3A : vector<16xf32>
          %scatter3A_917 = arith.constant 1 : i32
          %scatter3A_918 = arith.constant 0 : i32
          %scatter3A_919 = arith.constant 0 : i32
          %scatter3A_920 = arith.constant 0 : i32
          %scatter3A_921 = tpu.memref_slice %arg8[%scatter3A_917, %scatter3A_918, %scatter3A_919, %scatter3A_920] : memref<2x8x8x128xf32, #tpu.memory_space<vmem>> -> memref<1x8x8x128xf32, #tpu.memory_space<vmem>>
          %scatter3A_922 = tpu.memref_squeeze %scatter3A_921 : memref<1x8x8x128xf32, #tpu.memory_space<vmem>> -> memref<8x8x128xf32, #tpu.memory_space<vmem>>
          tpu.vector_store_idx %scatter3A_922[%shift_right_arithmetic3A_912, %and3A_915, %add3A_739], %mul3A_916 : memref<8x8x128xf32, #tpu.memory_space<vmem>>[vector<16xi32>, vector<16xi32>, vector<16xi32>], vector<16xf32>,
          %shift_right_arithmetic3A_923 = arith.constant 3 : i32
          %shift_right_arithmetic3A_924 = vector.broadcast %shift_right_arithmetic3A_923 : i32 to vector<16xi32>
          %shift_right_arithmetic3A_925 = arith.shrsi %and3A_792, %shift_right_arithmetic3A_924 : vector<16xi32>
          %and3A_926 = arith.constant 7 : i32
          %and3A_927 = vector.broadcast %and3A_926 : i32 to vector<16xi32>
          %and3A_928 = arith.andi %and3A_792, %and3A_927 : vector<16xi32>
          %mul3A_929 = arith.mulf %gather3A_839, %select_n3A : vector<16xf32>
          %scatter3A_930 = arith.constant 1 : i32
          %scatter3A_931 = arith.constant 0 : i32
          %scatter3A_932 = arith.constant 0 : i32
          %scatter3A_933 = arith.constant 0 : i32
          %scatter3A_934 = tpu.memref_slice %arg8[%scatter3A_930, %scatter3A_931, %scatter3A_932, %scatter3A_933] : memref<2x8x8x128xf32, #tpu.memory_space<vmem>> -> memref<1x8x8x128xf32, #tpu.memory_space<vmem>>
          %scatter3A_935 = tpu.memref_squeeze %scatter3A_934 : memref<1x8x8x128xf32, #tpu.memory_space<vmem>> -> memref<8x8x128xf32, #tpu.memory_space<vmem>>
          tpu.vector_store_idx %scatter3A_935[%shift_right_arithmetic3A_925, %and3A_928, %add3A_739], %mul3A_929 : memref<8x8x128xf32, #tpu.memory_space<vmem>>[vector<16xi32>, vector<16xi32>, vector<16xi32>], vector<16xf32>,
          %shift_right_arithmetic3A_936 = arith.constant 3 : i32
          %shift_right_arithmetic3A_937 = vector.broadcast %shift_right_arithmetic3A_936 : i32 to vector<16xi32>
          %shift_right_arithmetic3A_938 = arith.shrsi %and3A_798, %shift_right_arithmetic3A_937 : vector<16xi32>
          %and3A_939 = arith.constant 7 : i32
          %and3A_940 = vector.broadcast %and3A_939 : i32 to vector<16xi32>
          %and3A_941 = arith.andi %and3A_798, %and3A_940 : vector<16xi32>
          %mul3A_942 = arith.mulf %gather3A_845, %select_n3A : vector<16xf32>
          %scatter3A_943 = arith.constant 1 : i32
          %scatter3A_944 = arith.constant 0 : i32
          %scatter3A_945 = arith.constant 0 : i32
          %scatter3A_946 = arith.constant 0 : i32
          %scatter3A_947 = tpu.memref_slice %arg8[%scatter3A_943, %scatter3A_944, %scatter3A_945, %scatter3A_946] : memref<2x8x8x128xf32, #tpu.memory_space<vmem>> -> memref<1x8x8x128xf32, #tpu.memory_space<vmem>>
          %scatter3A_948 = tpu.memref_squeeze %scatter3A_947 : memref<1x8x8x128xf32, #tpu.memory_space<vmem>> -> memref<8x8x128xf32, #tpu.memory_space<vmem>>
          tpu.vector_store_idx %scatter3A_948[%shift_right_arithmetic3A_938, %and3A_941, %add3A_739], %mul3A_942 : memref<8x8x128xf32, #tpu.memory_space<vmem>>[vector<16xi32>, vector<16xi32>, vector<16xi32>], vector<16xf32>,
        }
        %scan3A_744 = arith.constant 8 : i32
      }
      %scan3A_582 = arith.constant 8 : i32
      %mul3A_583 = arith.constant 4 : i32
      %mul3A_584 = arith.muli %add3A, %mul3A_583 : i32
      %add3A_585 = arith.constant 1 : i32
      %add3A_586 = arith.addi %mul3A_584, %add3A_585 : i32
      %dma_start3A_587 = arith.constant 1 : i32
      %dma_start3A_588 = arith.constant 0 : i32
      %dma_start3A_589 = arith.constant 0 : i32
      %dma_start3A_590 = arith.constant 0 : i32
      %dma_start3A_591 = tpu.memref_slice %arg8[%dma_start3A_587, %dma_start3A_588, %dma_start3A_589, %dma_start3A_590] : memref<2x8x8x128xf32, #tpu.memory_space<vmem>> -> memref<1x8x8x128xf32, #tpu.memory_space<vmem>>
      %dma_start3A_592 = tpu.memref_squeeze %dma_start3A_591 : memref<1x8x8x128xf32, #tpu.memory_space<vmem>> -> memref<8x8x128xf32, #tpu.memory_space<vmem>>
      %dma_start3A_593 = arith.constant 0 : i32
      %dma_start3A_594 = arith.constant 0 : i32
      %dma_start3A_595 = arith.constant 0 : i32
      %dma_start3A_596 = tpu.memref_slice %arg4[%shift_right_arithmetic3A_553, %dma_start3A_593, %add3A_586, %dma_start3A_594, %dma_start3A_595] : memref<50x8x128x8x128xf32, #tpu.memory_space<hbm>> -> memref<1x8x1x8x128xf32, #tpu.memory_space<hbm>>
      %dma_start3A_597 = tpu.memref_squeeze %dma_start3A_596 : memref<1x8x1x8x128xf32, #tpu.memory_space<hbm>> -> memref<8x8x128xf32, #tpu.memory_space<hbm>>
      %dma_start3A_598 = arith.constant 0 : i32
      %dma_start3A_599 = arith.constant 0 : i32
      %dma_start3A_600 = arith.constant 0 : i32
      %dma_start3A_601 = tpu.memref_slice %arg4[%shift_right_arithmetic3A_553, %dma_start3A_598, %add3A_586, %dma_start3A_599, %dma_start3A_600] : memref<50x8x128x8x128xf32, #tpu.memory_space<hbm>> -> memref<1x8x1x8x128xf32, #tpu.memory_space<hbm>>
      %dma_start3A_602 = tpu.memref_squeeze %dma_start3A_601 : memref<1x8x1x8x128xf32, #tpu.memory_space<hbm>> -> memref<8x8x128xf32, #tpu.memory_space<hbm>>
      %dma_start3A_603 = arith.constant 0 : i32
      %dma_start3A_604 = arith.constant 0 : i32
      %dma_start3A_605 = arith.constant 0 : i32
      %dma_start3A_606 = tpu.memref_slice %arg8[%dma_start3A_587, %dma_start3A_603, %dma_start3A_604, %dma_start3A_605] : memref<2x8x8x128xf32, #tpu.memory_space<vmem>> -> memref<1x8x8x128xf32, #tpu.memory_space<vmem>>
      %dma_start3A_607 = tpu.memref_squeeze %dma_start3A_606 : memref<1x8x8x128xf32, #tpu.memory_space<vmem>> -> memref<8x8x128xf32, #tpu.memory_space<vmem>>
      tpu.enqueue_dma source(%dma_start3A_607 : memref<8x8x128xf32, #tpu.memory_space<vmem>>) target(%dma_start3A_602 : memref<8x8x128xf32, #tpu.memory_space<hbm>>) target_semaphore(%arg14 : memref<!tpu.dma_semaphore, #tpu.memory_space<semaphore_mem>>)
      %add3A_608 = arith.constant 2 : i32
      %add3A_609 = arith.addi %add3A_496, %add3A_608 : i32
      %shift_right_arithmetic3A_610 = arith.constant 2 : i32
      %shift_right_arithmetic3A_611 = arith.shrsi %add3A_609, %shift_right_arithmetic3A_610 : i32
      %add3A_612 = arith.constant 3 : i32
      %add3A_613 = arith.addi %add3A_609, %add3A_612 : i32
      %lt3A_614 = arith.constant 200 : i32
      %lt3A_615 = arith.cmpi slt, %add3A_613, %lt3A_614 : i32
      %convert_element_type3A_616 = arith.extui %lt3A_615 : i1 to i32
      %cond3A_617 = arith.constant 0 : i32
      %cond3A_618 = arith.cmpi ne, %convert_element_type3A_616, %cond3A_617 : i32
      scf.if %cond3A_618 {
        %shift_right_arithmetic3A_724 = arith.constant 2 : i32
        %shift_right_arithmetic3A_725 = arith.shrsi %add3A_613, %shift_right_arithmetic3A_724 : i32
        %get3A_726 = arith.constant 1 : i32
        %get3A_727 = arith.index_cast %get3A_726 : i32 to index
        %get3A_728 = arith.index_cast %shift_right_arithmetic3A_725 : i32 to index
        %get3A_729 = arith.constant 0 : index
        %get3A_730 = tpu.vector_load %arg5[%get3A_727, %get3A_728, %get3A_729] {strides = array<i32>} : memref<4x50x128xi32, #tpu.memory_space<vmem>>, vector<16xi32>,
        %sub3A_731 = arith.constant 1 : i32
        %sub3A_732 = vector.broadcast %sub3A_731 : i32 to vector<16xi32>
        %sub3A_733 = arith.subi %get3A_730, %sub3A_732 : vector<16xi32>
        %max3A_734 = arith.constant 0 : i32
        %max3A_735 = vector.broadcast %max3A_734 : i32 to vector<16xi32>
        %max3A_736 = arith.maxsi %sub3A_733, %max3A_735 : vector<16xi32>
        %swap3A_737 = arith.constant 1 : i32
        %swap3A_738 = arith.index_cast %swap3A_737 : i32 to index
        %swap3A_739 = arith.constant 0 : index
        %swap3A_740 = tpu.vector_load %arg6[%swap3A_738, %swap3A_739] {strides = array<i32>} : memref<4x128xi32, #tpu.memory_space<vmem>>, vector<16xi32>,
        tpu.vector_store %arg6[%swap3A_738, %swap3A_739], %max3A_736 {strides = array<i32>} : memref<4x128xi32, #tpu.memory_space<vmem>>, vector<16xi32>,
        %get3A_741 = arith.constant 1 : i32
        %get3A_742 = arith.index_cast %get3A_741 : i32 to index
        %get3A_743 = arith.index_cast %shift_right_arithmetic3A_725 : i32 to index
        %get3A_744 = arith.constant 16 : index
        %get3A_745 = tpu.vector_load %arg5[%get3A_742, %get3A_743, %get3A_744] {strides = array<i32>} : memref<4x50x128xi32, #tpu.memory_space<vmem>>, vector<16xi32>,
        %sub3A_746 = arith.constant 1 : i32
        %sub3A_747 = vector.broadcast %sub3A_746 : i32 to vector<16xi32>
        %sub3A_748 = arith.subi %get3A_745, %sub3A_747 : vector<16xi32>
        %max3A_749 = arith.constant 0 : i32
        %max3A_750 = vector.broadcast %max3A_749 : i32 to vector<16xi32>
        %max3A_751 = arith.maxsi %sub3A_748, %max3A_750 : vector<16xi32>
        %swap3A_752 = arith.constant 1 : i32
        %swap3A_753 = arith.index_cast %swap3A_752 : i32 to index
        %swap3A_754 = arith.constant 16 : index
        %swap3A_755 = tpu.vector_load %arg6[%swap3A_753, %swap3A_754] {strides = array<i32>} : memref<4x128xi32, #tpu.memory_space<vmem>>, vector<16xi32>,
        tpu.vector_store %arg6[%swap3A_753, %swap3A_754], %max3A_751 {strides = array<i32>} : memref<4x128xi32, #tpu.memory_space<vmem>>, vector<16xi32>,
        %get3A_756 = arith.constant 1 : i32
        %get3A_757 = arith.index_cast %get3A_756 : i32 to index
        %get3A_758 = arith.index_cast %shift_right_arithmetic3A_725 : i32 to index
        %get3A_759 = arith.constant 32 : index
        %get3A_760 = tpu.vector_load %arg5[%get3A_757, %get3A_758, %get3A_759] {strides = array<i32>} : memref<4x50x128xi32, #tpu.memory_space<vmem>>, vector<16xi32>,
        %sub3A_761 = arith.constant 1 : i32
        %sub3A_762 = vector.broadcast %sub3A_761 : i32 to vector<16xi32>
        %sub3A_763 = arith.subi %get3A_760, %sub3A_762 : vector<16xi32>
        %max3A_764 = arith.constant 0 : i32
        %max3A_765 = vector.broadcast %max3A_764 : i32 to vector<16xi32>
        %max3A_766 = arith.maxsi %sub3A_763, %max3A_765 : vector<16xi32>
        %swap3A_767 = arith.constant 1 : i32
        %swap3A_768 = arith.index_cast %swap3A_767 : i32 to index
        %swap3A_769 = arith.constant 32 : index
        %swap3A_770 = tpu.vector_load %arg6[%swap3A_768, %swap3A_769] {strides = array<i32>} : memref<4x128xi32, #tpu.memory_space<vmem>>, vector<16xi32>,
        tpu.vector_store %arg6[%swap3A_768, %swap3A_769], %max3A_766 {strides = array<i32>} : memref<4x128xi32, #tpu.memory_space<vmem>>, vector<16xi32>,
        %get3A_771 = arith.constant 1 : i32
        %get3A_772 = arith.index_cast %get3A_771 : i32 to index
        %get3A_773 = arith.index_cast %shift_right_arithmetic3A_725 : i32 to index
        %get3A_774 = arith.constant 48 : index
        %get3A_775 = tpu.vector_load %arg5[%get3A_772, %get3A_773, %get3A_774] {strides = array<i32>} : memref<4x50x128xi32, #tpu.memory_space<vmem>>, vector<16xi32>,
        %sub3A_776 = arith.constant 1 : i32
        %sub3A_777 = vector.broadcast %sub3A_776 : i32 to vector<16xi32>
        %sub3A_778 = arith.subi %get3A_775, %sub3A_777 : vector<16xi32>
        %max3A_779 = arith.constant 0 : i32
        %max3A_780 = vector.broadcast %max3A_779 : i32 to vector<16xi32>
        %max3A_781 = arith.maxsi %sub3A_778, %max3A_780 : vector<16xi32>
        %swap3A_782 = arith.constant 1 : i32
        %swap3A_783 = arith.index_cast %swap3A_782 : i32 to index
        %swap3A_784 = arith.constant 48 : index
        %swap3A_785 = tpu.vector_load %arg6[%swap3A_783, %swap3A_784] {strides = array<i32>} : memref<4x128xi32, #tpu.memory_space<vmem>>, vector<16xi32>,
        tpu.vector_store %arg6[%swap3A_783, %swap3A_784], %max3A_781 {strides = array<i32>} : memref<4x128xi32, #tpu.memory_space<vmem>>, vector<16xi32>,
        %get3A_786 = arith.constant 1 : i32
        %get3A_787 = arith.index_cast %get3A_786 : i32 to index
        %get3A_788 = arith.index_cast %shift_right_arithmetic3A_725 : i32 to index
        %get3A_789 = arith.constant 64 : index
        %get3A_790 = tpu.vector_load %arg5[%get3A_787, %get3A_788, %get3A_789] {strides = array<i32>} : memref<4x50x128xi32, #tpu.memory_space<vmem>>, vector<16xi32>,
        %sub3A_791 = arith.constant 1 : i32
        %sub3A_792 = vector.broadcast %sub3A_791 : i32 to vector<16xi32>
        %sub3A_793 = arith.subi %get3A_790, %sub3A_792 : vector<16xi32>
        %max3A_794 = arith.constant 0 : i32
        %max3A_795 = vector.broadcast %max3A_794 : i32 to vector<16xi32>
        %max3A_796 = arith.maxsi %sub3A_793, %max3A_795 : vector<16xi32>
        %swap3A_797 = arith.constant 1 : i32
        %swap3A_798 = arith.index_cast %swap3A_797 : i32 to index
        %swap3A_799 = arith.constant 64 : index
        %swap3A_800 = tpu.vector_load %arg6[%swap3A_798, %swap3A_799] {strides = array<i32>} : memref<4x128xi32, #tpu.memory_space<vmem>>, vector<16xi32>,
        tpu.vector_store %arg6[%swap3A_798, %swap3A_799], %max3A_796 {strides = array<i32>} : memref<4x128xi32, #tpu.memory_space<vmem>>, vector<16xi32>,
        %get3A_801 = arith.constant 1 : i32
        %get3A_802 = arith.index_cast %get3A_801 : i32 to index
        %get3A_803 = arith.index_cast %shift_right_arithmetic3A_725 : i32 to index
        %get3A_804 = arith.constant 80 : index
        %get3A_805 = tpu.vector_load %arg5[%get3A_802, %get3A_803, %get3A_804] {strides = array<i32>} : memref<4x50x128xi32, #tpu.memory_space<vmem>>, vector<16xi32>,
        %sub3A_806 = arith.constant 1 : i32
        %sub3A_807 = vector.broadcast %sub3A_806 : i32 to vector<16xi32>
        %sub3A_808 = arith.subi %get3A_805, %sub3A_807 : vector<16xi32>
        %max3A_809 = arith.constant 0 : i32
        %max3A_810 = vector.broadcast %max3A_809 : i32 to vector<16xi32>
        %max3A_811 = arith.maxsi %sub3A_808, %max3A_810 : vector<16xi32>
        %swap3A_812 = arith.constant 1 : i32
        %swap3A_813 = arith.index_cast %swap3A_812 : i32 to index
        %swap3A_814 = arith.constant 80 : index
        %swap3A_815 = tpu.vector_load %arg6[%swap3A_813, %swap3A_814] {strides = array<i32>} : memref<4x128xi32, #tpu.memory_space<vmem>>, vector<16xi32>,
        tpu.vector_store %arg6[%swap3A_813, %swap3A_814], %max3A_811 {strides = array<i32>} : memref<4x128xi32, #tpu.memory_space<vmem>>, vector<16xi32>,
        %get3A_816 = arith.constant 1 : i32
        %get3A_817 = arith.index_cast %get3A_816 : i32 to index
        %get3A_818 = arith.index_cast %shift_right_arithmetic3A_725 : i32 to index
        %get3A_819 = arith.constant 96 : index
        %get3A_820 = tpu.vector_load %arg5[%get3A_817, %get3A_818, %get3A_819] {strides = array<i32>} : memref<4x50x128xi32, #tpu.memory_space<vmem>>, vector<16xi32>,
        %sub3A_821 = arith.constant 1 : i32
        %sub3A_822 = vector.broadcast %sub3A_821 : i32 to vector<16xi32>
        %sub3A_823 = arith.subi %get3A_820, %sub3A_822 : vector<16xi32>
        %max3A_824 = arith.constant 0 : i32
        %max3A_825 = vector.broadcast %max3A_824 : i32 to vector<16xi32>
        %max3A_826 = arith.maxsi %sub3A_823, %max3A_825 : vector<16xi32>
        %swap3A_827 = arith.constant 1 : i32
        %swap3A_828 = arith.index_cast %swap3A_827 : i32 to index
        %swap3A_829 = arith.constant 96 : index
        %swap3A_830 = tpu.vector_load %arg6[%swap3A_828, %swap3A_829] {strides = array<i32>} : memref<4x128xi32, #tpu.memory_space<vmem>>, vector<16xi32>,
        tpu.vector_store %arg6[%swap3A_828, %swap3A_829], %max3A_826 {strides = array<i32>} : memref<4x128xi32, #tpu.memory_space<vmem>>, vector<16xi32>,
        %get3A_831 = arith.constant 1 : i32
        %get3A_832 = arith.index_cast %get3A_831 : i32 to index
        %get3A_833 = arith.index_cast %shift_right_arithmetic3A_725 : i32 to index
        %get3A_834 = arith.constant 112 : index
        %get3A_835 = tpu.vector_load %arg5[%get3A_832, %get3A_833, %get3A_834] {strides = array<i32>} : memref<4x50x128xi32, #tpu.memory_space<vmem>>, vector<16xi32>,
        %sub3A_836 = arith.constant 1 : i32
        %sub3A_837 = vector.broadcast %sub3A_836 : i32 to vector<16xi32>
        %sub3A_838 = arith.subi %get3A_835, %sub3A_837 : vector<16xi32>
        %max3A_839 = arith.constant 0 : i32
        %max3A_840 = vector.broadcast %max3A_839 : i32 to vector<16xi32>
        %max3A_841 = arith.maxsi %sub3A_838, %max3A_840 : vector<16xi32>
        %swap3A_842 = arith.constant 1 : i32
        %swap3A_843 = arith.index_cast %swap3A_842 : i32 to index
        %swap3A_844 = arith.constant 112 : index
        %swap3A_845 = tpu.vector_load %arg6[%swap3A_843, %swap3A_844] {strides = array<i32>} : memref<4x128xi32, #tpu.memory_space<vmem>>, vector<16xi32>,
        tpu.vector_store %arg6[%swap3A_843, %swap3A_844], %max3A_841 {strides = array<i32>} : memref<4x128xi32, #tpu.memory_space<vmem>>, vector<16xi32>,
        %dma_start3A_846 = arith.constant 1 : i32
        %dma_start3A_847 = arith.constant 1 : i32
        %dma_start3A_848 = arith.constant 0 : i32
        %dma_start3A_849 = arith.constant 0 : i32
        %dma_start3A_850 = tpu.memref_slice %arg7[%dma_start3A_847, %dma_start3A_848, %dma_start3A_849] : memref<4x128x64xf32, #tpu.memory_space<vmem>> -> memref<1x128x64xf32, #tpu.memory_space<vmem>>
        %dma_start3A_851 = tpu.memref_squeeze %dma_start3A_850 : memref<1x128x64xf32, #tpu.memory_space<vmem>> -> memref<128x64xf32, #tpu.memory_space<vmem>>
        %dma_start3A_852 = arith.constant 0 : i32
        %dma_start3A_853 = tpu.memref_slice %arg6[%dma_start3A_846, %dma_start3A_852] : memref<4x128xi32, #tpu.memory_space<vmem>> -> memref<1x128xi32, #tpu.memory_space<vmem>>
        %dma_start3A_854 = tpu.memref_squeeze %dma_start3A_853 : memref<1x128xi32, #tpu.memory_space<vmem>> -> memref<128xi32, #tpu.memory_space<vmem>>
        %dma_start3A_855 = arith.constant 0 : i32
        %dma_start3A_856 = arith.constant 0 : i32
        %dma_start3A_857 = tpu.memref_slice %arg3[%dma_start3A_855, %dma_start3A_856] : memref<999999x64xf32, #tpu.memory_space<hbm>> -> memref<999999x64xf32, #tpu.memory_space<hbm>>
        tpu.enqueue_indirect_dma source(%dma_start3A_857 : memref<999999x64xf32, #tpu.memory_space<hbm>>) target(%dma_start3A_851 : memref<128x64xf32, #tpu.memory_space<vmem>>) offsets(%dma_start3A_854 : memref<128xi32, #tpu.memory_space<vmem>>) semaphore(%arg10 : memref<!tpu.dma_semaphore, #tpu.memory_space<semaphore_mem>>)
      } else {
      }
      %dma_wait3A_619 = arith.constant 2 : i32
      %dma_wait3A_620 = arith.constant 2 : i32
      %dma_wait3A_621 = arith.constant 0 : i32
      %dma_wait3A_622 = arith.constant 0 : i32
      %dma_wait3A_623 = tpu.memref_slice %arg7[%dma_wait3A_620, %dma_wait3A_621, %dma_wait3A_622] : memref<4x128x64xf32, #tpu.memory_space<vmem>> -> memref<1x128x64xf32, #tpu.memory_space<vmem>>
      %dma_wait3A_624 = tpu.memref_squeeze %dma_wait3A_623 : memref<1x128x64xf32, #tpu.memory_space<vmem>> -> memref<128x64xf32, #tpu.memory_space<vmem>>
      %dma_wait3A_625 = arith.constant 0 : i32
      %dma_wait3A_626 = tpu.memref_slice %arg6[%dma_wait3A_619, %dma_wait3A_625] : memref<4x128xi32, #tpu.memory_space<vmem>> -> memref<1x128xi32, #tpu.memory_space<vmem>>
      %dma_wait3A_627 = tpu.memref_squeeze %dma_wait3A_626 : memref<1x128xi32, #tpu.memory_space<vmem>> -> memref<128xi32, #tpu.memory_space<vmem>>
      %dma_wait3A_628 = arith.constant 0 : i32
      %dma_wait3A_629 = arith.constant 0 : i32
      %dma_wait3A_630 = tpu.memref_slice %arg3[%dma_wait3A_628, %dma_wait3A_629] : memref<999999x64xf32, #tpu.memory_space<hbm>> -> memref<999999x64xf32, #tpu.memory_space<hbm>>
      tpu.wait_indirect_dma semaphore(%arg11 : memref<!tpu.dma_semaphore, #tpu.memory_space<semaphore_mem>>) src(%dma_wait3A_630 : memref<999999x64xf32, #tpu.memory_space<hbm>>) dst(%dma_wait3A_624 : memref<128x64xf32, #tpu.memory_space<vmem>>)
      %ge3A_631 = arith.constant 2 : i32
      %ge3A_632 = arith.cmpi sge, %add3A_609, %ge3A_631 : i32
      %convert_element_type3A_633 = arith.extui %ge3A_632 : i1 to i32
      %cond3A_634 = arith.constant 0 : i32
      %cond3A_635 = arith.cmpi ne, %convert_element_type3A_633, %cond3A_634 : i32
      scf.if %cond3A_635 {
        %dma_wait3A_724 = arith.constant 0 : i32
        %dma_wait3A_725 = arith.constant 0 : i32
        %dma_wait3A_726 = arith.constant 0 : i32
        %dma_wait3A_727 = arith.constant 0 : i32
        %dma_wait3A_728 = arith.constant 0 : i32
        %dma_wait3A_729 = arith.constant 0 : i32
        %dma_wait3A_730 = tpu.memref_slice %arg8[%dma_wait3A_726, %dma_wait3A_727, %dma_wait3A_728, %dma_wait3A_729] : memref<2x8x8x128xf32, #tpu.memory_space<vmem>> -> memref<1x8x8x128xf32, #tpu.memory_space<vmem>>
        %dma_wait3A_731 = tpu.memref_squeeze %dma_wait3A_730 : memref<1x8x8x128xf32, #tpu.memory_space<vmem>> -> memref<8x8x128xf32, #tpu.memory_space<vmem>>
        %dma_wait3A_732 = arith.constant 0 : i32
        %dma_wait3A_733 = arith.constant 0 : i32
        %dma_wait3A_734 = arith.constant 0 : i32
        %dma_wait3A_735 = tpu.memref_slice %arg4[%dma_wait3A_724, %dma_wait3A_732, %dma_wait3A_725, %dma_wait3A_733, %dma_wait3A_734] : memref<50x8x128x8x128xf32, #tpu.memory_space<hbm>> -> memref<1x8x1x8x128xf32, #tpu.memory_space<hbm>>
        %dma_wait3A_736 = tpu.memref_squeeze %dma_wait3A_735 : memref<1x8x1x8x128xf32, #tpu.memory_space<hbm>> -> memref<8x8x128xf32, #tpu.memory_space<hbm>>
        %dma_wait3A_737 = arith.constant 0 : i32
        %dma_wait3A_738 = arith.constant 0 : i32
        %dma_wait3A_739 = arith.constant 0 : i32
        %dma_wait3A_740 = tpu.memref_slice %arg8[%dma_wait3A_726, %dma_wait3A_737, %dma_wait3A_738, %dma_wait3A_739] : memref<2x8x8x128xf32, #tpu.memory_space<vmem>> -> memref<1x8x8x128xf32, #tpu.memory_space<vmem>>
        %dma_wait3A_741 = tpu.memref_squeeze %dma_wait3A_740 : memref<1x8x8x128xf32, #tpu.memory_space<vmem>> -> memref<8x8x128xf32, #tpu.memory_space<vmem>>
        %dma_wait3A_742 = arith.constant 0 : i32
        %dma_wait3A_743 = arith.constant 0 : i32
        %dma_wait3A_744 = arith.constant 0 : i32
        %dma_wait3A_745 = tpu.memref_slice %arg4[%dma_wait3A_724, %dma_wait3A_742, %dma_wait3A_725, %dma_wait3A_743, %dma_wait3A_744] : memref<50x8x128x8x128xf32, #tpu.memory_space<hbm>> -> memref<1x8x1x8x128xf32, #tpu.memory_space<hbm>>
        %dma_wait3A_746 = tpu.memref_squeeze %dma_wait3A_745 : memref<1x8x1x8x128xf32, #tpu.memory_space<hbm>> -> memref<8x8x128xf32, #tpu.memory_space<hbm>>
        tpu.wait_dma2 semaphore(%arg13 : memref<!tpu.dma_semaphore, #tpu.memory_space<semaphore_mem>>) src(%dma_wait3A_746 : memref<8x8x128xf32, #tpu.memory_space<hbm>>) dst(%dma_wait3A_741 : memref<8x8x128xf32, #tpu.memory_space<vmem>>)
      } else {
      }
      %scan3A_636 = arith.constant 0 : i32
      %scan3A_637 = arith.constant 8 : i32
      %scan3A_638 = arith.addi %scan3A_636, %scan3A_637 : i32
      %scan3A_639 = arith.constant 1 : i32
      scf.for %scan3A_724 = %scan3A_636 to %scan3A_638 step %scan3A_639  : i32 {
        %mul3A_725 = arith.constant 16 : i32
        %mul3A_726 = arith.muli %scan3A_724, %mul3A_725 : i32
        %add3A_727 = arith.constant 0 : i32
        %add3A_728 = arith.addi %add3A_727, %mul3A_726 : i32
        %get3A_729 = arith.constant 2 : i32
        %get3A_730 = arith.index_cast %get3A_729 : i32 to index
        %get3A_731 = arith.index_cast %shift_right_arithmetic3A_611 : i32 to index
        %get3A_732 = arith.index_cast %add3A_728 : i32 to index
        %get3A_733 = tpu.vector_load %arg5[%get3A_730, %get3A_731, %get3A_732] {strides = array<i32>} : memref<4x50x128xi32, #tpu.memory_space<vmem>>, vector<16xi32>,
        %eq3A = arith.constant 0 : i32
        %eq3A_734 = vector.broadcast %eq3A : i32 to vector<16xi32>
        %eq3A_735 = arith.cmpi eq, %get3A_733, %eq3A_734 : vector<16xi32>
        %jit3A = arith.constant 0.000000e+00 : f32
        %jit3A_736 = arith.constant 8.000000e+00 : f32
        %broadcast_in_dim3A = vector.broadcast %jit3A : f32 to vector<16xf32>
        %broadcast_in_dim3A_737 = vector.broadcast %jit3A_736 : f32 to vector<16xf32>
        %select_n3A = arith.select %eq3A_735, %broadcast_in_dim3A, %broadcast_in_dim3A_737 : vector<16xi1>, vector<16xf32>
        %iota3A = tpu.iota {dimensions = array<i32: 0>} : vector<16xi32>
        %add3A_738 = vector.broadcast %add3A_728 : i32 to vector<16xi32>
        %add3A_739 = arith.addi %iota3A, %add3A_738 : vector<16xi32>
        %scan3A_740 = arith.constant 0 : i32
        %scan3A_741 = arith.constant 8 : i32
        %scan3A_742 = arith.addi %scan3A_740, %scan3A_741 : i32
        %scan3A_743 = arith.constant 1 : i32
        scf.for %scan3A_745 = %scan3A_740 to %scan3A_742 step %scan3A_743  : i32 {
          %mul3A_746 = arith.constant 8 : i32
          %mul3A_747 = arith.muli %scan3A_745, %mul3A_746 : i32
          %add3A_748 = arith.constant 0 : i32
          %add3A_749 = arith.addi %add3A_748, %mul3A_747 : i32
          %add3A_750 = vector.broadcast %add3A_749 : i32 to vector<16xi32>
          %add3A_751 = arith.addi %iota3A, %add3A_750 : vector<16xi32>
          %add3A_752 = arith.constant 0 : i32
          %add3A_753 = vector.broadcast %add3A_752 : i32 to vector<16xi32>
          %add3A_754 = arith.addi %add3A_751, %add3A_753 : vector<16xi32>
          %and3A = arith.constant 63 : i32
          %and3A_755 = vector.broadcast %and3A : i32 to vector<16xi32>
          %and3A_756 = arith.andi %add3A_754, %and3A_755 : vector<16xi32>
          %add3A_757 = arith.constant 1 : i32
          %add3A_758 = vector.broadcast %add3A_757 : i32 to vector<16xi32>
          %add3A_759 = arith.addi %add3A_751, %add3A_758 : vector<16xi32>
          %and3A_760 = arith.constant 63 : i32
          %and3A_761 = vector.broadcast %and3A_760 : i32 to vector<16xi32>
          %and3A_762 = arith.andi %add3A_759, %and3A_761 : vector<16xi32>
          %add3A_763 = arith.constant 2 : i32
          %add3A_764 = vector.broadcast %add3A_763 : i32 to vector<16xi32>
          %add3A_765 = arith.addi %add3A_751, %add3A_764 : vector<16xi32>
          %and3A_766 = arith.constant 63 : i32
          %and3A_767 = vector.broadcast %and3A_766 : i32 to vector<16xi32>
          %and3A_768 = arith.andi %add3A_765, %and3A_767 : vector<16xi32>
          %add3A_769 = arith.constant 3 : i32
          %add3A_770 = vector.broadcast %add3A_769 : i32 to vector<16xi32>
          %add3A_771 = arith.addi %add3A_751, %add3A_770 : vector<16xi32>
          %and3A_772 = arith.constant 63 : i32
          %and3A_773 = vector.broadcast %and3A_772 : i32 to vector<16xi32>
          %and3A_774 = arith.andi %add3A_771, %and3A_773 : vector<16xi32>
          %add3A_775 = arith.constant 4 : i32
          %add3A_776 = vector.broadcast %add3A_775 : i32 to vector<16xi32>
          %add3A_777 = arith.addi %add3A_751, %add3A_776 : vector<16xi32>
          %and3A_778 = arith.constant 63 : i32
          %and3A_779 = vector.broadcast %and3A_778 : i32 to vector<16xi32>
          %and3A_780 = arith.andi %add3A_777, %and3A_779 : vector<16xi32>
          %add3A_781 = arith.constant 5 : i32
          %add3A_782 = vector.broadcast %add3A_781 : i32 to vector<16xi32>
          %add3A_783 = arith.addi %add3A_751, %add3A_782 : vector<16xi32>
          %and3A_784 = arith.constant 63 : i32
          %and3A_785 = vector.broadcast %and3A_784 : i32 to vector<16xi32>
          %and3A_786 = arith.andi %add3A_783, %and3A_785 : vector<16xi32>
          %add3A_787 = arith.constant 6 : i32
          %add3A_788 = vector.broadcast %add3A_787 : i32 to vector<16xi32>
          %add3A_789 = arith.addi %add3A_751, %add3A_788 : vector<16xi32>
          %and3A_790 = arith.constant 63 : i32
          %and3A_791 = vector.broadcast %and3A_790 : i32 to vector<16xi32>
          %and3A_792 = arith.andi %add3A_789, %and3A_791 : vector<16xi32>
          %add3A_793 = arith.constant 7 : i32
          %add3A_794 = vector.broadcast %add3A_793 : i32 to vector<16xi32>
          %add3A_795 = arith.addi %add3A_751, %add3A_794 : vector<16xi32>
          %and3A_796 = arith.constant 63 : i32
          %and3A_797 = vector.broadcast %and3A_796 : i32 to vector<16xi32>
          %and3A_798 = arith.andi %add3A_795, %and3A_797 : vector<16xi32>
          %gather3A = arith.constant 2 : i32
          %gather3A_799 = arith.constant 0 : i32
          %gather3A_800 = arith.constant 0 : i32
          %gather3A_801 = tpu.memref_slice %arg7[%gather3A, %gather3A_799, %gather3A_800] : memref<4x128x64xf32, #tpu.memory_space<vmem>> -> memref<1x128x64xf32, #tpu.memory_space<vmem>>
          %gather3A_802 = tpu.memref_squeeze %gather3A_801 : memref<1x128x64xf32, #tpu.memory_space<vmem>> -> memref<128x64xf32, #tpu.memory_space<vmem>>
          %gather3A_803 = tpu.vector_load_idx %gather3A_802[%add3A_739, %and3A_756] : memref<128x64xf32, #tpu.memory_space<vmem>>[vector<16xi32>, vector<16xi32>], vector<16xf32>,
          %gather3A_804 = arith.constant 2 : i32
          %gather3A_805 = arith.constant 0 : i32
          %gather3A_806 = arith.constant 0 : i32
          %gather3A_807 = tpu.memref_slice %arg7[%gather3A_804, %gather3A_805, %gather3A_806] : memref<4x128x64xf32, #tpu.memory_space<vmem>> -> memref<1x128x64xf32, #tpu.memory_space<vmem>>
          %gather3A_808 = tpu.memref_squeeze %gather3A_807 : memref<1x128x64xf32, #tpu.memory_space<vmem>> -> memref<128x64xf32, #tpu.memory_space<vmem>>
          %gather3A_809 = tpu.vector_load_idx %gather3A_808[%add3A_739, %and3A_762] : memref<128x64xf32, #tpu.memory_space<vmem>>[vector<16xi32>, vector<16xi32>], vector<16xf32>,
          %gather3A_810 = arith.constant 2 : i32
          %gather3A_811 = arith.constant 0 : i32
          %gather3A_812 = arith.constant 0 : i32
          %gather3A_813 = tpu.memref_slice %arg7[%gather3A_810, %gather3A_811, %gather3A_812] : memref<4x128x64xf32, #tpu.memory_space<vmem>> -> memref<1x128x64xf32, #tpu.memory_space<vmem>>
          %gather3A_814 = tpu.memref_squeeze %gather3A_813 : memref<1x128x64xf32, #tpu.memory_space<vmem>> -> memref<128x64xf32, #tpu.memory_space<vmem>>
          %gather3A_815 = tpu.vector_load_idx %gather3A_814[%add3A_739, %and3A_768] : memref<128x64xf32, #tpu.memory_space<vmem>>[vector<16xi32>, vector<16xi32>], vector<16xf32>,
          %gather3A_816 = arith.constant 2 : i32
          %gather3A_817 = arith.constant 0 : i32
          %gather3A_818 = arith.constant 0 : i32
          %gather3A_819 = tpu.memref_slice %arg7[%gather3A_816, %gather3A_817, %gather3A_818] : memref<4x128x64xf32, #tpu.memory_space<vmem>> -> memref<1x128x64xf32, #tpu.memory_space<vmem>>
          %gather3A_820 = tpu.memref_squeeze %gather3A_819 : memref<1x128x64xf32, #tpu.memory_space<vmem>> -> memref<128x64xf32, #tpu.memory_space<vmem>>
          %gather3A_821 = tpu.vector_load_idx %gather3A_820[%add3A_739, %and3A_774] : memref<128x64xf32, #tpu.memory_space<vmem>>[vector<16xi32>, vector<16xi32>], vector<16xf32>,
          %gather3A_822 = arith.constant 2 : i32
          %gather3A_823 = arith.constant 0 : i32
          %gather3A_824 = arith.constant 0 : i32
          %gather3A_825 = tpu.memref_slice %arg7[%gather3A_822, %gather3A_823, %gather3A_824] : memref<4x128x64xf32, #tpu.memory_space<vmem>> -> memref<1x128x64xf32, #tpu.memory_space<vmem>>
          %gather3A_826 = tpu.memref_squeeze %gather3A_825 : memref<1x128x64xf32, #tpu.memory_space<vmem>> -> memref<128x64xf32, #tpu.memory_space<vmem>>
          %gather3A_827 = tpu.vector_load_idx %gather3A_826[%add3A_739, %and3A_780] : memref<128x64xf32, #tpu.memory_space<vmem>>[vector<16xi32>, vector<16xi32>], vector<16xf32>,
          %gather3A_828 = arith.constant 2 : i32
          %gather3A_829 = arith.constant 0 : i32
          %gather3A_830 = arith.constant 0 : i32
          %gather3A_831 = tpu.memref_slice %arg7[%gather3A_828, %gather3A_829, %gather3A_830] : memref<4x128x64xf32, #tpu.memory_space<vmem>> -> memref<1x128x64xf32, #tpu.memory_space<vmem>>
          %gather3A_832 = tpu.memref_squeeze %gather3A_831 : memref<1x128x64xf32, #tpu.memory_space<vmem>> -> memref<128x64xf32, #tpu.memory_space<vmem>>
          %gather3A_833 = tpu.vector_load_idx %gather3A_832[%add3A_739, %and3A_786] : memref<128x64xf32, #tpu.memory_space<vmem>>[vector<16xi32>, vector<16xi32>], vector<16xf32>,
          %gather3A_834 = arith.constant 2 : i32
          %gather3A_835 = arith.constant 0 : i32
          %gather3A_836 = arith.constant 0 : i32
          %gather3A_837 = tpu.memref_slice %arg7[%gather3A_834, %gather3A_835, %gather3A_836] : memref<4x128x64xf32, #tpu.memory_space<vmem>> -> memref<1x128x64xf32, #tpu.memory_space<vmem>>
          %gather3A_838 = tpu.memref_squeeze %gather3A_837 : memref<1x128x64xf32, #tpu.memory_space<vmem>> -> memref<128x64xf32, #tpu.memory_space<vmem>>
          %gather3A_839 = tpu.vector_load_idx %gather3A_838[%add3A_739, %and3A_792] : memref<128x64xf32, #tpu.memory_space<vmem>>[vector<16xi32>, vector<16xi32>], vector<16xf32>,
          %gather3A_840 = arith.constant 2 : i32
          %gather3A_841 = arith.constant 0 : i32
          %gather3A_842 = arith.constant 0 : i32
          %gather3A_843 = tpu.memref_slice %arg7[%gather3A_840, %gather3A_841, %gather3A_842] : memref<4x128x64xf32, #tpu.memory_space<vmem>> -> memref<1x128x64xf32, #tpu.memory_space<vmem>>
          %gather3A_844 = tpu.memref_squeeze %gather3A_843 : memref<1x128x64xf32, #tpu.memory_space<vmem>> -> memref<128x64xf32, #tpu.memory_space<vmem>>
          %gather3A_845 = tpu.vector_load_idx %gather3A_844[%add3A_739, %and3A_798] : memref<128x64xf32, #tpu.memory_space<vmem>>[vector<16xi32>, vector<16xi32>], vector<16xf32>,
          %shift_right_arithmetic3A_846 = arith.constant 3 : i32
          %shift_right_arithmetic3A_847 = vector.broadcast %shift_right_arithmetic3A_846 : i32 to vector<16xi32>
          %shift_right_arithmetic3A_848 = arith.shrsi %and3A_756, %shift_right_arithmetic3A_847 : vector<16xi32>
          %and3A_849 = arith.constant 7 : i32
          %and3A_850 = vector.broadcast %and3A_849 : i32 to vector<16xi32>
          %and3A_851 = arith.andi %and3A_756, %and3A_850 : vector<16xi32>
          %mul3A_852 = arith.mulf %gather3A_803, %select_n3A : vector<16xf32>
          %scatter3A = arith.constant 0 : i32
          %scatter3A_853 = arith.constant 0 : i32
          %scatter3A_854 = arith.constant 0 : i32
          %scatter3A_855 = arith.constant 0 : i32
          %scatter3A_856 = tpu.memref_slice %arg8[%scatter3A, %scatter3A_853, %scatter3A_854, %scatter3A_855] : memref<2x8x8x128xf32, #tpu.memory_space<vmem>> -> memref<1x8x8x128xf32, #tpu.memory_space<vmem>>
          %scatter3A_857 = tpu.memref_squeeze %scatter3A_856 : memref<1x8x8x128xf32, #tpu.memory_space<vmem>> -> memref<8x8x128xf32, #tpu.memory_space<vmem>>
          tpu.vector_store_idx %scatter3A_857[%shift_right_arithmetic3A_848, %and3A_851, %add3A_739], %mul3A_852 : memref<8x8x128xf32, #tpu.memory_space<vmem>>[vector<16xi32>, vector<16xi32>, vector<16xi32>], vector<16xf32>,
          %shift_right_arithmetic3A_858 = arith.constant 3 : i32
          %shift_right_arithmetic3A_859 = vector.broadcast %shift_right_arithmetic3A_858 : i32 to vector<16xi32>
          %shift_right_arithmetic3A_860 = arith.shrsi %and3A_762, %shift_right_arithmetic3A_859 : vector<16xi32>
          %and3A_861 = arith.constant 7 : i32
          %and3A_862 = vector.broadcast %and3A_861 : i32 to vector<16xi32>
          %and3A_863 = arith.andi %and3A_762, %and3A_862 : vector<16xi32>
          %mul3A_864 = arith.mulf %gather3A_809, %select_n3A : vector<16xf32>
          %scatter3A_865 = arith.constant 0 : i32
          %scatter3A_866 = arith.constant 0 : i32
          %scatter3A_867 = arith.constant 0 : i32
          %scatter3A_868 = arith.constant 0 : i32
          %scatter3A_869 = tpu.memref_slice %arg8[%scatter3A_865, %scatter3A_866, %scatter3A_867, %scatter3A_868] : memref<2x8x8x128xf32, #tpu.memory_space<vmem>> -> memref<1x8x8x128xf32, #tpu.memory_space<vmem>>
          %scatter3A_870 = tpu.memref_squeeze %scatter3A_869 : memref<1x8x8x128xf32, #tpu.memory_space<vmem>> -> memref<8x8x128xf32, #tpu.memory_space<vmem>>
          tpu.vector_store_idx %scatter3A_870[%shift_right_arithmetic3A_860, %and3A_863, %add3A_739], %mul3A_864 : memref<8x8x128xf32, #tpu.memory_space<vmem>>[vector<16xi32>, vector<16xi32>, vector<16xi32>], vector<16xf32>,
          %shift_right_arithmetic3A_871 = arith.constant 3 : i32
          %shift_right_arithmetic3A_872 = vector.broadcast %shift_right_arithmetic3A_871 : i32 to vector<16xi32>
          %shift_right_arithmetic3A_873 = arith.shrsi %and3A_768, %shift_right_arithmetic3A_872 : vector<16xi32>
          %and3A_874 = arith.constant 7 : i32
          %and3A_875 = vector.broadcast %and3A_874 : i32 to vector<16xi32>
          %and3A_876 = arith.andi %and3A_768, %and3A_875 : vector<16xi32>
          %mul3A_877 = arith.mulf %gather3A_815, %select_n3A : vector<16xf32>
          %scatter3A_878 = arith.constant 0 : i32
          %scatter3A_879 = arith.constant 0 : i32
          %scatter3A_880 = arith.constant 0 : i32
          %scatter3A_881 = arith.constant 0 : i32
          %scatter3A_882 = tpu.memref_slice %arg8[%scatter3A_878, %scatter3A_879, %scatter3A_880, %scatter3A_881] : memref<2x8x8x128xf32, #tpu.memory_space<vmem>> -> memref<1x8x8x128xf32, #tpu.memory_space<vmem>>
          %scatter3A_883 = tpu.memref_squeeze %scatter3A_882 : memref<1x8x8x128xf32, #tpu.memory_space<vmem>> -> memref<8x8x128xf32, #tpu.memory_space<vmem>>
          tpu.vector_store_idx %scatter3A_883[%shift_right_arithmetic3A_873, %and3A_876, %add3A_739], %mul3A_877 : memref<8x8x128xf32, #tpu.memory_space<vmem>>[vector<16xi32>, vector<16xi32>, vector<16xi32>], vector<16xf32>,
          %shift_right_arithmetic3A_884 = arith.constant 3 : i32
          %shift_right_arithmetic3A_885 = vector.broadcast %shift_right_arithmetic3A_884 : i32 to vector<16xi32>
          %shift_right_arithmetic3A_886 = arith.shrsi %and3A_774, %shift_right_arithmetic3A_885 : vector<16xi32>
          %and3A_887 = arith.constant 7 : i32
          %and3A_888 = vector.broadcast %and3A_887 : i32 to vector<16xi32>
          %and3A_889 = arith.andi %and3A_774, %and3A_888 : vector<16xi32>
          %mul3A_890 = arith.mulf %gather3A_821, %select_n3A : vector<16xf32>
          %scatter3A_891 = arith.constant 0 : i32
          %scatter3A_892 = arith.constant 0 : i32
          %scatter3A_893 = arith.constant 0 : i32
          %scatter3A_894 = arith.constant 0 : i32
          %scatter3A_895 = tpu.memref_slice %arg8[%scatter3A_891, %scatter3A_892, %scatter3A_893, %scatter3A_894] : memref<2x8x8x128xf32, #tpu.memory_space<vmem>> -> memref<1x8x8x128xf32, #tpu.memory_space<vmem>>
          %scatter3A_896 = tpu.memref_squeeze %scatter3A_895 : memref<1x8x8x128xf32, #tpu.memory_space<vmem>> -> memref<8x8x128xf32, #tpu.memory_space<vmem>>
          tpu.vector_store_idx %scatter3A_896[%shift_right_arithmetic3A_886, %and3A_889, %add3A_739], %mul3A_890 : memref<8x8x128xf32, #tpu.memory_space<vmem>>[vector<16xi32>, vector<16xi32>, vector<16xi32>], vector<16xf32>,
          %shift_right_arithmetic3A_897 = arith.constant 3 : i32
          %shift_right_arithmetic3A_898 = vector.broadcast %shift_right_arithmetic3A_897 : i32 to vector<16xi32>
          %shift_right_arithmetic3A_899 = arith.shrsi %and3A_780, %shift_right_arithmetic3A_898 : vector<16xi32>
          %and3A_900 = arith.constant 7 : i32
          %and3A_901 = vector.broadcast %and3A_900 : i32 to vector<16xi32>
          %and3A_902 = arith.andi %and3A_780, %and3A_901 : vector<16xi32>
          %mul3A_903 = arith.mulf %gather3A_827, %select_n3A : vector<16xf32>
          %scatter3A_904 = arith.constant 0 : i32
          %scatter3A_905 = arith.constant 0 : i32
          %scatter3A_906 = arith.constant 0 : i32
          %scatter3A_907 = arith.constant 0 : i32
          %scatter3A_908 = tpu.memref_slice %arg8[%scatter3A_904, %scatter3A_905, %scatter3A_906, %scatter3A_907] : memref<2x8x8x128xf32, #tpu.memory_space<vmem>> -> memref<1x8x8x128xf32, #tpu.memory_space<vmem>>
          %scatter3A_909 = tpu.memref_squeeze %scatter3A_908 : memref<1x8x8x128xf32, #tpu.memory_space<vmem>> -> memref<8x8x128xf32, #tpu.memory_space<vmem>>
          tpu.vector_store_idx %scatter3A_909[%shift_right_arithmetic3A_899, %and3A_902, %add3A_739], %mul3A_903 : memref<8x8x128xf32, #tpu.memory_space<vmem>>[vector<16xi32>, vector<16xi32>, vector<16xi32>], vector<16xf32>,
          %shift_right_arithmetic3A_910 = arith.constant 3 : i32
          %shift_right_arithmetic3A_911 = vector.broadcast %shift_right_arithmetic3A_910 : i32 to vector<16xi32>
          %shift_right_arithmetic3A_912 = arith.shrsi %and3A_786, %shift_right_arithmetic3A_911 : vector<16xi32>
          %and3A_913 = arith.constant 7 : i32
          %and3A_914 = vector.broadcast %and3A_913 : i32 to vector<16xi32>
          %and3A_915 = arith.andi %and3A_786, %and3A_914 : vector<16xi32>
          %mul3A_916 = arith.mulf %gather3A_833, %select_n3A : vector<16xf32>
          %scatter3A_917 = arith.constant 0 : i32
          %scatter3A_918 = arith.constant 0 : i32
          %scatter3A_919 = arith.constant 0 : i32
          %scatter3A_920 = arith.constant 0 : i32
          %scatter3A_921 = tpu.memref_slice %arg8[%scatter3A_917, %scatter3A_918, %scatter3A_919, %scatter3A_920] : memref<2x8x8x128xf32, #tpu.memory_space<vmem>> -> memref<1x8x8x128xf32, #tpu.memory_space<vmem>>
          %scatter3A_922 = tpu.memref_squeeze %scatter3A_921 : memref<1x8x8x128xf32, #tpu.memory_space<vmem>> -> memref<8x8x128xf32, #tpu.memory_space<vmem>>
          tpu.vector_store_idx %scatter3A_922[%shift_right_arithmetic3A_912, %and3A_915, %add3A_739], %mul3A_916 : memref<8x8x128xf32, #tpu.memory_space<vmem>>[vector<16xi32>, vector<16xi32>, vector<16xi32>], vector<16xf32>,
          %shift_right_arithmetic3A_923 = arith.constant 3 : i32
          %shift_right_arithmetic3A_924 = vector.broadcast %shift_right_arithmetic3A_923 : i32 to vector<16xi32>
          %shift_right_arithmetic3A_925 = arith.shrsi %and3A_792, %shift_right_arithmetic3A_924 : vector<16xi32>
          %and3A_926 = arith.constant 7 : i32
          %and3A_927 = vector.broadcast %and3A_926 : i32 to vector<16xi32>
          %and3A_928 = arith.andi %and3A_792, %and3A_927 : vector<16xi32>
          %mul3A_929 = arith.mulf %gather3A_839, %select_n3A : vector<16xf32>
          %scatter3A_930 = arith.constant 0 : i32
          %scatter3A_931 = arith.constant 0 : i32
          %scatter3A_932 = arith.constant 0 : i32
          %scatter3A_933 = arith.constant 0 : i32
          %scatter3A_934 = tpu.memref_slice %arg8[%scatter3A_930, %scatter3A_931, %scatter3A_932, %scatter3A_933] : memref<2x8x8x128xf32, #tpu.memory_space<vmem>> -> memref<1x8x8x128xf32, #tpu.memory_space<vmem>>
          %scatter3A_935 = tpu.memref_squeeze %scatter3A_934 : memref<1x8x8x128xf32, #tpu.memory_space<vmem>> -> memref<8x8x128xf32, #tpu.memory_space<vmem>>
          tpu.vector_store_idx %scatter3A_935[%shift_right_arithmetic3A_925, %and3A_928, %add3A_739], %mul3A_929 : memref<8x8x128xf32, #tpu.memory_space<vmem>>[vector<16xi32>, vector<16xi32>, vector<16xi32>], vector<16xf32>,
          %shift_right_arithmetic3A_936 = arith.constant 3 : i32
          %shift_right_arithmetic3A_937 = vector.broadcast %shift_right_arithmetic3A_936 : i32 to vector<16xi32>
          %shift_right_arithmetic3A_938 = arith.shrsi %and3A_798, %shift_right_arithmetic3A_937 : vector<16xi32>
          %and3A_939 = arith.constant 7 : i32
          %and3A_940 = vector.broadcast %and3A_939 : i32 to vector<16xi32>
          %and3A_941 = arith.andi %and3A_798, %and3A_940 : vector<16xi32>
          %mul3A_942 = arith.mulf %gather3A_845, %select_n3A : vector<16xf32>
          %scatter3A_943 = arith.constant 0 : i32
          %scatter3A_944 = arith.constant 0 : i32
          %scatter3A_945 = arith.constant 0 : i32
          %scatter3A_946 = arith.constant 0 : i32
          %scatter3A_947 = tpu.memref_slice %arg8[%scatter3A_943, %scatter3A_944, %scatter3A_945, %scatter3A_946] : memref<2x8x8x128xf32, #tpu.memory_space<vmem>> -> memref<1x8x8x128xf32, #tpu.memory_space<vmem>>
          %scatter3A_948 = tpu.memref_squeeze %scatter3A_947 : memref<1x8x8x128xf32, #tpu.memory_space<vmem>> -> memref<8x8x128xf32, #tpu.memory_space<vmem>>
          tpu.vector_store_idx %scatter3A_948[%shift_right_arithmetic3A_938, %and3A_941, %add3A_739], %mul3A_942 : memref<8x8x128xf32, #tpu.memory_space<vmem>>[vector<16xi32>, vector<16xi32>, vector<16xi32>], vector<16xf32>,
        }
        %scan3A_744 = arith.constant 8 : i32
      }
      %scan3A_640 = arith.constant 8 : i32
      %mul3A_641 = arith.constant 4 : i32
      %mul3A_642 = arith.muli %add3A, %mul3A_641 : i32
      %add3A_643 = arith.constant 2 : i32
      %add3A_644 = arith.addi %mul3A_642, %add3A_643 : i32
      %dma_start3A_645 = arith.constant 0 : i32
      %dma_start3A_646 = arith.constant 0 : i32
      %dma_start3A_647 = arith.constant 0 : i32
      %dma_start3A_648 = arith.constant 0 : i32
      %dma_start3A_649 = tpu.memref_slice %arg8[%dma_start3A_645, %dma_start3A_646, %dma_start3A_647, %dma_start3A_648] : memref<2x8x8x128xf32, #tpu.memory_space<vmem>> -> memref<1x8x8x128xf32, #tpu.memory_space<vmem>>
      %dma_start3A_650 = tpu.memref_squeeze %dma_start3A_649 : memref<1x8x8x128xf32, #tpu.memory_space<vmem>> -> memref<8x8x128xf32, #tpu.memory_space<vmem>>
      %dma_start3A_651 = arith.constant 0 : i32
      %dma_start3A_652 = arith.constant 0 : i32
      %dma_start3A_653 = arith.constant 0 : i32
      %dma_start3A_654 = tpu.memref_slice %arg4[%shift_right_arithmetic3A_611, %dma_start3A_651, %add3A_644, %dma_start3A_652, %dma_start3A_653] : memref<50x8x128x8x128xf32, #tpu.memory_space<hbm>> -> memref<1x8x1x8x128xf32, #tpu.memory_space<hbm>>
      %dma_start3A_655 = tpu.memref_squeeze %dma_start3A_654 : memref<1x8x1x8x128xf32, #tpu.memory_space<hbm>> -> memref<8x8x128xf32, #tpu.memory_space<hbm>>
      %dma_start3A_656 = arith.constant 0 : i32
      %dma_start3A_657 = arith.constant 0 : i32
      %dma_start3A_658 = arith.constant 0 : i32
      %dma_start3A_659 = tpu.memref_slice %arg4[%shift_right_arithmetic3A_611, %dma_start3A_656, %add3A_644, %dma_start3A_657, %dma_start3A_658] : memref<50x8x128x8x128xf32, #tpu.memory_space<hbm>> -> memref<1x8x1x8x128xf32, #tpu.memory_space<hbm>>
      %dma_start3A_660 = tpu.memref_squeeze %dma_start3A_659 : memref<1x8x1x8x128xf32, #tpu.memory_space<hbm>> -> memref<8x8x128xf32, #tpu.memory_space<hbm>>
      %dma_start3A_661 = arith.constant 0 : i32
      %dma_start3A_662 = arith.constant 0 : i32
      %dma_start3A_663 = arith.constant 0 : i32
      %dma_start3A_664 = tpu.memref_slice %arg8[%dma_start3A_645, %dma_start3A_661, %dma_start3A_662, %dma_start3A_663] : memref<2x8x8x128xf32, #tpu.memory_space<vmem>> -> memref<1x8x8x128xf32, #tpu.memory_space<vmem>>
      %dma_start3A_665 = tpu.memref_squeeze %dma_start3A_664 : memref<1x8x8x128xf32, #tpu.memory_space<vmem>> -> memref<8x8x128xf32, #tpu.memory_space<vmem>>
      tpu.enqueue_dma source(%dma_start3A_665 : memref<8x8x128xf32, #tpu.memory_space<vmem>>) target(%dma_start3A_660 : memref<8x8x128xf32, #tpu.memory_space<hbm>>) target_semaphore(%arg13 : memref<!tpu.dma_semaphore, #tpu.memory_space<semaphore_mem>>)
      %add3A_666 = arith.constant 3 : i32
      %add3A_667 = arith.addi %add3A_496, %add3A_666 : i32
      %shift_right_arithmetic3A_668 = arith.constant 2 : i32
      %shift_right_arithmetic3A_669 = arith.shrsi %add3A_667, %shift_right_arithmetic3A_668 : i32
      %add3A_670 = arith.constant 3 : i32
      %add3A_671 = arith.addi %add3A_667, %add3A_670 : i32
      %lt3A_672 = arith.constant 200 : i32
      %lt3A_673 = arith.cmpi slt, %add3A_671, %lt3A_672 : i32
      %convert_element_type3A_674 = arith.extui %lt3A_673 : i1 to i32
      %cond3A_675 = arith.constant 0 : i32
      %cond3A_676 = arith.cmpi ne, %convert_element_type3A_674, %cond3A_675 : i32
      scf.if %cond3A_676 {
        %shift_right_arithmetic3A_724 = arith.constant 2 : i32
        %shift_right_arithmetic3A_725 = arith.shrsi %add3A_671, %shift_right_arithmetic3A_724 : i32
        %get3A_726 = arith.constant 2 : i32
        %get3A_727 = arith.index_cast %get3A_726 : i32 to index
        %get3A_728 = arith.index_cast %shift_right_arithmetic3A_725 : i32 to index
        %get3A_729 = arith.constant 0 : index
        %get3A_730 = tpu.vector_load %arg5[%get3A_727, %get3A_728, %get3A_729] {strides = array<i32>} : memref<4x50x128xi32, #tpu.memory_space<vmem>>, vector<16xi32>,
        %sub3A_731 = arith.constant 1 : i32
        %sub3A_732 = vector.broadcast %sub3A_731 : i32 to vector<16xi32>
        %sub3A_733 = arith.subi %get3A_730, %sub3A_732 : vector<16xi32>
        %max3A_734 = arith.constant 0 : i32
        %max3A_735 = vector.broadcast %max3A_734 : i32 to vector<16xi32>
        %max3A_736 = arith.maxsi %sub3A_733, %max3A_735 : vector<16xi32>
        %swap3A_737 = arith.constant 2 : i32
        %swap3A_738 = arith.index_cast %swap3A_737 : i32 to index
        %swap3A_739 = arith.constant 0 : index
        %swap3A_740 = tpu.vector_load %arg6[%swap3A_738, %swap3A_739] {strides = array<i32>} : memref<4x128xi32, #tpu.memory_space<vmem>>, vector<16xi32>,
        tpu.vector_store %arg6[%swap3A_738, %swap3A_739], %max3A_736 {strides = array<i32>} : memref<4x128xi32, #tpu.memory_space<vmem>>, vector<16xi32>,
        %get3A_741 = arith.constant 2 : i32
        %get3A_742 = arith.index_cast %get3A_741 : i32 to index
        %get3A_743 = arith.index_cast %shift_right_arithmetic3A_725 : i32 to index
        %get3A_744 = arith.constant 16 : index
        %get3A_745 = tpu.vector_load %arg5[%get3A_742, %get3A_743, %get3A_744] {strides = array<i32>} : memref<4x50x128xi32, #tpu.memory_space<vmem>>, vector<16xi32>,
        %sub3A_746 = arith.constant 1 : i32
        %sub3A_747 = vector.broadcast %sub3A_746 : i32 to vector<16xi32>
        %sub3A_748 = arith.subi %get3A_745, %sub3A_747 : vector<16xi32>
        %max3A_749 = arith.constant 0 : i32
        %max3A_750 = vector.broadcast %max3A_749 : i32 to vector<16xi32>
        %max3A_751 = arith.maxsi %sub3A_748, %max3A_750 : vector<16xi32>
        %swap3A_752 = arith.constant 2 : i32
        %swap3A_753 = arith.index_cast %swap3A_752 : i32 to index
        %swap3A_754 = arith.constant 16 : index
        %swap3A_755 = tpu.vector_load %arg6[%swap3A_753, %swap3A_754] {strides = array<i32>} : memref<4x128xi32, #tpu.memory_space<vmem>>, vector<16xi32>,
        tpu.vector_store %arg6[%swap3A_753, %swap3A_754], %max3A_751 {strides = array<i32>} : memref<4x128xi32, #tpu.memory_space<vmem>>, vector<16xi32>,
        %get3A_756 = arith.constant 2 : i32
        %get3A_757 = arith.index_cast %get3A_756 : i32 to index
        %get3A_758 = arith.index_cast %shift_right_arithmetic3A_725 : i32 to index
        %get3A_759 = arith.constant 32 : index
        %get3A_760 = tpu.vector_load %arg5[%get3A_757, %get3A_758, %get3A_759] {strides = array<i32>} : memref<4x50x128xi32, #tpu.memory_space<vmem>>, vector<16xi32>,
        %sub3A_761 = arith.constant 1 : i32
        %sub3A_762 = vector.broadcast %sub3A_761 : i32 to vector<16xi32>
        %sub3A_763 = arith.subi %get3A_760, %sub3A_762 : vector<16xi32>
        %max3A_764 = arith.constant 0 : i32
        %max3A_765 = vector.broadcast %max3A_764 : i32 to vector<16xi32>
        %max3A_766 = arith.maxsi %sub3A_763, %max3A_765 : vector<16xi32>
        %swap3A_767 = arith.constant 2 : i32
        %swap3A_768 = arith.index_cast %swap3A_767 : i32 to index
        %swap3A_769 = arith.constant 32 : index
        %swap3A_770 = tpu.vector_load %arg6[%swap3A_768, %swap3A_769] {strides = array<i32>} : memref<4x128xi32, #tpu.memory_space<vmem>>, vector<16xi32>,
        tpu.vector_store %arg6[%swap3A_768, %swap3A_769], %max3A_766 {strides = array<i32>} : memref<4x128xi32, #tpu.memory_space<vmem>>, vector<16xi32>,
        %get3A_771 = arith.constant 2 : i32
        %get3A_772 = arith.index_cast %get3A_771 : i32 to index
        %get3A_773 = arith.index_cast %shift_right_arithmetic3A_725 : i32 to index
        %get3A_774 = arith.constant 48 : index
        %get3A_775 = tpu.vector_load %arg5[%get3A_772, %get3A_773, %get3A_774] {strides = array<i32>} : memref<4x50x128xi32, #tpu.memory_space<vmem>>, vector<16xi32>,
        %sub3A_776 = arith.constant 1 : i32
        %sub3A_777 = vector.broadcast %sub3A_776 : i32 to vector<16xi32>
        %sub3A_778 = arith.subi %get3A_775, %sub3A_777 : vector<16xi32>
        %max3A_779 = arith.constant 0 : i32
        %max3A_780 = vector.broadcast %max3A_779 : i32 to vector<16xi32>
        %max3A_781 = arith.maxsi %sub3A_778, %max3A_780 : vector<16xi32>
        %swap3A_782 = arith.constant 2 : i32
        %swap3A_783 = arith.index_cast %swap3A_782 : i32 to index
        %swap3A_784 = arith.constant 48 : index
        %swap3A_785 = tpu.vector_load %arg6[%swap3A_783, %swap3A_784] {strides = array<i32>} : memref<4x128xi32, #tpu.memory_space<vmem>>, vector<16xi32>,
        tpu.vector_store %arg6[%swap3A_783, %swap3A_784], %max3A_781 {strides = array<i32>} : memref<4x128xi32, #tpu.memory_space<vmem>>, vector<16xi32>,
        %get3A_786 = arith.constant 2 : i32
        %get3A_787 = arith.index_cast %get3A_786 : i32 to index
        %get3A_788 = arith.index_cast %shift_right_arithmetic3A_725 : i32 to index
        %get3A_789 = arith.constant 64 : index
        %get3A_790 = tpu.vector_load %arg5[%get3A_787, %get3A_788, %get3A_789] {strides = array<i32>} : memref<4x50x128xi32, #tpu.memory_space<vmem>>, vector<16xi32>,
        %sub3A_791 = arith.constant 1 : i32
        %sub3A_792 = vector.broadcast %sub3A_791 : i32 to vector<16xi32>
        %sub3A_793 = arith.subi %get3A_790, %sub3A_792 : vector<16xi32>
        %max3A_794 = arith.constant 0 : i32
        %max3A_795 = vector.broadcast %max3A_794 : i32 to vector<16xi32>
        %max3A_796 = arith.maxsi %sub3A_793, %max3A_795 : vector<16xi32>
        %swap3A_797 = arith.constant 2 : i32
        %swap3A_798 = arith.index_cast %swap3A_797 : i32 to index
        %swap3A_799 = arith.constant 64 : index
        %swap3A_800 = tpu.vector_load %arg6[%swap3A_798, %swap3A_799] {strides = array<i32>} : memref<4x128xi32, #tpu.memory_space<vmem>>, vector<16xi32>,
        tpu.vector_store %arg6[%swap3A_798, %swap3A_799], %max3A_796 {strides = array<i32>} : memref<4x128xi32, #tpu.memory_space<vmem>>, vector<16xi32>,
        %get3A_801 = arith.constant 2 : i32
        %get3A_802 = arith.index_cast %get3A_801 : i32 to index
        %get3A_803 = arith.index_cast %shift_right_arithmetic3A_725 : i32 to index
        %get3A_804 = arith.constant 80 : index
        %get3A_805 = tpu.vector_load %arg5[%get3A_802, %get3A_803, %get3A_804] {strides = array<i32>} : memref<4x50x128xi32, #tpu.memory_space<vmem>>, vector<16xi32>,
        %sub3A_806 = arith.constant 1 : i32
        %sub3A_807 = vector.broadcast %sub3A_806 : i32 to vector<16xi32>
        %sub3A_808 = arith.subi %get3A_805, %sub3A_807 : vector<16xi32>
        %max3A_809 = arith.constant 0 : i32
        %max3A_810 = vector.broadcast %max3A_809 : i32 to vector<16xi32>
        %max3A_811 = arith.maxsi %sub3A_808, %max3A_810 : vector<16xi32>
        %swap3A_812 = arith.constant 2 : i32
        %swap3A_813 = arith.index_cast %swap3A_812 : i32 to index
        %swap3A_814 = arith.constant 80 : index
        %swap3A_815 = tpu.vector_load %arg6[%swap3A_813, %swap3A_814] {strides = array<i32>} : memref<4x128xi32, #tpu.memory_space<vmem>>, vector<16xi32>,
        tpu.vector_store %arg6[%swap3A_813, %swap3A_814], %max3A_811 {strides = array<i32>} : memref<4x128xi32, #tpu.memory_space<vmem>>, vector<16xi32>,
        %get3A_816 = arith.constant 2 : i32
        %get3A_817 = arith.index_cast %get3A_816 : i32 to index
        %get3A_818 = arith.index_cast %shift_right_arithmetic3A_725 : i32 to index
        %get3A_819 = arith.constant 96 : index
        %get3A_820 = tpu.vector_load %arg5[%get3A_817, %get3A_818, %get3A_819] {strides = array<i32>} : memref<4x50x128xi32, #tpu.memory_space<vmem>>, vector<16xi32>,
        %sub3A_821 = arith.constant 1 : i32
        %sub3A_822 = vector.broadcast %sub3A_821 : i32 to vector<16xi32>
        %sub3A_823 = arith.subi %get3A_820, %sub3A_822 : vector<16xi32>
        %max3A_824 = arith.constant 0 : i32
        %max3A_825 = vector.broadcast %max3A_824 : i32 to vector<16xi32>
        %max3A_826 = arith.maxsi %sub3A_823, %max3A_825 : vector<16xi32>
        %swap3A_827 = arith.constant 2 : i32
        %swap3A_828 = arith.index_cast %swap3A_827 : i32 to index
        %swap3A_829 = arith.constant 96 : index
        %swap3A_830 = tpu.vector_load %arg6[%swap3A_828, %swap3A_829] {strides = array<i32>} : memref<4x128xi32, #tpu.memory_space<vmem>>, vector<16xi32>,
        tpu.vector_store %arg6[%swap3A_828, %swap3A_829], %max3A_826 {strides = array<i32>} : memref<4x128xi32, #tpu.memory_space<vmem>>, vector<16xi32>,
        %get3A_831 = arith.constant 2 : i32
        %get3A_832 = arith.index_cast %get3A_831 : i32 to index
        %get3A_833 = arith.index_cast %shift_right_arithmetic3A_725 : i32 to index
        %get3A_834 = arith.constant 112 : index
        %get3A_835 = tpu.vector_load %arg5[%get3A_832, %get3A_833, %get3A_834] {strides = array<i32>} : memref<4x50x128xi32, #tpu.memory_space<vmem>>, vector<16xi32>,
        %sub3A_836 = arith.constant 1 : i32
        %sub3A_837 = vector.broadcast %sub3A_836 : i32 to vector<16xi32>
        %sub3A_838 = arith.subi %get3A_835, %sub3A_837 : vector<16xi32>
        %max3A_839 = arith.constant 0 : i32
        %max3A_840 = vector.broadcast %max3A_839 : i32 to vector<16xi32>
        %max3A_841 = arith.maxsi %sub3A_838, %max3A_840 : vector<16xi32>
        %swap3A_842 = arith.constant 2 : i32
        %swap3A_843 = arith.index_cast %swap3A_842 : i32 to index
        %swap3A_844 = arith.constant 112 : index
        %swap3A_845 = tpu.vector_load %arg6[%swap3A_843, %swap3A_844] {strides = array<i32>} : memref<4x128xi32, #tpu.memory_space<vmem>>, vector<16xi32>,
        tpu.vector_store %arg6[%swap3A_843, %swap3A_844], %max3A_841 {strides = array<i32>} : memref<4x128xi32, #tpu.memory_space<vmem>>, vector<16xi32>,
        %dma_start3A_846 = arith.constant 2 : i32
        %dma_start3A_847 = arith.constant 2 : i32
        %dma_start3A_848 = arith.constant 0 : i32
        %dma_start3A_849 = arith.constant 0 : i32
        %dma_start3A_850 = tpu.memref_slice %arg7[%dma_start3A_847, %dma_start3A_848, %dma_start3A_849] : memref<4x128x64xf32, #tpu.memory_space<vmem>> -> memref<1x128x64xf32, #tpu.memory_space<vmem>>
        %dma_start3A_851 = tpu.memref_squeeze %dma_start3A_850 : memref<1x128x64xf32, #tpu.memory_space<vmem>> -> memref<128x64xf32, #tpu.memory_space<vmem>>
        %dma_start3A_852 = arith.constant 0 : i32
        %dma_start3A_853 = tpu.memref_slice %arg6[%dma_start3A_846, %dma_start3A_852] : memref<4x128xi32, #tpu.memory_space<vmem>> -> memref<1x128xi32, #tpu.memory_space<vmem>>
        %dma_start3A_854 = tpu.memref_squeeze %dma_start3A_853 : memref<1x128xi32, #tpu.memory_space<vmem>> -> memref<128xi32, #tpu.memory_space<vmem>>
        %dma_start3A_855 = arith.constant 0 : i32
        %dma_start3A_856 = arith.constant 0 : i32
        %dma_start3A_857 = tpu.memref_slice %arg3[%dma_start3A_855, %dma_start3A_856] : memref<999999x64xf32, #tpu.memory_space<hbm>> -> memref<999999x64xf32, #tpu.memory_space<hbm>>
        tpu.enqueue_indirect_dma source(%dma_start3A_857 : memref<999999x64xf32, #tpu.memory_space<hbm>>) target(%dma_start3A_851 : memref<128x64xf32, #tpu.memory_space<vmem>>) offsets(%dma_start3A_854 : memref<128xi32, #tpu.memory_space<vmem>>) semaphore(%arg11 : memref<!tpu.dma_semaphore, #tpu.memory_space<semaphore_mem>>)
      } else {
      }
      %dma_wait3A_677 = arith.constant 3 : i32
      %dma_wait3A_678 = arith.constant 3 : i32
      %dma_wait3A_679 = arith.constant 0 : i32
      %dma_wait3A_680 = arith.constant 0 : i32
      %dma_wait3A_681 = tpu.memref_slice %arg7[%dma_wait3A_678, %dma_wait3A_679, %dma_wait3A_680] : memref<4x128x64xf32, #tpu.memory_space<vmem>> -> memref<1x128x64xf32, #tpu.memory_space<vmem>>
      %dma_wait3A_682 = tpu.memref_squeeze %dma_wait3A_681 : memref<1x128x64xf32, #tpu.memory_space<vmem>> -> memref<128x64xf32, #tpu.memory_space<vmem>>
      %dma_wait3A_683 = arith.constant 0 : i32
      %dma_wait3A_684 = tpu.memref_slice %arg6[%dma_wait3A_677, %dma_wait3A_683] : memref<4x128xi32, #tpu.memory_space<vmem>> -> memref<1x128xi32, #tpu.memory_space<vmem>>
      %dma_wait3A_685 = tpu.memref_squeeze %dma_wait3A_684 : memref<1x128xi32, #tpu.memory_space<vmem>> -> memref<128xi32, #tpu.memory_space<vmem>>
      %dma_wait3A_686 = arith.constant 0 : i32
      %dma_wait3A_687 = arith.constant 0 : i32
      %dma_wait3A_688 = tpu.memref_slice %arg3[%dma_wait3A_686, %dma_wait3A_687] : memref<999999x64xf32, #tpu.memory_space<hbm>> -> memref<999999x64xf32, #tpu.memory_space<hbm>>
      tpu.wait_indirect_dma semaphore(%arg12 : memref<!tpu.dma_semaphore, #tpu.memory_space<semaphore_mem>>) src(%dma_wait3A_688 : memref<999999x64xf32, #tpu.memory_space<hbm>>) dst(%dma_wait3A_682 : memref<128x64xf32, #tpu.memory_space<vmem>>)
      %ge3A_689 = arith.constant 2 : i32
      %ge3A_690 = arith.cmpi sge, %add3A_667, %ge3A_689 : i32
      %convert_element_type3A_691 = arith.extui %ge3A_690 : i1 to i32
      %cond3A_692 = arith.constant 0 : i32
      %cond3A_693 = arith.cmpi ne, %convert_element_type3A_691, %cond3A_692 : i32
      scf.if %cond3A_693 {
        %dma_wait3A_724 = arith.constant 0 : i32
        %dma_wait3A_725 = arith.constant 0 : i32
        %dma_wait3A_726 = arith.constant 1 : i32
        %dma_wait3A_727 = arith.constant 0 : i32
        %dma_wait3A_728 = arith.constant 0 : i32
        %dma_wait3A_729 = arith.constant 0 : i32
        %dma_wait3A_730 = tpu.memref_slice %arg8[%dma_wait3A_726, %dma_wait3A_727, %dma_wait3A_728, %dma_wait3A_729] : memref<2x8x8x128xf32, #tpu.memory_space<vmem>> -> memref<1x8x8x128xf32, #tpu.memory_space<vmem>>
        %dma_wait3A_731 = tpu.memref_squeeze %dma_wait3A_730 : memref<1x8x8x128xf32, #tpu.memory_space<vmem>> -> memref<8x8x128xf32, #tpu.memory_space<vmem>>
        %dma_wait3A_732 = arith.constant 0 : i32
        %dma_wait3A_733 = arith.constant 0 : i32
        %dma_wait3A_734 = arith.constant 0 : i32
        %dma_wait3A_735 = tpu.memref_slice %arg4[%dma_wait3A_724, %dma_wait3A_732, %dma_wait3A_725, %dma_wait3A_733, %dma_wait3A_734] : memref<50x8x128x8x128xf32, #tpu.memory_space<hbm>> -> memref<1x8x1x8x128xf32, #tpu.memory_space<hbm>>
        %dma_wait3A_736 = tpu.memref_squeeze %dma_wait3A_735 : memref<1x8x1x8x128xf32, #tpu.memory_space<hbm>> -> memref<8x8x128xf32, #tpu.memory_space<hbm>>
        %dma_wait3A_737 = arith.constant 0 : i32
        %dma_wait3A_738 = arith.constant 0 : i32
        %dma_wait3A_739 = arith.constant 0 : i32
        %dma_wait3A_740 = tpu.memref_slice %arg8[%dma_wait3A_726, %dma_wait3A_737, %dma_wait3A_738, %dma_wait3A_739] : memref<2x8x8x128xf32, #tpu.memory_space<vmem>> -> memref<1x8x8x128xf32, #tpu.memory_space<vmem>>
        %dma_wait3A_741 = tpu.memref_squeeze %dma_wait3A_740 : memref<1x8x8x128xf32, #tpu.memory_space<vmem>> -> memref<8x8x128xf32, #tpu.memory_space<vmem>>
        %dma_wait3A_742 = arith.constant 0 : i32
        %dma_wait3A_743 = arith.constant 0 : i32
        %dma_wait3A_744 = arith.constant 0 : i32
        %dma_wait3A_745 = tpu.memref_slice %arg4[%dma_wait3A_724, %dma_wait3A_742, %dma_wait3A_725, %dma_wait3A_743, %dma_wait3A_744] : memref<50x8x128x8x128xf32, #tpu.memory_space<hbm>> -> memref<1x8x1x8x128xf32, #tpu.memory_space<hbm>>
        %dma_wait3A_746 = tpu.memref_squeeze %dma_wait3A_745 : memref<1x8x1x8x128xf32, #tpu.memory_space<hbm>> -> memref<8x8x128xf32, #tpu.memory_space<hbm>>
        tpu.wait_dma2 semaphore(%arg14 : memref<!tpu.dma_semaphore, #tpu.memory_space<semaphore_mem>>) src(%dma_wait3A_746 : memref<8x8x128xf32, #tpu.memory_space<hbm>>) dst(%dma_wait3A_741 : memref<8x8x128xf32, #tpu.memory_space<vmem>>)
      } else {
      }
      %scan3A_694 = arith.constant 0 : i32
      %scan3A_695 = arith.constant 8 : i32
      %scan3A_696 = arith.addi %scan3A_694, %scan3A_695 : i32
      %scan3A_697 = arith.constant 1 : i32
      scf.for %scan3A_724 = %scan3A_694 to %scan3A_696 step %scan3A_697  : i32 {
        %mul3A_725 = arith.constant 16 : i32
        %mul3A_726 = arith.muli %scan3A_724, %mul3A_725 : i32
        %add3A_727 = arith.constant 0 : i32
        %add3A_728 = arith.addi %add3A_727, %mul3A_726 : i32
        %get3A_729 = arith.constant 3 : i32
        %get3A_730 = arith.index_cast %get3A_729 : i32 to index
        %get3A_731 = arith.index_cast %shift_right_arithmetic3A_669 : i32 to index
        %get3A_732 = arith.index_cast %add3A_728 : i32 to index
        %get3A_733 = tpu.vector_load %arg5[%get3A_730, %get3A_731, %get3A_732] {strides = array<i32>} : memref<4x50x128xi32, #tpu.memory_space<vmem>>, vector<16xi32>,
        %eq3A = arith.constant 0 : i32
        %eq3A_734 = vector.broadcast %eq3A : i32 to vector<16xi32>
        %eq3A_735 = arith.cmpi eq, %get3A_733, %eq3A_734 : vector<16xi32>
        %jit3A = arith.constant 0.000000e+00 : f32
        %jit3A_736 = arith.constant 8.000000e+00 : f32
        %broadcast_in_dim3A = vector.broadcast %jit3A : f32 to vector<16xf32>
        %broadcast_in_dim3A_737 = vector.broadcast %jit3A_736 : f32 to vector<16xf32>
        %select_n3A = arith.select %eq3A_735, %broadcast_in_dim3A, %broadcast_in_dim3A_737 : vector<16xi1>, vector<16xf32>
        %iota3A = tpu.iota {dimensions = array<i32: 0>} : vector<16xi32>
        %add3A_738 = vector.broadcast %add3A_728 : i32 to vector<16xi32>
        %add3A_739 = arith.addi %iota3A, %add3A_738 : vector<16xi32>
        %scan3A_740 = arith.constant 0 : i32
        %scan3A_741 = arith.constant 8 : i32
        %scan3A_742 = arith.addi %scan3A_740, %scan3A_741 : i32
        %scan3A_743 = arith.constant 1 : i32
        scf.for %scan3A_745 = %scan3A_740 to %scan3A_742 step %scan3A_743  : i32 {
          %mul3A_746 = arith.constant 8 : i32
          %mul3A_747 = arith.muli %scan3A_745, %mul3A_746 : i32
          %add3A_748 = arith.constant 0 : i32
          %add3A_749 = arith.addi %add3A_748, %mul3A_747 : i32
          %add3A_750 = vector.broadcast %add3A_749 : i32 to vector<16xi32>
          %add3A_751 = arith.addi %iota3A, %add3A_750 : vector<16xi32>
          %add3A_752 = arith.constant 0 : i32
          %add3A_753 = vector.broadcast %add3A_752 : i32 to vector<16xi32>
          %add3A_754 = arith.addi %add3A_751, %add3A_753 : vector<16xi32>
          %and3A = arith.constant 63 : i32
          %and3A_755 = vector.broadcast %and3A : i32 to vector<16xi32>
          %and3A_756 = arith.andi %add3A_754, %and3A_755 : vector<16xi32>
          %add3A_757 = arith.constant 1 : i32
          %add3A_758 = vector.broadcast %add3A_757 : i32 to vector<16xi32>
          %add3A_759 = arith.addi %add3A_751, %add3A_758 : vector<16xi32>
          %and3A_760 = arith.constant 63 : i32
          %and3A_761 = vector.broadcast %and3A_760 : i32 to vector<16xi32>
          %and3A_762 = arith.andi %add3A_759, %and3A_761 : vector<16xi32>
          %add3A_763 = arith.constant 2 : i32
          %add3A_764 = vector.broadcast %add3A_763 : i32 to vector<16xi32>
          %add3A_765 = arith.addi %add3A_751, %add3A_764 : vector<16xi32>
          %and3A_766 = arith.constant 63 : i32
          %and3A_767 = vector.broadcast %and3A_766 : i32 to vector<16xi32>
          %and3A_768 = arith.andi %add3A_765, %and3A_767 : vector<16xi32>
          %add3A_769 = arith.constant 3 : i32
          %add3A_770 = vector.broadcast %add3A_769 : i32 to vector<16xi32>
          %add3A_771 = arith.addi %add3A_751, %add3A_770 : vector<16xi32>
          %and3A_772 = arith.constant 63 : i32
          %and3A_773 = vector.broadcast %and3A_772 : i32 to vector<16xi32>
          %and3A_774 = arith.andi %add3A_771, %and3A_773 : vector<16xi32>
          %add3A_775 = arith.constant 4 : i32
          %add3A_776 = vector.broadcast %add3A_775 : i32 to vector<16xi32>
          %add3A_777 = arith.addi %add3A_751, %add3A_776 : vector<16xi32>
          %and3A_778 = arith.constant 63 : i32
          %and3A_779 = vector.broadcast %and3A_778 : i32 to vector<16xi32>
          %and3A_780 = arith.andi %add3A_777, %and3A_779 : vector<16xi32>
          %add3A_781 = arith.constant 5 : i32
          %add3A_782 = vector.broadcast %add3A_781 : i32 to vector<16xi32>
          %add3A_783 = arith.addi %add3A_751, %add3A_782 : vector<16xi32>
          %and3A_784 = arith.constant 63 : i32
          %and3A_785 = vector.broadcast %and3A_784 : i32 to vector<16xi32>
          %and3A_786 = arith.andi %add3A_783, %and3A_785 : vector<16xi32>
          %add3A_787 = arith.constant 6 : i32
          %add3A_788 = vector.broadcast %add3A_787 : i32 to vector<16xi32>
          %add3A_789 = arith.addi %add3A_751, %add3A_788 : vector<16xi32>
          %and3A_790 = arith.constant 63 : i32
          %and3A_791 = vector.broadcast %and3A_790 : i32 to vector<16xi32>
          %and3A_792 = arith.andi %add3A_789, %and3A_791 : vector<16xi32>
          %add3A_793 = arith.constant 7 : i32
          %add3A_794 = vector.broadcast %add3A_793 : i32 to vector<16xi32>
          %add3A_795 = arith.addi %add3A_751, %add3A_794 : vector<16xi32>
          %and3A_796 = arith.constant 63 : i32
          %and3A_797 = vector.broadcast %and3A_796 : i32 to vector<16xi32>
          %and3A_798 = arith.andi %add3A_795, %and3A_797 : vector<16xi32>
          %gather3A = arith.constant 3 : i32
          %gather3A_799 = arith.constant 0 : i32
          %gather3A_800 = arith.constant 0 : i32
          %gather3A_801 = tpu.memref_slice %arg7[%gather3A, %gather3A_799, %gather3A_800] : memref<4x128x64xf32, #tpu.memory_space<vmem>> -> memref<1x128x64xf32, #tpu.memory_space<vmem>>
          %gather3A_802 = tpu.memref_squeeze %gather3A_801 : memref<1x128x64xf32, #tpu.memory_space<vmem>> -> memref<128x64xf32, #tpu.memory_space<vmem>>
          %gather3A_803 = tpu.vector_load_idx %gather3A_802[%add3A_739, %and3A_756] : memref<128x64xf32, #tpu.memory_space<vmem>>[vector<16xi32>, vector<16xi32>], vector<16xf32>,
          %gather3A_804 = arith.constant 3 : i32
          %gather3A_805 = arith.constant 0 : i32
          %gather3A_806 = arith.constant 0 : i32
          %gather3A_807 = tpu.memref_slice %arg7[%gather3A_804, %gather3A_805, %gather3A_806] : memref<4x128x64xf32, #tpu.memory_space<vmem>> -> memref<1x128x64xf32, #tpu.memory_space<vmem>>
          %gather3A_808 = tpu.memref_squeeze %gather3A_807 : memref<1x128x64xf32, #tpu.memory_space<vmem>> -> memref<128x64xf32, #tpu.memory_space<vmem>>
          %gather3A_809 = tpu.vector_load_idx %gather3A_808[%add3A_739, %and3A_762] : memref<128x64xf32, #tpu.memory_space<vmem>>[vector<16xi32>, vector<16xi32>], vector<16xf32>,
          %gather3A_810 = arith.constant 3 : i32
          %gather3A_811 = arith.constant 0 : i32
          %gather3A_812 = arith.constant 0 : i32
          %gather3A_813 = tpu.memref_slice %arg7[%gather3A_810, %gather3A_811, %gather3A_812] : memref<4x128x64xf32, #tpu.memory_space<vmem>> -> memref<1x128x64xf32, #tpu.memory_space<vmem>>
          %gather3A_814 = tpu.memref_squeeze %gather3A_813 : memref<1x128x64xf32, #tpu.memory_space<vmem>> -> memref<128x64xf32, #tpu.memory_space<vmem>>
          %gather3A_815 = tpu.vector_load_idx %gather3A_814[%add3A_739, %and3A_768] : memref<128x64xf32, #tpu.memory_space<vmem>>[vector<16xi32>, vector<16xi32>], vector<16xf32>,
          %gather3A_816 = arith.constant 3 : i32
          %gather3A_817 = arith.constant 0 : i32
          %gather3A_818 = arith.constant 0 : i32
          %gather3A_819 = tpu.memref_slice %arg7[%gather3A_816, %gather3A_817, %gather3A_818] : memref<4x128x64xf32, #tpu.memory_space<vmem>> -> memref<1x128x64xf32, #tpu.memory_space<vmem>>
          %gather3A_820 = tpu.memref_squeeze %gather3A_819 : memref<1x128x64xf32, #tpu.memory_space<vmem>> -> memref<128x64xf32, #tpu.memory_space<vmem>>
          %gather3A_821 = tpu.vector_load_idx %gather3A_820[%add3A_739, %and3A_774] : memref<128x64xf32, #tpu.memory_space<vmem>>[vector<16xi32>, vector<16xi32>], vector<16xf32>,
          %gather3A_822 = arith.constant 3 : i32
          %gather3A_823 = arith.constant 0 : i32
          %gather3A_824 = arith.constant 0 : i32
          %gather3A_825 = tpu.memref_slice %arg7[%gather3A_822, %gather3A_823, %gather3A_824] : memref<4x128x64xf32, #tpu.memory_space<vmem>> -> memref<1x128x64xf32, #tpu.memory_space<vmem>>
          %gather3A_826 = tpu.memref_squeeze %gather3A_825 : memref<1x128x64xf32, #tpu.memory_space<vmem>> -> memref<128x64xf32, #tpu.memory_space<vmem>>
          %gather3A_827 = tpu.vector_load_idx %gather3A_826[%add3A_739, %and3A_780] : memref<128x64xf32, #tpu.memory_space<vmem>>[vector<16xi32>, vector<16xi32>], vector<16xf32>,
          %gather3A_828 = arith.constant 3 : i32
          %gather3A_829 = arith.constant 0 : i32
          %gather3A_830 = arith.constant 0 : i32
          %gather3A_831 = tpu.memref_slice %arg7[%gather3A_828, %gather3A_829, %gather3A_830] : memref<4x128x64xf32, #tpu.memory_space<vmem>> -> memref<1x128x64xf32, #tpu.memory_space<vmem>>
          %gather3A_832 = tpu.memref_squeeze %gather3A_831 : memref<1x128x64xf32, #tpu.memory_space<vmem>> -> memref<128x64xf32, #tpu.memory_space<vmem>>
          %gather3A_833 = tpu.vector_load_idx %gather3A_832[%add3A_739, %and3A_786] : memref<128x64xf32, #tpu.memory_space<vmem>>[vector<16xi32>, vector<16xi32>], vector<16xf32>,
          %gather3A_834 = arith.constant 3 : i32
          %gather3A_835 = arith.constant 0 : i32
          %gather3A_836 = arith.constant 0 : i32
          %gather3A_837 = tpu.memref_slice %arg7[%gather3A_834, %gather3A_835, %gather3A_836] : memref<4x128x64xf32, #tpu.memory_space<vmem>> -> memref<1x128x64xf32, #tpu.memory_space<vmem>>
          %gather3A_838 = tpu.memref_squeeze %gather3A_837 : memref<1x128x64xf32, #tpu.memory_space<vmem>> -> memref<128x64xf32, #tpu.memory_space<vmem>>
          %gather3A_839 = tpu.vector_load_idx %gather3A_838[%add3A_739, %and3A_792] : memref<128x64xf32, #tpu.memory_space<vmem>>[vector<16xi32>, vector<16xi32>], vector<16xf32>,
          %gather3A_840 = arith.constant 3 : i32
          %gather3A_841 = arith.constant 0 : i32
          %gather3A_842 = arith.constant 0 : i32
          %gather3A_843 = tpu.memref_slice %arg7[%gather3A_840, %gather3A_841, %gather3A_842] : memref<4x128x64xf32, #tpu.memory_space<vmem>> -> memref<1x128x64xf32, #tpu.memory_space<vmem>>
          %gather3A_844 = tpu.memref_squeeze %gather3A_843 : memref<1x128x64xf32, #tpu.memory_space<vmem>> -> memref<128x64xf32, #tpu.memory_space<vmem>>
          %gather3A_845 = tpu.vector_load_idx %gather3A_844[%add3A_739, %and3A_798] : memref<128x64xf32, #tpu.memory_space<vmem>>[vector<16xi32>, vector<16xi32>], vector<16xf32>,
          %shift_right_arithmetic3A_846 = arith.constant 3 : i32
          %shift_right_arithmetic3A_847 = vector.broadcast %shift_right_arithmetic3A_846 : i32 to vector<16xi32>
          %shift_right_arithmetic3A_848 = arith.shrsi %and3A_756, %shift_right_arithmetic3A_847 : vector<16xi32>
          %and3A_849 = arith.constant 7 : i32
          %and3A_850 = vector.broadcast %and3A_849 : i32 to vector<16xi32>
          %and3A_851 = arith.andi %and3A_756, %and3A_850 : vector<16xi32>
          %mul3A_852 = arith.mulf %gather3A_803, %select_n3A : vector<16xf32>
          %scatter3A = arith.constant 1 : i32
          %scatter3A_853 = arith.constant 0 : i32
          %scatter3A_854 = arith.constant 0 : i32
          %scatter3A_855 = arith.constant 0 : i32
          %scatter3A_856 = tpu.memref_slice %arg8[%scatter3A, %scatter3A_853, %scatter3A_854, %scatter3A_855] : memref<2x8x8x128xf32, #tpu.memory_space<vmem>> -> memref<1x8x8x128xf32, #tpu.memory_space<vmem>>
          %scatter3A_857 = tpu.memref_squeeze %scatter3A_856 : memref<1x8x8x128xf32, #tpu.memory_space<vmem>> -> memref<8x8x128xf32, #tpu.memory_space<vmem>>
          tpu.vector_store_idx %scatter3A_857[%shift_right_arithmetic3A_848, %and3A_851, %add3A_739], %mul3A_852 : memref<8x8x128xf32, #tpu.memory_space<vmem>>[vector<16xi32>, vector<16xi32>, vector<16xi32>], vector<16xf32>,
          %shift_right_arithmetic3A_858 = arith.constant 3 : i32
          %shift_right_arithmetic3A_859 = vector.broadcast %shift_right_arithmetic3A_858 : i32 to vector<16xi32>
          %shift_right_arithmetic3A_860 = arith.shrsi %and3A_762, %shift_right_arithmetic3A_859 : vector<16xi32>
          %and3A_861 = arith.constant 7 : i32
          %and3A_862 = vector.broadcast %and3A_861 : i32 to vector<16xi32>
          %and3A_863 = arith.andi %and3A_762, %and3A_862 : vector<16xi32>
          %mul3A_864 = arith.mulf %gather3A_809, %select_n3A : vector<16xf32>
          %scatter3A_865 = arith.constant 1 : i32
          %scatter3A_866 = arith.constant 0 : i32
          %scatter3A_867 = arith.constant 0 : i32
          %scatter3A_868 = arith.constant 0 : i32
          %scatter3A_869 = tpu.memref_slice %arg8[%scatter3A_865, %scatter3A_866, %scatter3A_867, %scatter3A_868] : memref<2x8x8x128xf32, #tpu.memory_space<vmem>> -> memref<1x8x8x128xf32, #tpu.memory_space<vmem>>
          %scatter3A_870 = tpu.memref_squeeze %scatter3A_869 : memref<1x8x8x128xf32, #tpu.memory_space<vmem>> -> memref<8x8x128xf32, #tpu.memory_space<vmem>>
          tpu.vector_store_idx %scatter3A_870[%shift_right_arithmetic3A_860, %and3A_863, %add3A_739], %mul3A_864 : memref<8x8x128xf32, #tpu.memory_space<vmem>>[vector<16xi32>, vector<16xi32>, vector<16xi32>], vector<16xf32>,
          %shift_right_arithmetic3A_871 = arith.constant 3 : i32
          %shift_right_arithmetic3A_872 = vector.broadcast %shift_right_arithmetic3A_871 : i32 to vector<16xi32>
          %shift_right_arithmetic3A_873 = arith.shrsi %and3A_768, %shift_right_arithmetic3A_872 : vector<16xi32>
          %and3A_874 = arith.constant 7 : i32
          %and3A_875 = vector.broadcast %and3A_874 : i32 to vector<16xi32>
          %and3A_876 = arith.andi %and3A_768, %and3A_875 : vector<16xi32>
          %mul3A_877 = arith.mulf %gather3A_815, %select_n3A : vector<16xf32>
          %scatter3A_878 = arith.constant 1 : i32
          %scatter3A_879 = arith.constant 0 : i32
          %scatter3A_880 = arith.constant 0 : i32
          %scatter3A_881 = arith.constant 0 : i32
          %scatter3A_882 = tpu.memref_slice %arg8[%scatter3A_878, %scatter3A_879, %scatter3A_880, %scatter3A_881] : memref<2x8x8x128xf32, #tpu.memory_space<vmem>> -> memref<1x8x8x128xf32, #tpu.memory_space<vmem>>
          %scatter3A_883 = tpu.memref_squeeze %scatter3A_882 : memref<1x8x8x128xf32, #tpu.memory_space<vmem>> -> memref<8x8x128xf32, #tpu.memory_space<vmem>>
          tpu.vector_store_idx %scatter3A_883[%shift_right_arithmetic3A_873, %and3A_876, %add3A_739], %mul3A_877 : memref<8x8x128xf32, #tpu.memory_space<vmem>>[vector<16xi32>, vector<16xi32>, vector<16xi32>], vector<16xf32>,
          %shift_right_arithmetic3A_884 = arith.constant 3 : i32
          %shift_right_arithmetic3A_885 = vector.broadcast %shift_right_arithmetic3A_884 : i32 to vector<16xi32>
          %shift_right_arithmetic3A_886 = arith.shrsi %and3A_774, %shift_right_arithmetic3A_885 : vector<16xi32>
          %and3A_887 = arith.constant 7 : i32
          %and3A_888 = vector.broadcast %and3A_887 : i32 to vector<16xi32>
          %and3A_889 = arith.andi %and3A_774, %and3A_888 : vector<16xi32>
          %mul3A_890 = arith.mulf %gather3A_821, %select_n3A : vector<16xf32>
          %scatter3A_891 = arith.constant 1 : i32
          %scatter3A_892 = arith.constant 0 : i32
          %scatter3A_893 = arith.constant 0 : i32
          %scatter3A_894 = arith.constant 0 : i32
          %scatter3A_895 = tpu.memref_slice %arg8[%scatter3A_891, %scatter3A_892, %scatter3A_893, %scatter3A_894] : memref<2x8x8x128xf32, #tpu.memory_space<vmem>> -> memref<1x8x8x128xf32, #tpu.memory_space<vmem>>
          %scatter3A_896 = tpu.memref_squeeze %scatter3A_895 : memref<1x8x8x128xf32, #tpu.memory_space<vmem>> -> memref<8x8x128xf32, #tpu.memory_space<vmem>>
          tpu.vector_store_idx %scatter3A_896[%shift_right_arithmetic3A_886, %and3A_889, %add3A_739], %mul3A_890 : memref<8x8x128xf32, #tpu.memory_space<vmem>>[vector<16xi32>, vector<16xi32>, vector<16xi32>], vector<16xf32>,
          %shift_right_arithmetic3A_897 = arith.constant 3 : i32
          %shift_right_arithmetic3A_898 = vector.broadcast %shift_right_arithmetic3A_897 : i32 to vector<16xi32>
          %shift_right_arithmetic3A_899 = arith.shrsi %and3A_780, %shift_right_arithmetic3A_898 : vector<16xi32>
          %and3A_900 = arith.constant 7 : i32
          %and3A_901 = vector.broadcast %and3A_900 : i32 to vector<16xi32>
          %and3A_902 = arith.andi %and3A_780, %and3A_901 : vector<16xi32>
          %mul3A_903 = arith.mulf %gather3A_827, %select_n3A : vector<16xf32>
          %scatter3A_904 = arith.constant 1 : i32
          %scatter3A_905 = arith.constant 0 : i32
          %scatter3A_906 = arith.constant 0 : i32
          %scatter3A_907 = arith.constant 0 : i32
          %scatter3A_908 = tpu.memref_slice %arg8[%scatter3A_904, %scatter3A_905, %scatter3A_906, %scatter3A_907] : memref<2x8x8x128xf32, #tpu.memory_space<vmem>> -> memref<1x8x8x128xf32, #tpu.memory_space<vmem>>
          %scatter3A_909 = tpu.memref_squeeze %scatter3A_908 : memref<1x8x8x128xf32, #tpu.memory_space<vmem>> -> memref<8x8x128xf32, #tpu.memory_space<vmem>>
          tpu.vector_store_idx %scatter3A_909[%shift_right_arithmetic3A_899, %and3A_902, %add3A_739], %mul3A_903 : memref<8x8x128xf32, #tpu.memory_space<vmem>>[vector<16xi32>, vector<16xi32>, vector<16xi32>], vector<16xf32>,
          %shift_right_arithmetic3A_910 = arith.constant 3 : i32
          %shift_right_arithmetic3A_911 = vector.broadcast %shift_right_arithmetic3A_910 : i32 to vector<16xi32>
          %shift_right_arithmetic3A_912 = arith.shrsi %and3A_786, %shift_right_arithmetic3A_911 : vector<16xi32>
          %and3A_913 = arith.constant 7 : i32
          %and3A_914 = vector.broadcast %and3A_913 : i32 to vector<16xi32>
          %and3A_915 = arith.andi %and3A_786, %and3A_914 : vector<16xi32>
          %mul3A_916 = arith.mulf %gather3A_833, %select_n3A : vector<16xf32>
          %scatter3A_917 = arith.constant 1 : i32
          %scatter3A_918 = arith.constant 0 : i32
          %scatter3A_919 = arith.constant 0 : i32
          %scatter3A_920 = arith.constant 0 : i32
          %scatter3A_921 = tpu.memref_slice %arg8[%scatter3A_917, %scatter3A_918, %scatter3A_919, %scatter3A_920] : memref<2x8x8x128xf32, #tpu.memory_space<vmem>> -> memref<1x8x8x128xf32, #tpu.memory_space<vmem>>
          %scatter3A_922 = tpu.memref_squeeze %scatter3A_921 : memref<1x8x8x128xf32, #tpu.memory_space<vmem>> -> memref<8x8x128xf32, #tpu.memory_space<vmem>>
          tpu.vector_store_idx %scatter3A_922[%shift_right_arithmetic3A_912, %and3A_915, %add3A_739], %mul3A_916 : memref<8x8x128xf32, #tpu.memory_space<vmem>>[vector<16xi32>, vector<16xi32>, vector<16xi32>], vector<16xf32>,
          %shift_right_arithmetic3A_923 = arith.constant 3 : i32
          %shift_right_arithmetic3A_924 = vector.broadcast %shift_right_arithmetic3A_923 : i32 to vector<16xi32>
          %shift_right_arithmetic3A_925 = arith.shrsi %and3A_792, %shift_right_arithmetic3A_924 : vector<16xi32>
          %and3A_926 = arith.constant 7 : i32
          %and3A_927 = vector.broadcast %and3A_926 : i32 to vector<16xi32>
          %and3A_928 = arith.andi %and3A_792, %and3A_927 : vector<16xi32>
          %mul3A_929 = arith.mulf %gather3A_839, %select_n3A : vector<16xf32>
          %scatter3A_930 = arith.constant 1 : i32
          %scatter3A_931 = arith.constant 0 : i32
          %scatter3A_932 = arith.constant 0 : i32
          %scatter3A_933 = arith.constant 0 : i32
          %scatter3A_934 = tpu.memref_slice %arg8[%scatter3A_930, %scatter3A_931, %scatter3A_932, %scatter3A_933] : memref<2x8x8x128xf32, #tpu.memory_space<vmem>> -> memref<1x8x8x128xf32, #tpu.memory_space<vmem>>
          %scatter3A_935 = tpu.memref_squeeze %scatter3A_934 : memref<1x8x8x128xf32, #tpu.memory_space<vmem>> -> memref<8x8x128xf32, #tpu.memory_space<vmem>>
          tpu.vector_store_idx %scatter3A_935[%shift_right_arithmetic3A_925, %and3A_928, %add3A_739], %mul3A_929 : memref<8x8x128xf32, #tpu.memory_space<vmem>>[vector<16xi32>, vector<16xi32>, vector<16xi32>], vector<16xf32>,
          %shift_right_arithmetic3A_936 = arith.constant 3 : i32
          %shift_right_arithmetic3A_937 = vector.broadcast %shift_right_arithmetic3A_936 : i32 to vector<16xi32>
          %shift_right_arithmetic3A_938 = arith.shrsi %and3A_798, %shift_right_arithmetic3A_937 : vector<16xi32>
          %and3A_939 = arith.constant 7 : i32
          %and3A_940 = vector.broadcast %and3A_939 : i32 to vector<16xi32>
          %and3A_941 = arith.andi %and3A_798, %and3A_940 : vector<16xi32>
          %mul3A_942 = arith.mulf %gather3A_845, %select_n3A : vector<16xf32>
          %scatter3A_943 = arith.constant 1 : i32
          %scatter3A_944 = arith.constant 0 : i32
          %scatter3A_945 = arith.constant 0 : i32
          %scatter3A_946 = arith.constant 0 : i32
          %scatter3A_947 = tpu.memref_slice %arg8[%scatter3A_943, %scatter3A_944, %scatter3A_945, %scatter3A_946] : memref<2x8x8x128xf32, #tpu.memory_space<vmem>> -> memref<1x8x8x128xf32, #tpu.memory_space<vmem>>
          %scatter3A_948 = tpu.memref_squeeze %scatter3A_947 : memref<1x8x8x128xf32, #tpu.memory_space<vmem>> -> memref<8x8x128xf32, #tpu.memory_space<vmem>>
          tpu.vector_store_idx %scatter3A_948[%shift_right_arithmetic3A_938, %and3A_941, %add3A_739], %mul3A_942 : memref<8x8x128xf32, #tpu.memory_space<vmem>>[vector<16xi32>, vector<16xi32>, vector<16xi32>], vector<16xf32>,
        }
        %scan3A_744 = arith.constant 8 : i32
      }
      %scan3A_698 = arith.constant 8 : i32
      %mul3A_699 = arith.constant 4 : i32
      %mul3A_700 = arith.muli %add3A, %mul3A_699 : i32
      %add3A_701 = arith.constant 3 : i32
      %add3A_702 = arith.addi %mul3A_700, %add3A_701 : i32
      %dma_start3A_703 = arith.constant 1 : i32
      %dma_start3A_704 = arith.constant 0 : i32
      %dma_start3A_705 = arith.constant 0 : i32
      %dma_start3A_706 = arith.constant 0 : i32
      %dma_start3A_707 = tpu.memref_slice %arg8[%dma_start3A_703, %dma_start3A_704, %dma_start3A_705, %dma_start3A_706] : memref<2x8x8x128xf32, #tpu.memory_space<vmem>> -> memref<1x8x8x128xf32, #tpu.memory_space<vmem>>
      %dma_start3A_708 = tpu.memref_squeeze %dma_start3A_707 : memref<1x8x8x128xf32, #tpu.memory_space<vmem>> -> memref<8x8x128xf32, #tpu.memory_space<vmem>>
      %dma_start3A_709 = arith.constant 0 : i32
      %dma_start3A_710 = arith.constant 0 : i32
      %dma_start3A_711 = arith.constant 0 : i32
      %dma_start3A_712 = tpu.memref_slice %arg4[%shift_right_arithmetic3A_669, %dma_start3A_709, %add3A_702, %dma_start3A_710, %dma_start3A_711] : memref<50x8x128x8x128xf32, #tpu.memory_space<hbm>> -> memref<1x8x1x8x128xf32, #tpu.memory_space<hbm>>
      %dma_start3A_713 = tpu.memref_squeeze %dma_start3A_712 : memref<1x8x1x8x128xf32, #tpu.memory_space<hbm>> -> memref<8x8x128xf32, #tpu.memory_space<hbm>>
      %dma_start3A_714 = arith.constant 0 : i32
      %dma_start3A_715 = arith.constant 0 : i32
      %dma_start3A_716 = arith.constant 0 : i32
      %dma_start3A_717 = tpu.memref_slice %arg4[%shift_right_arithmetic3A_669, %dma_start3A_714, %add3A_702, %dma_start3A_715, %dma_start3A_716] : memref<50x8x128x8x128xf32, #tpu.memory_space<hbm>> -> memref<1x8x1x8x128xf32, #tpu.memory_space<hbm>>
      %dma_start3A_718 = tpu.memref_squeeze %dma_start3A_717 : memref<1x8x1x8x128xf32, #tpu.memory_space<hbm>> -> memref<8x8x128xf32, #tpu.memory_space<hbm>>
      %dma_start3A_719 = arith.constant 0 : i32
      %dma_start3A_720 = arith.constant 0 : i32
      %dma_start3A_721 = arith.constant 0 : i32
      %dma_start3A_722 = tpu.memref_slice %arg8[%dma_start3A_703, %dma_start3A_719, %dma_start3A_720, %dma_start3A_721] : memref<2x8x8x128xf32, #tpu.memory_space<vmem>> -> memref<1x8x8x128xf32, #tpu.memory_space<vmem>>
      %dma_start3A_723 = tpu.memref_squeeze %dma_start3A_722 : memref<1x8x8x128xf32, #tpu.memory_space<vmem>> -> memref<8x8x128xf32, #tpu.memory_space<vmem>>
      tpu.enqueue_dma source(%dma_start3A_723 : memref<8x8x128xf32, #tpu.memory_space<vmem>>) target(%dma_start3A_718 : memref<8x8x128xf32, #tpu.memory_space<hbm>>) target_semaphore(%arg14 : memref<!tpu.dma_semaphore, #tpu.memory_space<semaphore_mem>>)
    }
    %scan3A_446 = arith.constant 50 : i32
    %dma_wait3A = arith.constant 0 : i32
    %dma_wait3A_447 = arith.constant 0 : i32
    %dma_wait3A_448 = arith.constant 0 : i32
    %dma_wait3A_449 = arith.constant 0 : i32
    %dma_wait3A_450 = arith.constant 0 : i32
    %dma_wait3A_451 = arith.constant 0 : i32
    %dma_wait3A_452 = tpu.memref_slice %arg8[%dma_wait3A_448, %dma_wait3A_449, %dma_wait3A_450, %dma_wait3A_451] : memref<2x8x8x128xf32, #tpu.memory_space<vmem>> -> memref<1x8x8x128xf32, #tpu.memory_space<vmem>>
    %dma_wait3A_453 = tpu.memref_squeeze %dma_wait3A_452 : memref<1x8x8x128xf32, #tpu.memory_space<vmem>> -> memref<8x8x128xf32, #tpu.memory_space<vmem>>
    %dma_wait3A_454 = arith.constant 0 : i32
    %dma_wait3A_455 = arith.constant 0 : i32
    %dma_wait3A_456 = arith.constant 0 : i32
    %dma_wait3A_457 = tpu.memref_slice %arg4[%dma_wait3A, %dma_wait3A_454, %dma_wait3A_447, %dma_wait3A_455, %dma_wait3A_456] : memref<50x8x128x8x128xf32, #tpu.memory_space<hbm>> -> memref<1x8x1x8x128xf32, #tpu.memory_space<hbm>>
    %dma_wait3A_458 = tpu.memref_squeeze %dma_wait3A_457 : memref<1x8x1x8x128xf32, #tpu.memory_space<hbm>> -> memref<8x8x128xf32, #tpu.memory_space<hbm>>
    %dma_wait3A_459 = arith.constant 0 : i32
    %dma_wait3A_460 = arith.constant 0 : i32
    %dma_wait3A_461 = arith.constant 0 : i32
    %dma_wait3A_462 = tpu.memref_slice %arg8[%dma_wait3A_448, %dma_wait3A_459, %dma_wait3A_460, %dma_wait3A_461] : memref<2x8x8x128xf32, #tpu.memory_space<vmem>> -> memref<1x8x8x128xf32, #tpu.memory_space<vmem>>
    %dma_wait3A_463 = tpu.memref_squeeze %dma_wait3A_462 : memref<1x8x8x128xf32, #tpu.memory_space<vmem>> -> memref<8x8x128xf32, #tpu.memory_space<vmem>>
    %dma_wait3A_464 = arith.constant 0 : i32
    %dma_wait3A_465 = arith.constant 0 : i32
    %dma_wait3A_466 = arith.constant 0 : i32
    %dma_wait3A_467 = tpu.memref_slice %arg4[%dma_wait3A, %dma_wait3A_464, %dma_wait3A_447, %dma_wait3A_465, %dma_wait3A_466] : memref<50x8x128x8x128xf32, #tpu.memory_space<hbm>> -> memref<1x8x1x8x128xf32, #tpu.memory_space<hbm>>
    %dma_wait3A_468 = tpu.memref_squeeze %dma_wait3A_467 : memref<1x8x1x8x128xf32, #tpu.memory_space<hbm>> -> memref<8x8x128xf32, #tpu.memory_space<hbm>>
    tpu.wait_dma2 semaphore(%arg13 : memref<!tpu.dma_semaphore, #tpu.memory_space<semaphore_mem>>) src(%dma_wait3A_468 : memref<8x8x128xf32, #tpu.memory_space<hbm>>) dst(%dma_wait3A_463 : memref<8x8x128xf32, #tpu.memory_space<vmem>>)
    %dma_wait3A_469 = arith.constant 0 : i32
    %dma_wait3A_470 = arith.constant 0 : i32
    %dma_wait3A_471 = arith.constant 1 : i32
    %dma_wait3A_472 = arith.constant 0 : i32
    %dma_wait3A_473 = arith.constant 0 : i32
    %dma_wait3A_474 = arith.constant 0 : i32
    %dma_wait3A_475 = tpu.memref_slice %arg8[%dma_wait3A_471, %dma_wait3A_472, %dma_wait3A_473, %dma_wait3A_474] : memref<2x8x8x128xf32, #tpu.memory_space<vmem>> -> memref<1x8x8x128xf32, #tpu.memory_space<vmem>>
    %dma_wait3A_476 = tpu.memref_squeeze %dma_wait3A_475 : memref<1x8x8x128xf32, #tpu.memory_space<vmem>> -> memref<8x8x128xf32, #tpu.memory_space<vmem>>
    %dma_wait3A_477 = arith.constant 0 : i32
    %dma_wait3A_478 = arith.constant 0 : i32
    %dma_wait3A_479 = arith.constant 0 : i32
    %dma_wait3A_480 = tpu.memref_slice %arg4[%dma_wait3A_469, %dma_wait3A_477, %dma_wait3A_470, %dma_wait3A_478, %dma_wait3A_479] : memref<50x8x128x8x128xf32, #tpu.memory_space<hbm>> -> memref<1x8x1x8x128xf32, #tpu.memory_space<hbm>>
    %dma_wait3A_481 = tpu.memref_squeeze %dma_wait3A_480 : memref<1x8x1x8x128xf32, #tpu.memory_space<hbm>> -> memref<8x8x128xf32, #tpu.memory_space<hbm>>
    %dma_wait3A_482 = arith.constant 0 : i32
    %dma_wait3A_483 = arith.constant 0 : i32
    %dma_wait3A_484 = arith.constant 0 : i32
    %dma_wait3A_485 = tpu.memref_slice %arg8[%dma_wait3A_471, %dma_wait3A_482, %dma_wait3A_483, %dma_wait3A_484] : memref<2x8x8x128xf32, #tpu.memory_space<vmem>> -> memref<1x8x8x128xf32, #tpu.memory_space<vmem>>
    %dma_wait3A_486 = tpu.memref_squeeze %dma_wait3A_485 : memref<1x8x8x128xf32, #tpu.memory_space<vmem>> -> memref<8x8x128xf32, #tpu.memory_space<vmem>>
    %dma_wait3A_487 = arith.constant 0 : i32
    %dma_wait3A_488 = arith.constant 0 : i32
    %dma_wait3A_489 = arith.constant 0 : i32
    %dma_wait3A_490 = tpu.memref_slice %arg4[%dma_wait3A_469, %dma_wait3A_487, %dma_wait3A_470, %dma_wait3A_488, %dma_wait3A_489] : memref<50x8x128x8x128xf32, #tpu.memory_space<hbm>> -> memref<1x8x1x8x128xf32, #tpu.memory_space<hbm>>
    %dma_wait3A_491 = tpu.memref_squeeze %dma_wait3A_490 : memref<1x8x1x8x128xf32, #tpu.memory_space<hbm>> -> memref<8x8x128xf32, #tpu.memory_space<hbm>>
    tpu.wait_dma2 semaphore(%arg14 : memref<!tpu.dma_semaphore, #tpu.memory_space<semaphore_mem>>) src(%dma_wait3A_491 : memref<8x8x128xf32, #tpu.memory_space<hbm>>) dst(%dma_wait3A_486 : memref<8x8x128xf32, #tpu.memory_space<vmem>>)
    return
  }
}

</mosaic_0001>

<sc_bundles>
// kernel: kernel.3.cloned.1.call-start
scs
__scs_entry_jumppad:
0x0: {  	(pc) =	sbr.rel $0x88, $3  }
0x1: {  	(tag) =	ssettag $0x0;
	lr =	simm.s32 $0x1  }
0x2: {  	[smem:$0x3F9F] =	sst lr;
	_ =	strace $0xD0000000  }
0x3: {  	_ = 	snop  }
0x4: {  	_ = 	snop  }
0x5: {  	_ = 	snop  }
0x6: {  	_ = 	snop  }
0x7: {  	_ = 	snop  }
__scs_overlays_trampoline_lowered:
0x8: {  	[smem:$0x3FAE] =	sst s0  }
0x9: {  	[smem:$0x3FAF] =	sst s1  }
0xa: {  	[smem:$0x3FB0] =	sst s2  }
0xb: {  	[smem:$0x3FB1] =	sst s3  }
0xc: {  	[smem:$0x3FB2] =	sst s4  }
0xd: {  	[smem:$0x3FB3] =	sst s5  }
0xe: {  	[smem:$0x3FB4] =	sst s6  }
0xf: {  	[smem:$0x3FB5] =	sst s7  }
0x10: {  	[smem:$0x3FB6] =	sst s8  }
0x11: {  	[smem:$0x3FB7] =	sst s9;
	s0 =	simm.s32 @!p0 $0x0  }
0x12: {  	s1 =	sld [smem:$0x3F9D];
	s0 =	simm.s32 @p0 $0x1  }
0x13: {  	[smem:$0x3FB8] =	sst s0;
	s0 =	simm.s32 @!p1 $0x0  }
0x14: {  	s2 =	sld [smem:$0x3F9C];
	s0 =	simm.s32 @p1 $0x1  }
0x15: {  	[smem:$0x3FB9] =	sst s0;
	s0 =	simm.s32 @!p2 $0x0  }
0x16: {  	s3 =	sld [smem:$0x3FDB];
	s0 =	simm.s32 @p2 $0x1  }
0x17: {  	s4 =	simm.s32 $0x1BF5;
	[smem:$0x3FBB] =	sst s0  }
0x18: {  	s0 =	sld [smem:$0x3F9E];
	_ =	swait.ge [sflag:s4], $0x0  }
0x19: {  	s7 =	sld [smem:$0x3F9F]  }
0x1a: {  	s8 =	sadd.s32 $0xFFFFE003, lr  }
0x1b: {  	s9 =	sadd.s32 $0xFFFFFEF7, lr;
	s5 =	simm.s32 $0xFFFFFFFF;
	p2 =	slt.u32 s8, $0xFFFFF086  }
0x1c: {  	p1 =	slt.u32 s9, $0xF7A;
	s5 =	simm.s32 @!p2 $0x0  }
0x1d: {  	s5 =	simm.s32 @p1 $0x1;
	p0 =	seq.s32 s7, s2  }
0x1e: {  	s7 =	smul.u32 @!p0 $0xF7A, s2;
	p2 =	seq.s32 @!p0 s5, $0x0  }
0x1f: {  	s9 =	smul.u32 $0xF7A, s1;
	s8 =	simm.s32 @!p0 $0x1BF5;
	p2 =	por !p2, p0  }
0x20: {  	[sflag:s8] =	ssyncset.s32 @!p0 $0xFFFFF086;
	s6 =	sadd.s32 @!p0 s3, s7;
	s7 =	simm.s32 @!p0 $0x108  }
0x21: {  	s3 =	sadd.s32 s3, s9;
	s6 =	sadd.s32 @!p0 $0x88, s6;
	s7 =	simm.s32 @p2 $0x1082  }
0x22: {  	[simem:s7], [sflag:s8] =	dma.local @!p0 [hbm:s6], $0xF7A  }
0x23: {  	s9 =	sor.u32 $0xD0000000, s2;
	s6 =	simm.s32 $0x108;
	_ =	swait.ge @!p0 [sflag:s8], $0x0  }
0x24: {  	s3 =	sadd.s32 $0x88, s3;
	s6 =	simm.s32 @!p1 $0x1082;
	[sflag:s4] =	ssyncset.s32 $0xFFFFF086  }
0x25: {  	[simem:s6], [sflag:s4] =	dma.local [hbm:s3], $0xF7A  }
0x26: {  	[smem:$0x3F9F] =	sst s1;
	(tag) =	ssettag s2;
	_ =	strace s9  }
0x27: {  	s1 =	sld [smem:$0x3FAF]  }
0x28: {  	s2 =	sld [smem:$0x3FB0]  }
0x29: {  	s4 =	sld [smem:$0x3FB2]  }
0x2a: {  	p0 =	seq.s32 s5, $0x0;
	s5 =	sld [smem:$0x3FB3]  }
0x2b: {  	s6 =	sld [smem:$0x3FB4]  }
0x2c: {  	s7 =	sld [smem:$0x3FB5]  }
0x2d: {  	s3 =	simm.s32 $0x108;
	s8 =	sld [smem:$0x3FB6]  }
0x2e: {  	s3 =	simm.s32 @!p0 $0x1082;
	s9 =	sld [smem:$0x3FB7]  }
0x2f: {  	lr =	sadd.s32 s0, s3;
	s0 =	sld [smem:$0x3FAE]  }
0x30: {  	s3 =	sld [smem:$0x3FB1]  }
0x31: {  	[smem:$0x3FBA] =	sst s10  }
0x32: {  	s10 =	sld [smem:$0x3FB8];
	_ =	sdelay $0x3  }
0x33: {  	p0 =	seq.s32 s10, $0x1;
	s10 =	sld [smem:$0x3FBA];
	_ =	sdelay $0x3  }
0x34: {  	[smem:$0x3FBA] =	sst s10  }
0x35: {  	s10 =	sld [smem:$0x3FB9];
	_ =	sdelay $0x3  }
0x36: {  	p1 =	seq.s32 s10, $0x1;
	s10 =	sld [smem:$0x3FBA];
	_ =	sdelay $0x3  }
0x37: {  	[smem:$0x3FBA] =	sst s10  }
0x38: {  	s10 =	sld [smem:$0x3FBB]  }
0x39: {  	_ = 	snop;
	(pc) =	sbr.ind lr, $3  }
0x3a: {  	_ = 	snop  }
0x3b: {  	_ = 	snop  }
0x3c: {  	p2 =	seq.s32 s10, $0x1;
	s10 =	sld [smem:$0x3FBA]  }
0x3d: {  	_ =	shalt  }
0x3e: {  	_ =	shalt  }
0x3f: {  	_ =	shalt  }
0x40: {  	_ =	shalt  }
0x41: {  	_ =	shalt  }
0x42: {  	_ =	shalt  }
0x43: {  	_ =	shalt  }
0x44: {  	_ =	shalt  }
0x45: {  	_ =	shalt  }
0x46: {  	_ =	shalt  }
0x47: {  	_ =	shalt  }
0x48: {  	_ =	shalt  }
0x49: {  	_ =	shalt  }
0x4a: {  	_ =	shalt  }
0x4b: {  	_ =	shalt  }
0x4c: {  	_ =	shalt  }
0x4d: {  	_ =	shalt  }
0x4e: {  	_ =	shalt  }
0x4f: {  	_ =	shalt  }
0x50: {  	_ =	shalt  }
0x51: {  	_ =	shalt  }
0x52: {  	_ =	shalt  }
0x53: {  	_ =	shalt  }
0x54: {  	_ =	shalt  }
0x55: {  	_ =	shalt  }
0x56: {  	_ =	shalt  }
0x57: {  	_ =	shalt  }
0x58: {  	_ =	shalt  }
0x59: {  	_ =	shalt  }
0x5a: {  	_ =	shalt  }
0x5b: {  	_ =	shalt  }
0x5c: {  	_ =	shalt  }
0x5d: {  	_ =	shalt  }
0x5e: {  	_ =	shalt  }
0x5f: {  	_ =	shalt  }
0x60: {  	_ =	shalt  }
0x61: {  	_ =	shalt  }
0x62: {  	_ =	shalt  }
0x63: {  	_ =	shalt  }
0x64: {  	_ =	shalt  }
0x65: {  	_ =	shalt  }
0x66: {  	_ =	shalt  }
0x67: {  	_ =	shalt  }
0x68: {  	_ =	shalt  }
0x69: {  	_ =	shalt  }
0x6a: {  	_ =	shalt  }
0x6b: {  	_ =	shalt  }
0x6c: {  	_ =	shalt  }
0x6d: {  	_ =	shalt  }
0x6e: {  	_ =	shalt  }
0x6f: {  	_ =	shalt  }
0x70: {  	_ =	shalt  }
0x71: {  	_ =	shalt  }
0x72: {  	_ =	shalt  }
0x73: {  	_ =	shalt  }
0x74: {  	_ =	shalt  }
0x75: {  	_ =	shalt  }
0x76: {  	_ =	shalt  }
0x77: {  	_ =	shalt  }
0x78: {  	_ =	shalt  }
0x79: {  	_ =	shalt  }
0x7a: {  	_ =	shalt  }
0x7b: {  	_ =	shalt  }
0x7c: {  	_ =	shalt  }
0x7d: {  	_ =	shalt  }
0x7e: {  	_ =	shalt  }
0x7f: {  	_ =	shalt  }
0x80: {  	_ =	shalt  }
0x81: {  	_ =	shalt  }
0x82: {  	_ =	shalt  }
0x83: {  	_ =	shalt  }
0x84: {  	_ =	shalt  }
0x85: {  	_ =	shalt  }
0x86: {  	_ =	shalt  }
0x87: {  	_ =	shalt  }
.Lfunc_end0:
.L_simem_size_0:
called_computation_lowered:
.L_overlay_start_0:
0x88: {  	s2 =	sld [smem:$0x3FD9]  }
0x89: {  	s3 =	sld [smem:$0x3FFE];
	_ =	sdelay $0x1  }
0x8a: {  	s1 =	srdreg.scid  }
0x8b: {  	s0 =	sand.u32 $0x1, s1  }
0x8c: {  	s17 =	sshll.u32 s0, $0xA;
	s2 =	sadd.s32 s3, s2  }
0x8d: {  	s2 =	sadd.s32 s2, s17  }
0x8e: {  	[smem:$0x3FC6] =	sst s2  }
0x8f: {  	_ = 	snop  }
0x90: {  	s2 =	sld [smem:$0x3FD0];
	(tm) =	ssettm $0x1  }
0x91: {  	s18 =	sld [smem:$0x3FFB];
	_ =	sdelay $0x3  }
0x92: {  	_ =	strace s18  }
0x93: {  	s3 =	sld [smem:$0x3FFC];
	_ =	sdelay $0x3  }
0x94: {  	_ =	strace s3  }
0x95: {  	s3 =	sld [smem:$0x3FFD];
	_ =	sdelay $0x3  }
0x96: {  	_ =	strace s3  }
0x97: {  	_ =	strace $0x8FFFFFFF  }
0x98: {  	s19 =	sld [smem:$0x3FDB];
	_ =	sdelay $0x1  }
0x99: {  	s4 =	simm.s32 $_scs_section_size  }
0x9a: {  	s5 =	simm.s32 $_size__tile_overlayer_lowered;
	s6 =	simm.s32 $_tile_overlayer_lowered  }
0x9b: {  	s22 =	simm.s32 $0x1BFF;
	s21 =	sshll.u32 s6, $0x1;
	s3 =	sadd.s32 s4, s19  }
0x9c: {  	s7 =	simm.s32 $0x0;
	s20 =	sshll.u32 s5, $0x1;
	s5 =	sadd.s32 s21, s3  }
0x9d: {  	[timem:s7], [sflag:s22] =	dma.local [hbm:s5], s20  }
0x9e: {  	_ =	swait.ge [sflag:s22], s20  }
0x9f: {  	s4 =	ssub.s32 $0x0, s20;
	[sflag:s22] =	ssyncset.done $0x0  }
0xa0: {  	[sflag:s22] =	ssyncadd.s32 s4;
	_ =	sdelay $0x1  }
0xa1: {  	s23 =	simm.s32 $0x1B8B  }
0xa2: {  	_ =	swait.ge [sflag:s23], $0x1  }
0xa3: {  	[sflag:s23] =	ssyncset.done $0x0  }
0xa4: {  	s25 =	simm.s32 $0x1B8E;
	s24 =	sld [smem:$0x3FFE];
	[sflag:s23] =	ssyncadd.s32 $0xFFFFFFFF  }
0xa5: {  	s26 =	simm.s32 $execute0_lowered;
	[smem:$0x3FD2] =	sst s25  }
0xa6: {  	s5 =	sshll.u32 s26, $0x1;
	_ =	strace $0x80000046;
	[dreg:$0x1] =	wrdreg $0xFFFFFFFF  }
0xa7: {  	s28 =	simm.s32 $_size_execute0_lowered;
	s3 =	sadd.s32 s3, s5;
	[dreg:$0x0] =	wrdreg $0x0  }
0xa8: {  	s5 =	sshll.u32 s28, $0x1;
	[dreg:$0x2] =	wrdreg s3  }
0xa9: {  	[dreg:$0x3] =	wrdreg s5  }
0xaa: {  	[dreg:$0x4] =	wrdreg $0xC0  }
0xab: {  	_ =	task [dreg:s7], $0x5FFFF  }
0xac: {  	[dreg:$0x1] =	wrdreg $0xFFFFFFFF  }
0xad: {  	[dreg:$0x0] =	wrdreg $0x60  }
0xae: {  	[dreg:$0x2] =	wrdreg s24  }
0xaf: {  	[dreg:$0x3] =	wrdreg s2  }
0xb0: {  	[dreg:$0x4] =	wrdreg $0x9  }
0xb1: {  	_ =	task.clear_ibuf [dreg:s7], $0x5FFFF;
	_ =	strace $0x90000046  }
0xb2: {  	s29 =	simm.s32 $0x9;
	_ =	strace $0x80000048  }
0xb3: {  	_ =	swait.ge [sflag:s29], $0x1  }
0xb4: {  	[sflag:s29] =	ssyncadd.s32 $0xFFFFFFFF  }
0xb5: {  	_ =	strace $0x90000048  }
0xb6: {  	_ =	sfence  }
0xb7: {  	s30 =	sld [smem:$0x0];
	_ =	sdelay $0x2  }
0xb8: {  	s31 =	sshll.u32 s1, $0xD;
	s1 =	sshrl.u32 s1, $0x2  }
0xb9: {  	s3 =	sand.u32 $0x4000, s31;
	s1 =	sadd.s32 s1, s30  }
0xba: {  	s0 =	sor.u32 s3, s0;
	s1 =	sshll.u32 s1, $0x11  }
0xbb: {  	s0 =	sor.u32 s1, s0  }
0xbc: {  	s0 =	sadd.s32 $0x8F2B, s0  }
0xbd: {  	[sflag:s0] =	ssyncadd.remote.s32 $0x1  }
0xbe: {  	_ =	sfence.sel $0xFFFF  }
0xbf: {  	[dreg:$0x0] =	wrdreg $0xFFFFFFFF;
	(pc) =	sbr.abs _section_cstart, $3  }
0xc0: {  	[dreg:$0x1] =	wrdreg $0xFFFFFFFF  }
0xc1: {  	_ =	task.clear_ibuf [dreg:s7], $0x2FFFF;
	_ =	strace $0x9FFFFFFF  }
0xc2: {  	(tm) =	ssettm $0x7FFFFFFF  }
0xc3: {  	_ =	shalt  }
tec
execute0_lowered:
.L_overlay_start_1:
0x0: {  	(tag) =	ssettag $0x1  }
0x1: {  	v1 =	vimm.s32 $0x7654321  }
0x2: {  	v0 =	vimm.f32 $8.000000000e+00;
	v2 =	vimm.s32 $0x10765432;
	v5 =	vimm.s32 $0x21076543  }
0x3: {  	v6 =	vimm.s32 $0x7;
	vm13 =	vcmask $0x300;
	vm12 =	vcmask $0x704  }
0x4: {  	v7 =	vimm.s32 $0x32107654;
	vm11 =	vcmask $0xB08;
	vm10 =	vcmask $0xF0C  }
0x5: {  	v8 =	vimm.s32 $0x43210765;
	vm9 =	vcmask $0x1310;
	vm8 =	vcmask $0x1714  }
0x6: {  	vm7 =	vcmask $0x1B18;
	vm6 =	vcmask $0x2320;
	vm5 =	vcmask $0x2724  }
0x7: {  	vm4 =	vcmask $0x2B28;
	v10 =	vimm.s32 $0x65432107;
	vm3 =	vcmask $0x2F2C  }
0x8: {  	vm1 =	vcmask $0x3330;
	vm2 =	vcmask $0x3734;
	vm0 =	vcmask $0x3B38  }
0x9: {  	v12 =	vimm.s32 $0x87;
	v13 =	vimm.s32 $0x107;
	v14 =	vimm.s32 $0x187  }
0xa: {  	v15 =	vimm.s32 $0x207;
	v16 =	vimm.s32 $0x287;
	v17 =	vimm.s32 $0x307  }
0xb: {  	v3 =	vunpack.c.l.s4.s8 v1;
	v1 =	vlaneseq.u32;
	v4 =	vunpack.c.l.s4.s8 v2  }
0xc: {  	v5 =	vunpack.c.l.s4.s8 v5;
	v6 =	vsel vm13, $0x80, v6;
	v7 =	vunpack.c.l.s4.s8 v7  }
0xd: {  	v8 =	vunpack.c.l.s4.s8 v8;
	v10 =	vunpack.c.l.s4.s8 v10;
	v12 =	vsel vm13, $0x100, v12  }
0xe: {  	v13 =	vsel vm13, $0x180, v13;
	v14 =	vsel vm13, $0x200, v14;
	v15 =	vsel vm13, $0x280, v15  }
0xf: {  	v16 =	vsel vm13, $0x300, v16;
	v17 =	vsel vm13, $0x380, v17;
	v2 =	vand.u32 $0x7, v1  }
0x10: {  	v6 =	vsel vm12, $0x101, v6;
	v12 =	vsel vm12, $0x181, v12;
	v13 =	vsel vm12, $0x201, v13  }
0x11: {  	v14 =	vsel vm12, $0x281, v14;
	v15 =	vsel vm12, $0x301, v15;
	v16 =	vsel vm12, $0x381, v16  }
0x12: {  	v17 =	vsel vm12, $0x1, v17;
	v18 =	vadd.s32 $0x1, v1;
	v19 =	vadd.s32 $0x2, v1  }
0x13: {  	v20 =	vadd.s32 $0x3, v1;
	v21 =	vadd.s32 $0x4, v1;
	v22 =	vadd.s32 $0x5, v1  }
0x14: {  	v23 =	vadd.s32 $0x6, v1;
	v24 =	vadd.s32 $0x7, v1;
	v3 =	vunpack.c.0.s8.s32 v3  }
0x15: {  	v4 =	vunpack.c.0.s8.s32 v4;
	v5 =	vunpack.c.0.s8.s32 v5;
	v6 =	vsel vm11, $0x182, v6  }
0x16: {  	v12 =	vsel vm11, $0x202, v12;
	v13 =	vsel vm11, $0x282, v13;
	v14 =	vsel vm11, $0x302, v14  }
0x17: {  	v15 =	vsel vm11, $0x382, v15;
	v16 =	vsel vm11, $0x2, v16;
	v17 =	vsel vm11, $0x82, v17  }
0x18: {  	v6 =	vsel vm10, $0x203, v6;
	v12 =	vsel vm10, $0x283, v12;
	v13 =	vsel vm10, $0x303, v13  }
0x19: {  	v14 =	vsel vm10, $0x383, v14;
	v15 =	vsel vm10, $0x3, v15;
	v16 =	vsel vm10, $0x83, v16  }
0x1a: {  	v17 =	vsel vm10, $0x103, v17;
	v9 =	vsel vm9, $0x284, v6;
	v6 =	vunpack.c.0.s8.s32 v7  }
0x1b: {  	v7 =	vunpack.c.0.s8.s32 v8;
	v12 =	vsel vm9, $0x304, v12;
	v13 =	vsel vm9, $0x384, v13  }
0x1c: {  	v14 =	vsel vm9, $0x4, v14;
	v15 =	vsel vm9, $0x84, v15;
	v16 =	vsel vm9, $0x104, v16  }
0x1d: {  	v17 =	vsel vm9, $0x184, v17;
	v9 =	vsel vm8, $0x305, v9;
	v12 =	vsel vm8, $0x385, v12  }
0x1e: {  	v13 =	vsel vm8, $0x5, v13;
	v14 =	vsel vm8, $0x85, v14;
	v15 =	vsel vm8, $0x105, v15  }
0x1f: {  	s1 =	rddreg [dreg:$0x0];
	v16 =	vsel vm8, $0x185, v16;
	v17 =	vsel vm8, $0x205, v17;
	v8 =	vsel vm7, $0x386, v9  }
0x20: {  	s0 =	rddreg [dreg:$0x1];
	v9 =	vimm.s32 $0x54321076;
	v12 =	vsel vm7, $0x6, v12;
	v13 =	vsel vm7, $0x86, v13  }
0x21: {  	s2 =	simm.s32 $0x0;
	s16 =	srdreg.scid;
	s3 =	stileid.u32;
	v14 =	vsel vm7, $0x106, v14;
	v15 =	vsel vm7, $0x186, v15;
	v16 =	vsel vm7, $0x206, v16  }
0x22: {  	s13 =	simm.s32 $0x80;
	s28 =	simm.s32 $0x1;
	s29 =	simm.s32 $0xE600;
	v17 =	vsel vm7, $0x286, v17;
	v8 =	vsel vm6, $0x80, v8;
	v9 =	vunpack.c.l.s4.s8 v9  }
0x23: {  	s30 =	simm.s32 $0x400;
	s31 =	simm.s32 $0x20000;
	[smem:$0x7FF] =	sst s2;
	v12 =	vsel vm6, $0x100, v12;
	v13 =	vsel vm6, $0x180, v13;
	v14 =	vsel vm6, $0x200, v14  }
0x24: {  	s4 =	sadd.s32 $0x600, s1;
	s5 =	sshll.u32 s3, $0x1;
	s3 =	sadd.s32 $0xF42A00, s1;
	v15 =	vsel vm6, $0x280, v15;
	v16 =	vsel vm6, $0x300, v16;
	v17 =	vsel vm6, $0x380, v17  }
0x25: {  	s2 =	sand.u32 $0x1, s16;
	s16 =	simm.s32 $0x3;
	_ =	strace $0x80000047;
	v8 =	vsel vm5, $0x101, v8;
	v12 =	vsel vm5, $0x181, v12;
	v13 =	vsel vm5, $0x201, v13  }
0x26: {  	s17 =	ssub.s32 $0x2, s2;
	s2 =	sor.u32 s2, s5;
	s5 =	simm.s32 $0x0;
	v14 =	vsel vm5, $0x281, v14;
	v15 =	vsel vm5, $0x301, v15;
	v16 =	vsel vm5, $0x381, v16  }
0x27: {  	s18 =	sshrl.u32 s17, $0x1;
	s6 =	sshll.u32 s2, $0x6;
	s7 =	sshll.u32 s2, $0x2;
	v17 =	vsel vm5, $0x1, v17;
	v8 =	vsel vm4, $0x182, v8;
	v12 =	vsel vm4, $0x202, v12  }
0x28: {  	s11 =	sshllo.u32 s2, $0x2;
	s2 =	sshll.u32 s2, $0x9;
	s1 =	ssub.s32 s17, s18;
	v13 =	vsel vm4, $0x282, v13;
	v14 =	vsel vm4, $0x302, v14;
	v15 =	vsel vm4, $0x382, v15  }
0x29: {  	s19 =	sadd.s32 s4, s6;
	s20 =	sor.u32 $0x1, s7;
	s7 =	sor.u32 $0x2, s7;
	v16 =	vsel vm4, $0x2, v16;
	v17 =	vsel vm4, $0x82, v17;
	v11 =	vsel vm3, $0x203, v8  }
0x2a: {  	s8 =	sshll.u32 s11, $0x4;
	s25 =	sshll.u32 s11, $0x7;
	s17 =	simm.s32 $0x5;
	v8 =	vunpack.c.0.s8.s32 v9;
	v9 =	vunpack.c.0.s8.s32 v10;
	v10 =	vmul.u32 $0x81, v2  }
0x2b: {  	s18 =	simm.s32 $0x4;
	[dreg:$0x3] =	wrdreg s19;
	s21 =	sshll.u32 s20, $0x4;
	v12 =	vsel vm3, $0x283, v12;
	v13 =	vsel vm3, $0x303, v13;
	v14 =	vsel vm3, $0x383, v14  }
0x2c: {  	s22 =	sshll.u32 s7, $0x4;
	s23 =	sshll.u32 s20, $0x7;
	s24 =	sshll.u32 s7, $0x7;
	v15 =	vsel vm3, $0x3, v15;
	v16 =	vsel vm3, $0x83, v16;
	v17 =	vsel vm3, $0x103, v17  }
0x2d: {  	s11 =	sadd.s32 s0, s25;
	s26 =	smax.u32 s1, $0x1;
	s19 =	simm.s32 $0x6400;
	v11 =	vsel vm1, $0x284, v11;
	v12 =	vsel vm1, $0x304, v12;
	v13 =	vsel vm1, $0x384, v13  }
0x2e: {  	s20 =	simm.s32 $0x6600;
	s25 =	simm.s32 $0x6580;
	s1 =	simm.s32 $0x10600;
	v14 =	vsel vm1, $0x4, v14;
	v15 =	vsel vm1, $0x84, v15;
	v16 =	vsel vm1, $0x104, v16  }
0x2f: {  	s6 =	sadd.s32 s4, s21;
	s9 =	sadd.s32 s0, s23;
	s10 =	sadd.s32 s0, s24;
	v17 =	vsel vm1, $0x184, v17;
	v11 =	vsel vm2, $0x305, v11;
	v12 =	vsel vm2, $0x385, v12  }
0x30: {  	[dreg:$0x7] =	wrdreg s26;
	s24 =	simm.s32 $0xA600;
	s26 =	simm.s32 $0xC600;
	v13 =	vsel vm2, $0x5, v13;
	v14 =	vsel vm2, $0x85, v14;
	v15 =	vsel vm2, $0x105, v15  }
0x31: {  	[dreg:$0x4] =	wrdreg s6;
	s6 =	sadd.s32 s4, s22;
	s4 =	sadd.s32 s4, s8;
	v16 =	vsel vm2, $0x185, v16;
	v17 =	vsel vm2, $0x205, v17;
	v11 =	vsel vm0, $0x386, v11  }
0x32: {  	s8 =	sadd.s32 s0, s2;
	s22 =	simm.s32 $0x8600;
	[dreg:$0x5] =	wrdreg s6;
	v12 =	vsel vm0, $0x6, v12;
	v13 =	vsel vm0, $0x86, v13;
	v14 =	vsel vm0, $0x106, v14  }
0x33: {  	s0 =	simm.s32 $0x2;
	s2 =	simm.s32 $0x6;
	[dreg:$0x6] =	wrdreg s4;
	v15 =	vsel vm0, $0x186, v15;
	v16 =	vsel vm0, $0x206, v16;
	v17 =	vsel vm0, $0x286, v17  }
.LBB2_1:
0x34: {  	[dreg:$0x8] =	wrdreg s5;
	s4 =	simm.s32 $0x0  }
0x35: {  	s15 =	rddreg [dreg:$0x3];
	s6 =	simm.s32 $0x4000;
	s21 =	simm.s32 $0x7  }
0x36: {  	[tilespmem:s4], [sflag:$0x7] =	stream.strided.gather [hbm4b:s15+s13], $0x1900, s6, s13, $0x38;
	[tilespmem:$0x12600] =	vst v63  }
0x37: {  	_ =	swait.ge [sflag:s21], $0x1900  }
0x38: {  	[sflag:s21] =	ssyncset.done $0x0  }
0x39: {  	s7 =	simm.s32 $0x1900;
	s23 =	rddreg [dreg:$0x4];
	[sflag:s21] =	ssyncadd.s32 $0xFFFFE700  }
0x3a: {  	[tilespmem:s7], [sflag:$0x7] =	stream.strided.gather [hbm4b:s23+s13], $0x1900, s6, s13, $0x38;
	[tilespmem:$0x12600] =	vst v63  }
0x3b: {  	_ =	swait.ge [sflag:s21], $0x1900  }
0x3c: {  	[sflag:s21] =	ssyncset.done $0x0  }
0x3d: {  	s12 =	simm.s32 $0x3200;
	s7 =	rddreg [dreg:$0x5];
	[sflag:s21] =	ssyncadd.s32 $0xFFFFE700  }
0x3e: {  	[tilespmem:s12], [sflag:$0x7] =	stream.strided.gather [hbm4b:s7+s13], $0x1900, s6, s13, $0x38;
	[tilespmem:$0x12600] =	vst v63  }
0x3f: {  	_ =	swait.ge [sflag:s21], $0x1900  }
0x40: {  	[sflag:s21] =	ssyncset.done $0x0  }
0x41: {  	s15 =	simm.s32 $0x4B00;
	s14 =	rddreg [dreg:$0x6];
	[sflag:s21] =	ssyncadd.s32 $0xFFFFE700  }
0x42: {  	[tilespmem:s15], [sflag:$0x7] =	stream.strided.gather [hbm4b:s14+s13], $0x1900, s6, s13, $0x38;
	[tilespmem:$0x12600] =	vst v63  }
0x43: {  	_ =	swait.ge [sflag:s21], $0x1900  }
0x44: {  	[sflag:s21] =	ssyncset.done $0x0  }
0x45: {  	[sflag:s21] =	ssyncadd.s32 $0xFFFFE700  }
0x46: {  	v25 =	vld [tilespmem:$0x0]  }
0x47: {  	v26 =	vld [tilespmem:$0x10]  }
0x48: {  	v27 =	vld [tilespmem:$0x20]  }
0x49: {  	v28 =	vld [tilespmem:$0x30]  }
0x4a: {  	v29 =	vld [tilespmem:$0x40]  }
0x4b: {  	v30 =	vld [tilespmem:$0x50];
	v25 =	vadd.s32 $0xFFFFFFFF, v25  }
0x4c: {  	v31 =	vld [tilespmem:$0x60];
	v26 =	vadd.s32 $0xFFFFFFFF, v26;
	vm0 =	vgt.s32 v25, $0x0  }
0x4d: {  	v32 =	vld [tilespmem:$0x70];
	v27 =	vadd.s32 $0xFFFFFFFF, v27;
	vm5 =	vgt.s32 v26, $0x0;
	v25 =	vnsel vm0, $0x0, v25  }
0x4e: {  	vm6 =	vgt.s32 v27, $0x0;
	[tilespmem:$0x6400] =	vst v25;
	v25 =	vnsel vm5, $0x0, v26;
	v26 =	vadd.s32 $0xFFFFFFFF, v28  }
0x4f: {  	[tilespmem:$0x6410] =	vst v25;
	v25 =	vnsel vm6, $0x0, v27;
	vm7 =	vgt.s32 v26, $0x0;
	v27 =	vadd.s32 $0xFFFFFFFF, v29  }
0x50: {  	[tilespmem:$0x6420] =	vst v25;
	v25 =	vnsel vm7, $0x0, v26;
	vm8 =	vgt.s32 v27, $0x0;
	v26 =	vadd.s32 $0xFFFFFFFF, v30  }
0x51: {  	[tilespmem:$0x6430] =	vst v25;
	v25 =	vnsel vm8, $0x0, v27;
	vm9 =	vgt.s32 v26, $0x0;
	v27 =	vadd.s32 $0xFFFFFFFF, v31  }
0x52: {  	[tilespmem:$0x6440] =	vst v25;
	v25 =	vnsel vm9, $0x0, v26;
	vm10 =	vgt.s32 v27, $0x0;
	v26 =	vadd.s32 $0xFFFFFFFF, v32  }
0x53: {  	[tilespmem:$0x6450] =	vst v25;
	v25 =	vnsel vm10, $0x0, v27;
	vm11 =	vgt.s32 v26, $0x0  }
0x54: {  	[tilespmem:$0x6460] =	vst v25;
	v25 =	vnsel vm11, $0x0, v26  }
0x55: {  	[tilespmem:$0x6470] =	vst v25  }
0x56: {  	[tilespmem:s20], [sflag:$0x1] =	stream.indirect.gather [hbm4b:s3+s13], $0x40, s19, s13, $0xb8;
	[tilespmem:$0x12600] =	vst v63  }
0x57: {  	v25 =	vld [tilespmem:$0x1900]  }
0x58: {  	v26 =	vld [tilespmem:$0x1910]  }
0x59: {  	v27 =	vld [tilespmem:$0x1920]  }
0x5a: {  	v54 =	vld [tilespmem:$0x1930]  }
0x5b: {  	v55 =	vld [tilespmem:$0x1940]  }
0x5c: {  	v56 =	vld [tilespmem:$0x1950];
	v25 =	vadd.s32 $0xFFFFFFFF, v25  }
0x5d: {  	v57 =	vld [tilespmem:$0x1960];
	v26 =	vadd.s32 $0xFFFFFFFF, v26;
	vm12 =	vgt.s32 v25, $0x0  }
0x5e: {  	v58 =	vld [tilespmem:$0x1970];
	v27 =	vadd.s32 $0xFFFFFFFF, v27;
	vm13 =	vgt.s32 v26, $0x0;
	v25 =	vnsel vm12, $0x0, v25  }
0x5f: {  	vm14 =	vgt.s32 v27, $0x0;
	[tilespmem:$0x6480] =	vst v25;
	v25 =	vnsel vm13, $0x0, v26;
	v26 =	vadd.s32 $0xFFFFFFFF, v54  }
0x60: {  	[tilespmem:$0x6490] =	vst v25;
	v25 =	vnsel vm14, $0x0, v27;
	vm15 =	vgt.s32 v26, $0x0;
	v27 =	vadd.s32 $0xFFFFFFFF, v55  }
0x61: {  	[tilespmem:$0x64A0] =	vst v25;
	v25 =	vnsel vm15, $0x0, v26;
	vm4 =	vgt.s32 v27, $0x0;
	v26 =	vadd.s32 $0xFFFFFFFF, v56  }
0x62: {  	[tilespmem:$0x64B0] =	vst v25;
	v25 =	vnsel vm4, $0x0, v27;
	vm5 =	vgt.s32 v26, $0x0;
	v27 =	vadd.s32 $0xFFFFFFFF, v57  }
0x63: {  	[tilespmem:$0x64C0] =	vst v25;
	v25 =	vnsel vm5, $0x0, v26;
	vm6 =	vgt.s32 v27, $0x0;
	v26 =	vadd.s32 $0xFFFFFFFF, v58  }
0x64: {  	[tilespmem:$0x64D0] =	vst v25;
	v25 =	vnsel vm6, $0x0, v27;
	vm7 =	vgt.s32 v26, $0x0  }
0x65: {  	[tilespmem:$0x64E0] =	vst v25;
	v25 =	vnsel vm7, $0x0, v26  }
0x66: {  	s21 =	simm.s32 $0x6480;
	[tilespmem:$0x64F0] =	vst v25  }
0x67: {  	[tilespmem:s22], [sflag:$0x2] =	stream.indirect.gather [hbm4b:s3+s13], $0x40, s21, s13, $0xb8;
	[tilespmem:$0x12600] =	vst v63  }
0x68: {  	v25 =	vld [tilespmem:$0x3200]  }
0x69: {  	v26 =	vld [tilespmem:$0x3210]  }
0x6a: {  	v27 =	vld [tilespmem:$0x3220]  }
0x6b: {  	v59 =	vld [tilespmem:$0x3230]  }
0x6c: {  	v60 =	vld [tilespmem:$0x3240]  }
0x6d: {  	v61 =	vld [tilespmem:$0x3250];
	v25 =	vadd.s32 $0xFFFFFFFF, v25  }
0x6e: {  	v62 =	vld [tilespmem:$0x3260];
	v26 =	vadd.s32 $0xFFFFFFFF, v26;
	vm8 =	vgt.s32 v25, $0x0  }
0x6f: {  	v63 =	vld [tilespmem:$0x3270];
	v27 =	vadd.s32 $0xFFFFFFFF, v27;
	vm9 =	vgt.s32 v26, $0x0;
	v25 =	vnsel vm8, $0x0, v25  }
0x70: {  	vm10 =	vgt.s32 v27, $0x0;
	[tilespmem:$0x6500] =	vst v25;
	v25 =	vnsel vm9, $0x0, v26;
	v26 =	vadd.s32 $0xFFFFFFFF, v59  }
0x71: {  	[tilespmem:$0x6510] =	vst v25;
	v25 =	vnsel vm10, $0x0, v27;
	vm11 =	vgt.s32 v26, $0x0;
	v27 =	vadd.s32 $0xFFFFFFFF, v60  }
0x72: {  	[tilespmem:$0x6520] =	vst v25;
	v25 =	vnsel vm11, $0x0, v26;
	vm12 =	vgt.s32 v27, $0x0;
	v26 =	vadd.s32 $0xFFFFFFFF, v61  }
0x73: {  	[tilespmem:$0x6530] =	vst v25;
	v25 =	vnsel vm12, $0x0, v27;
	vm13 =	vgt.s32 v26, $0x0;
	v27 =	vadd.s32 $0xFFFFFFFF, v62  }
0x74: {  	[tilespmem:$0x6540] =	vst v25;
	v25 =	vnsel vm13, $0x0, v26;
	vm14 =	vgt.s32 v27, $0x0;
	v26 =	vadd.s32 $0xFFFFFFFF, v63  }
0x75: {  	[tilespmem:$0x6550] =	vst v25;
	v25 =	vnsel vm14, $0x0, v27;
	vm15 =	vgt.s32 v26, $0x0  }
0x76: {  	[tilespmem:$0x6560] =	vst v25;
	v25 =	vnsel vm15, $0x0, v26  }
0x77: {  	s23 =	simm.s32 $0x6500;
	[tilespmem:$0x6570] =	vst v25  }
0x78: {  	[tilespmem:s24], [sflag:$0x3] =	stream.indirect.gather [hbm4b:s3+s13], $0x40, s23, s13, $0xb8;
	[tilespmem:$0x12600] =	vst v63  }
0x79: {  	s23 =	simm.s32 $0x0  }
.LBB2_2:
0x7a: {  	s4 =	sshll.u32 s23, $0x9  }
0x7b: {  	s4 =	sshra.s32 s4, $0x2  }
0x7c: {  	v25 =	vld [tilespmem:s4+$0x4B00];
	_ =	sdelay $0x4  }
0x7d: {  	v25 =	vadd.s32 $0xFFFFFFFF, v25  }
0x7e: {  	vm0 =	vgt.s32 v25, $0x0  }
0x7f: {  	v25 =	vnsel vm0, $0x0, v25  }
0x80: {  	[tilespmem:$0x6580] =	vst v25  }
0x81: {  	v25 =	vld [tilespmem:s4+$0x4B10];
	_ =	sdelay $0x4  }
0x82: {  	v25 =	vadd.s32 $0xFFFFFFFF, v25  }
0x83: {  	vm9 =	vgt.s32 v25, $0x0  }
0x84: {  	v25 =	vnsel vm9, $0x0, v25  }
0x85: {  	[tilespmem:$0x6590] =	vst v25  }
0x86: {  	v25 =	vld [tilespmem:s4+$0x4B20];
	_ =	sdelay $0x4  }
0x87: {  	v25 =	vadd.s32 $0xFFFFFFFF, v25  }
0x88: {  	vm10 =	vgt.s32 v25, $0x0  }
0x89: {  	v25 =	vnsel vm10, $0x0, v25  }
0x8a: {  	[tilespmem:$0x65A0] =	vst v25  }
0x8b: {  	v25 =	vld [tilespmem:s4+$0x4B30];
	_ =	sdelay $0x4  }
0x8c: {  	v25 =	vadd.s32 $0xFFFFFFFF, v25  }
0x8d: {  	vm11 =	vgt.s32 v25, $0x0  }
0x8e: {  	v25 =	vnsel vm11, $0x0, v25  }
0x8f: {  	[tilespmem:$0x65B0] =	vst v25  }
0x90: {  	v25 =	vld [tilespmem:s4+$0x4B40];
	_ =	sdelay $0x4  }
0x91: {  	v25 =	vadd.s32 $0xFFFFFFFF, v25  }
0x92: {  	vm12 =	vgt.s32 v25, $0x0  }
0x93: {  	v25 =	vnsel vm12, $0x0, v25  }
0x94: {  	[tilespmem:$0x65C0] =	vst v25  }
0x95: {  	v25 =	vld [tilespmem:s4+$0x4B50];
	_ =	sdelay $0x4  }
0x96: {  	v25 =	vadd.s32 $0xFFFFFFFF, v25  }
0x97: {  	vm13 =	vgt.s32 v25, $0x0  }
0x98: {  	v25 =	vnsel vm13, $0x0, v25  }
0x99: {  	[tilespmem:$0x65D0] =	vst v25  }
0x9a: {  	v25 =	vld [tilespmem:s4+$0x4B60];
	_ =	sdelay $0x4  }
0x9b: {  	v25 =	vadd.s32 $0xFFFFFFFF, v25  }
0x9c: {  	vm14 =	vgt.s32 v25, $0x0  }
0x9d: {  	v25 =	vnsel vm14, $0x0, v25  }
0x9e: {  	[tilespmem:$0x65E0] =	vst v25  }
0x9f: {  	v25 =	vld [tilespmem:s4+$0x4B70];
	_ =	sdelay $0x4  }
0xa0: {  	v25 =	vadd.s32 $0xFFFFFFFF, v25  }
0xa1: {  	vm15 =	vgt.s32 v25, $0x0  }
0xa2: {  	v25 =	vnsel vm15, $0x0, v25  }
0xa3: {  	[tilespmem:$0x65F0] =	vst v25  }
0xa4: {  	[tilespmem:s26], [sflag:$0x4] =	stream.indirect.gather [hbm4b:s3+s13], $0x40, s25, s13, $0xb8;
	[tilespmem:$0x12600] =	vst v63  }
0xa5: {  	_ =	swait.ge [sflag:s28], $0x2000  }
0xa6: {  	p0 =	seq.s32 s23, $0x0;
	[sflag:s28] =	ssyncset.done $0x0  }
0xa7: {  	s6 =	simm.s32 @!p0 $0x5;
	[sflag:s28] =	ssyncadd.s32 $0xFFFFE000  }
0xa8: {  	_ =	swait.ge @!p0 [sflag:s6], $0x2000  }
0xa9: {  	s7 =	simm.s32 $0x0;
	[sflag:s6] =	ssyncset.done @!p0 $0x0  }
0xaa: {  	s5 =	sadd.s32 $0x4B00, s4;
	v25 =	vmov s4;
	[sflag:s6] =	ssyncadd.s32 @!p0 $0xFFFFE000;
	s6 =	simm.s32 $0x0  }
.LBB2_3:
0xab: {  	v43 =	vadd.s32 s6, v24  }
0xac: {  	v46 =	vadd.s32 s6, v23;
	v61 =	vadd.s32 s6, v20;
	v47 =	vadd.s32 s6, v21  }
0xad: {  	s12 =	sshll.u32 s7, $0x4;
	v48 =	vadd.s32 s6, v19;
	v51 =	vadd.s32 s6, v1;
	v52 =	vadd.s32 s6, v18  }
0xae: {  	v57 =	vadd.s32 s6, v22;
	v27 =	vor.u32 s12, v1;
	v44 =	vand.u32 $0x38, v43  }
0xaf: {  	v43 =	vshll.u32 v43, $0x7;
	v49 =	vand.u32 $0x38, v61;
	v50 =	vand.u32 $0x38, v48  }
0xb0: {  	v53 =	vand.u32 $0x38, v51;
	v51 =	vshll.u32 v51, $0x7;
	v54 =	vand.u32 $0x38, v52  }
0xb1: {  	v48 =	vshll.u32 v48, $0x7;
	v58 =	vand.u32 $0x38, v47;
	v59 =	vand.u32 $0x38, v57  }
0xb2: {  	v60 =	vand.u32 $0x38, v46;
	v57 =	vshll.u32 v57, $0x7;
	v52 =	vshll.u32 v52, $0x7  }
0xb3: {  	v46 =	vshll.u32 v46, $0x7;
	v28 =	vshll.u32 v27, $0x6;
	v27 =	vand.u32 $0x78, v27  }
0xb4: {  	v26 =	vld.idx.msk [tilespmem:v25+s12+$0x0 ss:$0x1], $0xffff;
	s12 =	simm.s32 $0x8;
	v45 =	vand.u32 $0x1C00, v43;
	v51 =	vand.u32 $0x1C00, v51;
	v43 =	vshll.u32 v61, $0x7  }
0xb5: {  	v55 =	vadd.s32 s12, v24;
	v48 =	vand.u32 $0x1C00, v48;
	v61 =	vshll.u32 v47, $0x7  }
0xb6: {  	v57 =	vand.u32 $0x1C00, v57;
	v52 =	vand.u32 $0x1C00, v52;
	v46 =	vand.u32 $0x1C00, v46  }
0xb7: {  	v39 =	vor.u32 v2, v28;
	v38 =	vor.u32 v3, v28;
	v41 =	vor.u32 v5, v28  }
0xb8: {  	v40 =	vor.u32 v4, v28;
	v37 =	vor.u32 v6, v28;
	v49 =	vor.u32 v49, v41  }
0xb9: {  	v36 =	vor.u32 v7, v28;
	v35 =	vor.u32 v8, v28;
	v53 =	vor.u32 v53, v39  }
0xba: {  	v42 =	vor.u32 v9, v28;
	v34 =	vor.u32 v10, v27;
	v54 =	vor.u32 v54, v38  }
0xbb: {  	v33 =	vor.u32 v11, v27;
	v32 =	vor.u32 v12, v27;
	v50 =	vor.u32 v50, v40  }
0xbc: {  	v31 =	vor.u32 v13, v27;
	v30 =	vor.u32 v14, v27;
	v44 =	vor.u32 v44, v42  }
0xbd: {  	v28 =	vor.u32 v15, v27;
	v29 =	vor.u32 v16, v27;
	v58 =	vor.u32 v58, v37;
	v49 =	vld.idx.msk [tilespmem:v49+s20+$0x0], $0xffff  }
0xbe: {  	v27 =	vor.u32 v17, v27;
	v56 =	vand.u32 $0x1C00, v43;
	v59 =	vor.u32 v59, v36;
	v53 =	vld.idx.msk [tilespmem:v53+s20+$0x0], $0xffff  }
0xbf: {  	v62 =	vand.u32 $0x38, v55;
	v63 =	vshll.u32 v55, $0x7;
	v60 =	vor.u32 v60, v35;
	v54 =	vld.idx.msk [tilespmem:v54+s20+$0x0], $0xffff  }
0xc0: {  	v43 =	vor.u32 v62, v42;
	v51 =	vor.u32 v51, v34;
	v52 =	vor.u32 v52, v33;
	v50 =	vld.idx.msk [tilespmem:v50+s20+$0x0], $0xffff  }
0xc1: {  	v62 =	vor.u32 v48, v32;
	v47 =	vor.u32 v45, v27;
	vm0 =	veq.s32 v26, $0x0;
	v55 =	vld.idx.msk [tilespmem:v44+s20+$0x0], $0xffff  }
0xc2: {  	v56 =	vor.u32 v56, v31;
	v26 =	vsel vm0, $0x0, v0;
	v44 =	vand.u32 $0x1C00, v63;
	v58 =	vld.idx.msk [tilespmem:v58+s20+$0x0], $0xffff  }
0xc3: {  	v63 =	vor.u32 v46, v29;
	v59 =	vld.idx.msk [tilespmem:v59+s20+$0x0], $0xffff;
	v46 =	vand.u32 $0x1C00, v61;
	v48 =	vmul.f32 v53, v26  }
0xc4: {  	v45 =	vadd.s32 s12, v23;
	v60 =	vld.idx.msk [tilespmem:v60+s20+$0x0], $0xffff;
	v61 =	vor.u32 v46, v30;
	v53 =	vmul.f32 v54, v26  }
0xc5: {  	v57 =	vor.u32 v57, v28;
	v46 =	vadd.s32 s12, v21;
	v50 =	vmul.f32 v50, v26;
	[tilespmem:v51+s29+$0x0] =	vst.idx.msk $0xffff, v48  }
0xc6: {  	v49 =	vmul.f32 v49, v26;
	v48 =	vadd.s32 s12, v20;
	[tilespmem:v52+s29+$0x0] =	vst.idx.msk $0xffff, v53;
	v53 =	vmul.f32 v55, v26  }
0xc7: {  	v52 =	vadd.s32 s12, v19;
	v51 =	vand.u32 $0x38, v48;
	[tilespmem:v62+s29+$0x0] =	vst.idx.msk $0xffff, v50;
	v50 =	vmul.f32 v58, v26  }
0xc8: {  	v62 =	vand.u32 $0x38, v52;
	v54 =	vor.u32 v51, v41;
	[tilespmem:v56+s29+$0x0] =	vst.idx.msk $0xffff, v49;
	v56 =	vmul.f32 v59, v26  }
0xc9: {  	v58 =	vadd.s32 s12, v1;
	v51 =	vor.u32 v62, v40;
	[tilespmem:v61+s29+$0x0] =	vst.idx.msk $0xffff, v50;
	v61 =	vmul.f32 v60, v26  }
0xca: {  	v49 =	vadd.s32 s12, v18;
	v62 =	vand.u32 $0x38, v58;
	v58 =	vshll.u32 v58, $0x7;
	[tilespmem:v57+s29+$0x0] =	vst.idx.msk $0xffff, v56  }
0xcb: {  	s14 =	simm.s32 $0x10;
	v55 =	vor.u32 v62, v39;
	v50 =	vand.u32 $0x1C00, v58;
	v56 =	vand.u32 $0x38, v49;
	[tilespmem:v63+s29+$0x0] =	vst.idx.msk $0xffff, v61  }
.LBB2_4:
0xcc: {  	p1 =	sne.s32 s14, $0x38;
	v56 =	vor.u32 v56, v38;
	v52 =	vshll.u32 v52, $0x7;
	v48 =	vshll.u32 v48, $0x7;
	[tilespmem:v47+s29+$0x0] =	vst.idx.msk $0xffff, v53;
	s15 =	smov.u32 s14;
	s14 =	sadd.s32 $0x8, s14  }
0xcd: {  	v47 =	vadd.s32 s15, v24;
	v53 =	vld.idx.msk [tilespmem:v54+s20+$0x0], $0xffff;
	v52 =	vand.u32 $0x1C00, v52;
	v48 =	vand.u32 $0x1C00, v48  }
0xce: {  	v57 =	vadd.s32 s12, v22;
	v58 =	vand.u32 $0x38, v46;
	s12 =	smov.u32 s15;
	v54 =	vand.u32 $0x38, v47;
	v51 =	vld.idx.msk [tilespmem:v51+s20+$0x0], $0xffff  }
0xcf: {  	v58 =	vor.u32 v58, v37;
	v59 =	vand.u32 $0x38, v57;
	v54 =	vor.u32 v54, v42  }
0xd0: {  	v60 =	vand.u32 $0x38, v45;
	v57 =	vshll.u32 v57, $0x7;
	v59 =	vor.u32 v59, v36;
	v55 =	vld.idx.msk [tilespmem:v55+s20+$0x0], $0xffff  }
0xd1: {  	v46 =	vshll.u32 v46, $0x7;
	v60 =	vor.u32 v60, v35;
	v57 =	vand.u32 $0x1C00, v57;
	v56 =	vld.idx.msk [tilespmem:v56+s20+$0x0], $0xffff  }
0xd2: {  	v49 =	vshll.u32 v49, $0x7;
	v45 =	vshll.u32 v45, $0x7;
	v47 =	vshll.u32 v47, $0x7  }
0xd3: {  	v50 =	vor.u32 v50, v34;
	v49 =	vand.u32 $0x1C00, v49;
	v45 =	vand.u32 $0x1C00, v45;
	v61 =	vld.idx.msk [tilespmem:v43+s20+$0x0], $0xffff;
	v43 =	vmovc v54  }
0xd4: {  	v49 =	vor.u32 v49, v33;
	v54 =	vand.u32 $0x1C00, v47;
	v58 =	vld.idx.msk [tilespmem:v58+s20+$0x0], $0xffff  }
0xd5: {  	v62 =	vor.u32 v52, v32;
	v63 =	vor.u32 v45, v29;
	v47 =	vor.u32 v44, v27;
	v59 =	vld.idx.msk [tilespmem:v59+s20+$0x0], $0xffff  }
0xd6: {  	v46 =	vand.u32 $0x1C00, v46;
	v44 =	vmovc v54;
	v52 =	vmul.f32 v55, v26;
	v55 =	vor.u32 v48, v31;
	v60 =	vld.idx.msk [tilespmem:v60+s20+$0x0], $0xffff  }
0xd7: {  	v45 =	vadd.s32 s12, v23;
	v54 =	vmul.f32 v56, v26;
	v56 =	vor.u32 v46, v30  }
0xd8: {  	v57 =	vor.u32 v57, v28;
	v46 =	vadd.s32 s12, v21;
	[tilespmem:v50+s29+$0x0] =	vst.idx.msk $0xffff, v52;
	v50 =	vmul.f32 v51, v26  }
0xd9: {  	v48 =	vadd.s32 s12, v20;
	[tilespmem:v49+s29+$0x0] =	vst.idx.msk $0xffff, v54;
	v49 =	vmul.f32 v53, v26;
	v53 =	vmul.f32 v61, v26  }
.Ltmp0:
0xda: {  	v52 =	vadd.s32 s12, v19;
	v51 =	vand.u32 $0x38, v48;
	[tilespmem:v62+s29+$0x0] =	vst.idx.msk $0xffff, v50;
	v50 =	vmul.f32 v58, v26;
	(pc) =	sbr.rel @p1 .LBB2_4-.Ltmp0, $4  }
0xdb: {  	v54 =	vor.u32 v51, v41;
	v58 =	vand.u32 $0x38, v52;
	[tilespmem:v55+s29+$0x0] =	vst.idx.msk $0xffff, v49;
	v55 =	vmul.f32 v59, v26  }
0xdc: {  	v59 =	vadd.s32 s12, v1;
	v51 =	vor.u32 v58, v40;
	v58 =	vmul.f32 v60, v26;
	[tilespmem:v56+s29+$0x0] =	vst.idx.msk $0xffff, v50  }
0xdd: {  	v49 =	vadd.s32 s12, v18;
	v50 =	vand.u32 $0x38, v59;
	v59 =	vshll.u32 v59, $0x7;
	[tilespmem:v57+s29+$0x0] =	vst.idx.msk $0xffff, v55  }
0xde: {  	v56 =	vand.u32 $0x38, v49;
	v55 =	vor.u32 v50, v39;
	v50 =	vand.u32 $0x1C00, v59;
	[tilespmem:v63+s29+$0x0] =	vst.idx.msk $0xffff, v58  }
0xdf: {  	_ =	sdelay $0x1  }
0xe0: {  	v38 =	vor.u32 v56, v38;
	_ =	sdelay $0x1  }
0xe1: {  	[tilespmem:v47+s29+$0x0] =	vst.idx.msk $0xffff, v53;
	v39 =	vadd.s32 s12, v22;
	v40 =	vand.u32 $0x38, v46  }
0xe2: {  	v41 =	vld.idx.msk [tilespmem:v54+s20+$0x0], $0xffff;
	v37 =	vor.u32 v40, v37;
	v63 =	vand.u32 $0x38, v39  }
0xe3: {  	v42 =	vshll.u32 v52, $0x7;
	v52 =	vand.u32 $0x38, v45;
	v47 =	vld.idx.msk [tilespmem:v55+s20+$0x0], $0xffff;
	v36 =	vor.u32 v63, v36  }
0xe4: {  	v48 =	vshll.u32 v48, $0x7;
	v53 =	vshll.u32 v49, $0x7;
	v35 =	vor.u32 v52, v35;
	v38 =	vld.idx.msk [tilespmem:v38+s20+$0x0], $0xffff  }
0xe5: {  	v34 =	vor.u32 v50, v34;
	v57 =	vshll.u32 v45, $0x7;
	v54 =	vld.idx.msk [tilespmem:v51+s20+$0x0], $0xffff;
	v40 =	vand.u32 $0x1C00, v53  }
0xe6: {  	v42 =	vand.u32 $0x1C00, v42;
	v48 =	vand.u32 $0x1C00, v48;
	v43 =	vld.idx.msk [tilespmem:v43+s20+$0x0], $0xffff;
	v33 =	vor.u32 v40, v33  }
0xe7: {  	v39 =	vshll.u32 v39, $0x7;
	v55 =	vshll.u32 v46, $0x7;
	v32 =	vor.u32 v42, v32;
	v37 =	vld.idx.msk [tilespmem:v37+s20+$0x0], $0xffff  }
0xe8: {  	v31 =	vor.u32 v48, v31;
	v40 =	vand.u32 $0x1C00, v55;
	v56 =	vmul.f32 v47, v26;
	v36 =	vld.idx.msk [tilespmem:v36+s20+$0x0], $0xffff  }
0xe9: {  	v39 =	vand.u32 $0x1C00, v39;
	v30 =	vor.u32 v40, v30;
	v35 =	vld.idx.msk [tilespmem:v35+s20+$0x0], $0xffff;
	v38 =	vmul.f32 v38, v26  }
0xea: {  	v58 =	vand.u32 $0x1C00, v57;
	v28 =	vor.u32 v39, v28;
	v59 =	vmul.f32 v54, v26;
	[tilespmem:v34+s29+$0x0] =	vst.idx.msk $0xffff, v56  }
0xeb: {  	s7 =	sadd.s32 $0x1, s7;
	v29 =	vor.u32 v58, v29;
	v60 =	vmul.f32 v41, v26;
	[tilespmem:v33+s29+$0x0] =	vst.idx.msk $0xffff, v38  }
0xec: {  	v27 =	vor.u32 v44, v27;
	p1 =	sne.s32 s7, $0x8;
	v61 =	vmul.f32 v37, v26;
	[tilespmem:v32+s29+$0x0] =	vst.idx.msk $0xffff, v59  }
.Ltmp1:
0xed: {  	v62 =	vmul.f32 v36, v26;
	[tilespmem:v31+s29+$0x0] =	vst.idx.msk $0xffff, v60;
	(pc) =	sbr.rel @p1 .LBB2_3-.Ltmp1, $4  }
0xee: {  	v63 =	vmul.f32 v35, v26;
	[tilespmem:v30+s29+$0x0] =	vst.idx.msk $0xffff, v61  }
0xef: {  	v26 =	vmul.f32 v43, v26;
	[tilespmem:v28+s29+$0x0] =	vst.idx.msk $0xffff, v62  }
0xf0: {  	[tilespmem:v29+s29+$0x0] =	vst.idx.msk $0xffff, v63  }
0xf1: {  	[tilespmem:v27+s29+$0x0] =	vst.idx.msk $0xffff, v26  }
0xf2: {  	p1 =	sne.s32 s23, $0x31  }
.Ltmp2:
0xf3: {  	_ = 	snop;
	(pc) =	sbr.rel @p1 .LBB2_8-.Ltmp2, $4  }
0xf4: {  	_ = 	snop  }
0xf5: {  	s6 =	sshll.u32 s23, $0x11  }
0xf6: {  	s7 =	sadd.s32 s6, s8  }
0xf7: {  	[hbm4b:s7+s30] =	stream.strided.scatter [tilespmem:s29], [sflag:$0x5], $0x2000, s31, s30, $0x38;
	[tilespmem:$0x12600] =	vst v63  }
.Ltmp3:
0xf8: {  	(pc) =	sbr.rel .LBB2_9-.Ltmp3, $4  }
0xf9: {  	_ = 	snop  }
0xfa: {  	_ =	swait.ge [sflag:s0], $0x2000  }
0xfb: {  	[sflag:s0] =	ssyncset.done $0x0  }
0xfc: {  	[sflag:s0] =	ssyncadd.s32 $0xFFFFE000  }
.LBB2_8:
0xfd: {  	v25 =	vld [tilespmem:s4+$0x80];
	_ =	sdelay $0x4  }
0xfe: {  	v25 =	vadd.s32 $0xFFFFFFFF, v25  }
0xff: {  	vm0 =	vgt.s32 v25, $0x0  }
0x100: {  	v25 =	vnsel vm0, $0x0, v25  }
0x101: {  	[tilespmem:$0x6400] =	vst v25  }
0x102: {  	v25 =	vld [tilespmem:s4+$0x90];
	_ =	sdelay $0x4  }
0x103: {  	v25 =	vadd.s32 $0xFFFFFFFF, v25  }
0x104: {  	vm9 =	vgt.s32 v25, $0x0  }
0x105: {  	v25 =	vnsel vm9, $0x0, v25  }
0x106: {  	[tilespmem:$0x6410] =	vst v25  }
0x107: {  	v25 =	vld [tilespmem:s4+$0xA0];
	_ =	sdelay $0x4  }
0x108: {  	v25 =	vadd.s32 $0xFFFFFFFF, v25  }
0x109: {  	vm10 =	vgt.s32 v25, $0x0  }
0x10a: {  	v25 =	vnsel vm10, $0x0, v25  }
0x10b: {  	[tilespmem:$0x6420] =	vst v25  }
0x10c: {  	v25 =	vld [tilespmem:s4+$0xB0];
	_ =	sdelay $0x4  }
0x10d: {  	v25 =	vadd.s32 $0xFFFFFFFF, v25  }
0x10e: {  	vm11 =	vgt.s32 v25, $0x0  }
0x10f: {  	v25 =	vnsel vm11, $0x0, v25  }
0x110: {  	[tilespmem:$0x6430] =	vst v25  }
0x111: {  	v25 =	vld [tilespmem:s4+$0xC0];
	_ =	sdelay $0x4  }
0x112: {  	v25 =	vadd.s32 $0xFFFFFFFF, v25  }
0x113: {  	vm12 =	vgt.s32 v25, $0x0  }
0x114: {  	v25 =	vnsel vm12, $0x0, v25  }
0x115: {  	[tilespmem:$0x6440] =	vst v25  }
0x116: {  	v25 =	vld [tilespmem:s4+$0xD0];
	_ =	sdelay $0x4  }
0x117: {  	v25 =	vadd.s32 $0xFFFFFFFF, v25  }
0x118: {  	vm13 =	vgt.s32 v25, $0x0  }
0x119: {  	v25 =	vnsel vm13, $0x0, v25  }
0x11a: {  	[tilespmem:$0x6450] =	vst v25  }
0x11b: {  	v25 =	vld [tilespmem:s4+$0xE0];
	_ =	sdelay $0x4  }
0x11c: {  	v25 =	vadd.s32 $0xFFFFFFFF, v25  }
0x11d: {  	vm14 =	vgt.s32 v25, $0x0  }
0x11e: {  	v25 =	vnsel vm14, $0x0, v25  }
0x11f: {  	[tilespmem:$0x6460] =	vst v25  }
0x120: {  	v25 =	vld [tilespmem:s4+$0xF0];
	_ =	sdelay $0x4  }
0x121: {  	v25 =	vadd.s32 $0xFFFFFFFF, v25  }
0x122: {  	vm15 =	vgt.s32 v25, $0x0  }
0x123: {  	v25 =	vnsel vm15, $0x0, v25  }
.Ltmp4:
0x124: {  	[tilespmem:$0x6470] =	vst v25;
	(pc) =	sbr.rel @p0 .LBB2_10-.Ltmp4, $4  }
0x125: {  	[tilespmem:s20], [sflag:$0x1] =	stream.indirect.gather [hbm4b:s3+s13], $0x40, s19, s13, $0xb8;
	[tilespmem:$0x12600] =	vst v63  }
0x126: {  	_ =	swait.ge [sflag:s0], $0x2000  }
0x127: {  	[sflag:s0] =	ssyncset.done $0x0  }
0x128: {  	[sflag:s0] =	ssyncadd.s32 $0xFFFFE000  }
.LBB2_9:
0x129: {  	_ =	swait.ge [sflag:s2], $0x2000  }
0x12a: {  	[sflag:s2] =	ssyncset.done $0x0  }
0x12b: {  	[sflag:s2] =	ssyncadd.s32 $0xFFFFE000  }
.LBB2_10:
0x12c: {  	s12 =	sadd.s32 $0x1900, s4  }
0x12d: {  	s7 =	simm.s32 $0x0;
	v25 =	vmov s12;
	s12 =	simm.s32 $0x0  }
.LBB2_11:
0x12e: {  	v43 =	vadd.s32 s7, v24  }
0x12f: {  	v46 =	vadd.s32 s7, v23;
	v61 =	vadd.s32 s7, v20;
	v47 =	vadd.s32 s7, v21  }
0x130: {  	s14 =	sshll.u32 s12, $0x4;
	v48 =	vadd.s32 s7, v19;
	v51 =	vadd.s32 s7, v1;
	v52 =	vadd.s32 s7, v18  }
0x131: {  	v57 =	vadd.s32 s7, v22;
	v27 =	vor.u32 s14, v1;
	v44 =	vand.u32 $0x38, v43  }
0x132: {  	v43 =	vshll.u32 v43, $0x7;
	v49 =	vand.u32 $0x38, v61;
	v50 =	vand.u32 $0x38, v48  }
0x133: {  	v53 =	vand.u32 $0x38, v51;
	v51 =	vshll.u32 v51, $0x7;
	v54 =	vand.u32 $0x38, v52  }
0x134: {  	v48 =	vshll.u32 v48, $0x7;
	v58 =	vand.u32 $0x38, v47;
	v59 =	vand.u32 $0x38, v57  }
0x135: {  	v60 =	vand.u32 $0x38, v46;
	v57 =	vshll.u32 v57, $0x7;
	v52 =	vshll.u32 v52, $0x7  }
0x136: {  	v46 =	vshll.u32 v46, $0x7;
	v28 =	vshll.u32 v27, $0x6;
	v27 =	vand.u32 $0x78, v27  }
0x137: {  	v26 =	vld.idx.msk [tilespmem:v25+s14+$0x0 ss:$0x1], $0xffff;
	s14 =	simm.s32 $0x8;
	v45 =	vand.u32 $0x1C00, v43;
	v51 =	vand.u32 $0x1C00, v51;
	v43 =	vshll.u32 v61, $0x7  }
0x138: {  	v55 =	vadd.s32 s14, v24;
	v48 =	vand.u32 $0x1C00, v48;
	v61 =	vshll.u32 v47, $0x7  }
0x139: {  	v57 =	vand.u32 $0x1C00, v57;
	v52 =	vand.u32 $0x1C00, v52;
	v46 =	vand.u32 $0x1C00, v46  }
0x13a: {  	v39 =	vor.u32 v2, v28;
	v38 =	vor.u32 v3, v28;
	v41 =	vor.u32 v5, v28  }
0x13b: {  	v40 =	vor.u32 v4, v28;
	v37 =	vor.u32 v6, v28;
	v49 =	vor.u32 v49, v41  }
0x13c: {  	v36 =	vor.u32 v7, v28;
	v35 =	vor.u32 v8, v28;
	v53 =	vor.u32 v53, v39  }
0x13d: {  	v42 =	vor.u32 v9, v28;
	v34 =	vor.u32 v10, v27;
	v54 =	vor.u32 v54, v38  }
0x13e: {  	v33 =	vor.u32 v11, v27;
	v32 =	vor.u32 v12, v27;
	v50 =	vor.u32 v50, v40  }
0x13f: {  	v31 =	vor.u32 v13, v27;
	v30 =	vor.u32 v14, v27;
	v44 =	vor.u32 v44, v42  }
0x140: {  	v28 =	vor.u32 v15, v27;
	v29 =	vor.u32 v16, v27;
	v58 =	vor.u32 v58, v37;
	v49 =	vld.idx.msk [tilespmem:v49+s22+$0x0], $0xffff  }
0x141: {  	v27 =	vor.u32 v17, v27;
	v56 =	vand.u32 $0x1C00, v43;
	v59 =	vor.u32 v59, v36;
	v53 =	vld.idx.msk [tilespmem:v53+s22+$0x0], $0xffff  }
0x142: {  	v62 =	vand.u32 $0x38, v55;
	v63 =	vshll.u32 v55, $0x7;
	v60 =	vor.u32 v60, v35;
	v54 =	vld.idx.msk [tilespmem:v54+s22+$0x0], $0xffff  }
0x143: {  	v43 =	vor.u32 v62, v42;
	v51 =	vor.u32 v51, v34;
	v52 =	vor.u32 v52, v33;
	v50 =	vld.idx.msk [tilespmem:v50+s22+$0x0], $0xffff  }
0x144: {  	v62 =	vor.u32 v48, v32;
	v47 =	vor.u32 v45, v27;
	vm0 =	veq.s32 v26, $0x0;
	v55 =	vld.idx.msk [tilespmem:v44+s22+$0x0], $0xffff  }
0x145: {  	v56 =	vor.u32 v56, v31;
	v26 =	vsel vm0, $0x0, v0;
	v44 =	vand.u32 $0x1C00, v63;
	v58 =	vld.idx.msk [tilespmem:v58+s22+$0x0], $0xffff  }
0x146: {  	v63 =	vor.u32 v46, v29;
	v59 =	vld.idx.msk [tilespmem:v59+s22+$0x0], $0xffff;
	v46 =	vand.u32 $0x1C00, v61;
	v48 =	vmul.f32 v53, v26  }
0x147: {  	v45 =	vadd.s32 s14, v23;
	v60 =	vld.idx.msk [tilespmem:v60+s22+$0x0], $0xffff;
	v61 =	vor.u32 v46, v30;
	v53 =	vmul.f32 v54, v26  }
0x148: {  	v57 =	vor.u32 v57, v28;
	v46 =	vadd.s32 s14, v21;
	v50 =	vmul.f32 v50, v26;
	[tilespmem:v51+s1+$0x0] =	vst.idx.msk $0xffff, v48  }
0x149: {  	v49 =	vmul.f32 v49, v26;
	v48 =	vadd.s32 s14, v20;
	[tilespmem:v52+s1+$0x0] =	vst.idx.msk $0xffff, v53;
	v53 =	vmul.f32 v55, v26  }
0x14a: {  	v52 =	vadd.s32 s14, v19;
	v51 =	vand.u32 $0x38, v48;
	[tilespmem:v62+s1+$0x0] =	vst.idx.msk $0xffff, v50;
	v50 =	vmul.f32 v58, v26  }
0x14b: {  	v62 =	vand.u32 $0x38, v52;
	v54 =	vor.u32 v51, v41;
	[tilespmem:v56+s1+$0x0] =	vst.idx.msk $0xffff, v49;
	v56 =	vmul.f32 v59, v26  }
0x14c: {  	v58 =	vadd.s32 s14, v1;
	v51 =	vor.u32 v62, v40;
	[tilespmem:v61+s1+$0x0] =	vst.idx.msk $0xffff, v50;
	v61 =	vmul.f32 v60, v26  }
0x14d: {  	v49 =	vadd.s32 s14, v18;
	v62 =	vand.u32 $0x38, v58;
	v58 =	vshll.u32 v58, $0x7;
	[tilespmem:v57+s1+$0x0] =	vst.idx.msk $0xffff, v56  }
0x14e: {  	s15 =	simm.s32 $0x10;
	v55 =	vor.u32 v62, v39;
	v50 =	vand.u32 $0x1C00, v58;
	v56 =	vand.u32 $0x38, v49;
	[tilespmem:v63+s1+$0x0] =	vst.idx.msk $0xffff, v61  }
.LBB2_12:
0x14f: {  	p0 =	sne.s32 s15, $0x38;
	v56 =	vor.u32 v56, v38;
	v52 =	vshll.u32 v52, $0x7;
	v48 =	vshll.u32 v48, $0x7;
	[tilespmem:v47+s1+$0x0] =	vst.idx.msk $0xffff, v53;
	s21 =	smov.u32 s15;
	s15 =	sadd.s32 $0x8, s15  }
0x150: {  	v47 =	vadd.s32 s21, v24;
	v53 =	vld.idx.msk [tilespmem:v54+s22+$0x0], $0xffff;
	v52 =	vand.u32 $0x1C00, v52;
	v48 =	vand.u32 $0x1C00, v48  }
0x151: {  	v57 =	vadd.s32 s14, v22;
	v58 =	vand.u32 $0x38, v46;
	s14 =	smov.u32 s21;
	v54 =	vand.u32 $0x38, v47;
	v51 =	vld.idx.msk [tilespmem:v51+s22+$0x0], $0xffff  }
0x152: {  	v58 =	vor.u32 v58, v37;
	v59 =	vand.u32 $0x38, v57;
	v54 =	vor.u32 v54, v42  }
0x153: {  	v60 =	vand.u32 $0x38, v45;
	v57 =	vshll.u32 v57, $0x7;
	v59 =	vor.u32 v59, v36;
	v55 =	vld.idx.msk [tilespmem:v55+s22+$0x0], $0xffff  }
0x154: {  	v46 =	vshll.u32 v46, $0x7;
	v60 =	vor.u32 v60, v35;
	v57 =	vand.u32 $0x1C00, v57;
	v56 =	vld.idx.msk [tilespmem:v56+s22+$0x0], $0xffff  }
0x155: {  	v49 =	vshll.u32 v49, $0x7;
	v45 =	vshll.u32 v45, $0x7;
	v47 =	vshll.u32 v47, $0x7  }
0x156: {  	v50 =	vor.u32 v50, v34;
	v49 =	vand.u32 $0x1C00, v49;
	v45 =	vand.u32 $0x1C00, v45;
	v61 =	vld.idx.msk [tilespmem:v43+s22+$0x0], $0xffff;
	v43 =	vmovc v54  }
0x157: {  	v49 =	vor.u32 v49, v33;
	v54 =	vand.u32 $0x1C00, v47;
	v58 =	vld.idx.msk [tilespmem:v58+s22+$0x0], $0xffff  }
0x158: {  	v62 =	vor.u32 v52, v32;
	v63 =	vor.u32 v45, v29;
	v47 =	vor.u32 v44, v27;
	v59 =	vld.idx.msk [tilespmem:v59+s22+$0x0], $0xffff  }
0x159: {  	v46 =	vand.u32 $0x1C00, v46;
	v44 =	vmovc v54;
	v52 =	vmul.f32 v55, v26;
	v55 =	vor.u32 v48, v31;
	v60 =	vld.idx.msk [tilespmem:v60+s22+$0x0], $0xffff  }
0x15a: {  	v45 =	vadd.s32 s14, v23;
	v54 =	vmul.f32 v56, v26;
	v56 =	vor.u32 v46, v30  }
0x15b: {  	v57 =	vor.u32 v57, v28;
	v46 =	vadd.s32 s14, v21;
	[tilespmem:v50+s1+$0x0] =	vst.idx.msk $0xffff, v52;
	v50 =	vmul.f32 v51, v26  }
0x15c: {  	v48 =	vadd.s32 s14, v20;
	[tilespmem:v49+s1+$0x0] =	vst.idx.msk $0xffff, v54;
	v49 =	vmul.f32 v53, v26;
	v53 =	vmul.f32 v61, v26  }
.Ltmp5:
0x15d: {  	v52 =	vadd.s32 s14, v19;
	v51 =	vand.u32 $0x38, v48;
	[tilespmem:v62+s1+$0x0] =	vst.idx.msk $0xffff, v50;
	v50 =	vmul.f32 v58, v26;
	(pc) =	sbr.rel @p0 .LBB2_12-.Ltmp5, $4  }
0x15e: {  	v54 =	vor.u32 v51, v41;
	v58 =	vand.u32 $0x38, v52;
	[tilespmem:v55+s1+$0x0] =	vst.idx.msk $0xffff, v49;
	v55 =	vmul.f32 v59, v26  }
0x15f: {  	v59 =	vadd.s32 s14, v1;
	v51 =	vor.u32 v58, v40;
	v58 =	vmul.f32 v60, v26;
	[tilespmem:v56+s1+$0x0] =	vst.idx.msk $0xffff, v50  }
0x160: {  	v49 =	vadd.s32 s14, v18;
	v50 =	vand.u32 $0x38, v59;
	v59 =	vshll.u32 v59, $0x7;
	[tilespmem:v57+s1+$0x0] =	vst.idx.msk $0xffff, v55  }
0x161: {  	v56 =	vand.u32 $0x38, v49;
	v55 =	vor.u32 v50, v39;
	v50 =	vand.u32 $0x1C00, v59;
	[tilespmem:v63+s1+$0x0] =	vst.idx.msk $0xffff, v58  }
0x162: {  	_ =	sdelay $0x1  }
0x163: {  	v38 =	vor.u32 v56, v38;
	_ =	sdelay $0x1  }
0x164: {  	[tilespmem:v47+s1+$0x0] =	vst.idx.msk $0xffff, v53;
	v39 =	vadd.s32 s14, v22;
	v40 =	vand.u32 $0x38, v46  }
0x165: {  	v41 =	vld.idx.msk [tilespmem:v54+s22+$0x0], $0xffff;
	v37 =	vor.u32 v40, v37;
	v63 =	vand.u32 $0x38, v39  }
0x166: {  	v42 =	vshll.u32 v52, $0x7;
	v52 =	vand.u32 $0x38, v45;
	v47 =	vld.idx.msk [tilespmem:v55+s22+$0x0], $0xffff;
	v36 =	vor.u32 v63, v36  }
0x167: {  	v48 =	vshll.u32 v48, $0x7;
	v53 =	vshll.u32 v49, $0x7;
	v35 =	vor.u32 v52, v35;
	v38 =	vld.idx.msk [tilespmem:v38+s22+$0x0], $0xffff  }
0x168: {  	v34 =	vor.u32 v50, v34;
	v57 =	vshll.u32 v45, $0x7;
	v54 =	vld.idx.msk [tilespmem:v51+s22+$0x0], $0xffff;
	v40 =	vand.u32 $0x1C00, v53  }
0x169: {  	v42 =	vand.u32 $0x1C00, v42;
	v48 =	vand.u32 $0x1C00, v48;
	v43 =	vld.idx.msk [tilespmem:v43+s22+$0x0], $0xffff;
	v33 =	vor.u32 v40, v33  }
0x16a: {  	v39 =	vshll.u32 v39, $0x7;
	v55 =	vshll.u32 v46, $0x7;
	v32 =	vor.u32 v42, v32;
	v37 =	vld.idx.msk [tilespmem:v37+s22+$0x0], $0xffff  }
0x16b: {  	v31 =	vor.u32 v48, v31;
	v40 =	vand.u32 $0x1C00, v55;
	v56 =	vmul.f32 v47, v26;
	v36 =	vld.idx.msk [tilespmem:v36+s22+$0x0], $0xffff  }
0x16c: {  	v39 =	vand.u32 $0x1C00, v39;
	v30 =	vor.u32 v40, v30;
	v35 =	vld.idx.msk [tilespmem:v35+s22+$0x0], $0xffff;
	v38 =	vmul.f32 v38, v26  }
0x16d: {  	v58 =	vand.u32 $0x1C00, v57;
	v28 =	vor.u32 v39, v28;
	v59 =	vmul.f32 v54, v26;
	[tilespmem:v34+s1+$0x0] =	vst.idx.msk $0xffff, v56  }
0x16e: {  	s12 =	sadd.s32 $0x1, s12;
	v29 =	vor.u32 v58, v29;
	v60 =	vmul.f32 v41, v26;
	[tilespmem:v33+s1+$0x0] =	vst.idx.msk $0xffff, v38  }
0x16f: {  	v27 =	vor.u32 v44, v27;
	p0 =	sne.s32 s12, $0x8;
	v61 =	vmul.f32 v37, v26;
	[tilespmem:v32+s1+$0x0] =	vst.idx.msk $0xffff, v59  }
.Ltmp6:
0x170: {  	v62 =	vmul.f32 v36, v26;
	[tilespmem:v31+s1+$0x0] =	vst.idx.msk $0xffff, v60;
	(pc) =	sbr.rel @p0 .LBB2_11-.Ltmp6, $4  }
0x171: {  	v63 =	vmul.f32 v35, v26;
	[tilespmem:v30+s1+$0x0] =	vst.idx.msk $0xffff, v61  }
0x172: {  	v26 =	vmul.f32 v43, v26;
	[tilespmem:v28+s1+$0x0] =	vst.idx.msk $0xffff, v62  }
0x173: {  	[tilespmem:v29+s1+$0x0] =	vst.idx.msk $0xffff, v63  }
0x174: {  	[tilespmem:v27+s1+$0x0] =	vst.idx.msk $0xffff, v26  }
0x175: {  	p0 =	seq.s32 s23, $0x31;
	s7 =	sadd.s32 s6, s9  }
0x176: {  	[hbm4b:s7+s30] =	stream.strided.scatter [tilespmem:s1], [sflag:$0x6], $0x2000, s31, s30, $0x38;
	[tilespmem:$0x12600] =	vst v63  }
0x177: {  	v25 =	vld @!p0 [tilespmem:s4+$0x1980];
	_ =	sdelay $0x4  }
0x178: {  	v25 =	vadd.s32 @!p0 $0xFFFFFFFF, v25  }
0x179: {  	vm0 =	vgt.s32 @!p0 v25, $0x0  }
0x17a: {  	v25 =	vnsel @!p0 vm0, $0x0, v25  }
0x17b: {  	[tilespmem:$0x6480] =	vst @!p0 v25  }
0x17c: {  	v25 =	vld @!p0 [tilespmem:s4+$0x1990];
	_ =	sdelay $0x4  }
0x17d: {  	v25 =	vadd.s32 @!p0 $0xFFFFFFFF, v25  }
0x17e: {  	vm0 =	vgt.s32 @!p0 v25, $0x0  }
0x17f: {  	v25 =	vnsel @!p0 vm0, $0x0, v25  }
0x180: {  	[tilespmem:$0x6490] =	vst @!p0 v25  }
0x181: {  	v25 =	vld @!p0 [tilespmem:s4+$0x19A0];
	_ =	sdelay $0x4  }
0x182: {  	v25 =	vadd.s32 @!p0 $0xFFFFFFFF, v25  }
0x183: {  	vm0 =	vgt.s32 @!p0 v25, $0x0  }
0x184: {  	v25 =	vnsel @!p0 vm0, $0x0, v25  }
0x185: {  	[tilespmem:$0x64A0] =	vst @!p0 v25  }
0x186: {  	v25 =	vld @!p0 [tilespmem:s4+$0x19B0];
	_ =	sdelay $0x4  }
0x187: {  	v25 =	vadd.s32 @!p0 $0xFFFFFFFF, v25  }
0x188: {  	vm0 =	vgt.s32 @!p0 v25, $0x0  }
0x189: {  	v25 =	vnsel @!p0 vm0, $0x0, v25  }
0x18a: {  	[tilespmem:$0x64B0] =	vst @!p0 v25  }
0x18b: {  	v25 =	vld @!p0 [tilespmem:s4+$0x19C0];
	_ =	sdelay $0x4  }
0x18c: {  	v25 =	vadd.s32 @!p0 $0xFFFFFFFF, v25  }
0x18d: {  	vm0 =	vgt.s32 @!p0 v25, $0x0  }
0x18e: {  	v25 =	vnsel @!p0 vm0, $0x0, v25  }
0x18f: {  	[tilespmem:$0x64C0] =	vst @!p0 v25  }
0x190: {  	v25 =	vld @!p0 [tilespmem:s4+$0x19D0];
	_ =	sdelay $0x4  }
0x191: {  	v25 =	vadd.s32 @!p0 $0xFFFFFFFF, v25  }
0x192: {  	vm0 =	vgt.s32 @!p0 v25, $0x0  }
0x193: {  	v25 =	vnsel @!p0 vm0, $0x0, v25  }
0x194: {  	[tilespmem:$0x64D0] =	vst @!p0 v25  }
0x195: {  	v25 =	vld @!p0 [tilespmem:s4+$0x19E0];
	_ =	sdelay $0x4  }
0x196: {  	v25 =	vadd.s32 @!p0 $0xFFFFFFFF, v25  }
0x197: {  	vm0 =	vgt.s32 @!p0 v25, $0x0  }
0x198: {  	v25 =	vnsel @!p0 vm0, $0x0, v25  }
0x199: {  	[tilespmem:$0x64E0] =	vst @!p0 v25  }
0x19a: {  	v25 =	vld @!p0 [tilespmem:s4+$0x19F0];
	_ =	sdelay $0x4  }
0x19b: {  	v25 =	vadd.s32 @!p0 $0xFFFFFFFF, v25  }
0x19c: {  	vm0 =	vgt.s32 @!p0 v25, $0x0  }
0x19d: {  	v25 =	vnsel @!p0 vm0, $0x0, v25  }
0x19e: {  	s7 =	simm.s32 @!p0 $0x80;
	s12 =	simm.s32 @!p0 $0x6480;
	s14 =	simm.s32 @!p0 $0x8600;
	[tilespmem:$0x64F0] =	vst @!p0 v25  }
0x19f: {  	[tilespmem:s14], [sflag:$0x2] =	stream.indirect.gather @!p0 [hbm4b:s3+s7], $0x40, s12, s7, $0xb8;
	[tilespmem:$0x12600] =	vst v63  }
0x1a0: {  	_ =	swait.ge [sflag:s16], $0x2000  }
0x1a1: {  	[sflag:s16] =	ssyncset.done $0x0  }
0x1a2: {  	[sflag:s16] =	ssyncadd.s32 $0xFFFFE000  }
0x1a3: {  	_ =	swait.ge [sflag:s17], $0x2000  }
0x1a4: {  	s21 =	sadd.s32 $0x3200, s4;
	[sflag:s17] =	ssyncset.done $0x0  }
0x1a5: {  	v25 =	vmov s21;
	s7 =	simm.s32 $0x0;
	s12 =	simm.s32 $0x0;
	[sflag:s17] =	ssyncadd.s32 $0xFFFFE000  }
.LBB2_15:
0x1a6: {  	v43 =	vadd.s32 s7, v24  }
0x1a7: {  	v46 =	vadd.s32 s7, v23;
	v61 =	vadd.s32 s7, v20;
	v47 =	vadd.s32 s7, v21  }
0x1a8: {  	s14 =	sshll.u32 s12, $0x4;
	v48 =	vadd.s32 s7, v19;
	v51 =	vadd.s32 s7, v1;
	v52 =	vadd.s32 s7, v18  }
0x1a9: {  	v57 =	vadd.s32 s7, v22;
	v27 =	vor.u32 s14, v1;
	v44 =	vand.u32 $0x38, v43  }
0x1aa: {  	v43 =	vshll.u32 v43, $0x7;
	v49 =	vand.u32 $0x38, v61;
	v50 =	vand.u32 $0x38, v48  }
0x1ab: {  	v53 =	vand.u32 $0x38, v51;
	v51 =	vshll.u32 v51, $0x7;
	v54 =	vand.u32 $0x38, v52  }
0x1ac: {  	v48 =	vshll.u32 v48, $0x7;
	v58 =	vand.u32 $0x38, v47;
	v59 =	vand.u32 $0x38, v57  }
0x1ad: {  	v60 =	vand.u32 $0x38, v46;
	v57 =	vshll.u32 v57, $0x7;
	v52 =	vshll.u32 v52, $0x7  }
0x1ae: {  	v46 =	vshll.u32 v46, $0x7;
	v28 =	vshll.u32 v27, $0x6;
	v27 =	vand.u32 $0x78, v27  }
0x1af: {  	v26 =	vld.idx.msk [tilespmem:v25+s14+$0x0 ss:$0x1], $0xffff;
	s14 =	simm.s32 $0x8;
	v45 =	vand.u32 $0x1C00, v43;
	v51 =	vand.u32 $0x1C00, v51;
	v43 =	vshll.u32 v61, $0x7  }
0x1b0: {  	v55 =	vadd.s32 s14, v24;
	v48 =	vand.u32 $0x1C00, v48;
	v61 =	vshll.u32 v47, $0x7  }
0x1b1: {  	v57 =	vand.u32 $0x1C00, v57;
	v52 =	vand.u32 $0x1C00, v52;
	v46 =	vand.u32 $0x1C00, v46  }
0x1b2: {  	v39 =	vor.u32 v2, v28;
	v38 =	vor.u32 v3, v28;
	v41 =	vor.u32 v5, v28  }
0x1b3: {  	v40 =	vor.u32 v4, v28;
	v37 =	vor.u32 v6, v28;
	v49 =	vor.u32 v49, v41  }
0x1b4: {  	v36 =	vor.u32 v7, v28;
	v35 =	vor.u32 v8, v28;
	v53 =	vor.u32 v53, v39  }
0x1b5: {  	v42 =	vor.u32 v9, v28;
	v34 =	vor.u32 v10, v27;
	v54 =	vor.u32 v54, v38  }
0x1b6: {  	v33 =	vor.u32 v11, v27;
	v32 =	vor.u32 v12, v27;
	v50 =	vor.u32 v50, v40  }
0x1b7: {  	v31 =	vor.u32 v13, v27;
	v30 =	vor.u32 v14, v27;
	v44 =	vor.u32 v44, v42  }
0x1b8: {  	v28 =	vor.u32 v15, v27;
	v29 =	vor.u32 v16, v27;
	v58 =	vor.u32 v58, v37;
	v49 =	vld.idx.msk [tilespmem:v49+s24+$0x0], $0xffff  }
0x1b9: {  	v27 =	vor.u32 v17, v27;
	v56 =	vand.u32 $0x1C00, v43;
	v59 =	vor.u32 v59, v36;
	v53 =	vld.idx.msk [tilespmem:v53+s24+$0x0], $0xffff  }
0x1ba: {  	v62 =	vand.u32 $0x38, v55;
	v63 =	vshll.u32 v55, $0x7;
	v60 =	vor.u32 v60, v35;
	v54 =	vld.idx.msk [tilespmem:v54+s24+$0x0], $0xffff  }
0x1bb: {  	v43 =	vor.u32 v62, v42;
	v51 =	vor.u32 v51, v34;
	v52 =	vor.u32 v52, v33;
	v50 =	vld.idx.msk [tilespmem:v50+s24+$0x0], $0xffff  }
0x1bc: {  	v62 =	vor.u32 v48, v32;
	v47 =	vor.u32 v45, v27;
	vm0 =	veq.s32 v26, $0x0;
	v55 =	vld.idx.msk [tilespmem:v44+s24+$0x0], $0xffff  }
0x1bd: {  	v56 =	vor.u32 v56, v31;
	v26 =	vsel vm0, $0x0, v0;
	v44 =	vand.u32 $0x1C00, v63;
	v58 =	vld.idx.msk [tilespmem:v58+s24+$0x0], $0xffff  }
0x1be: {  	v63 =	vor.u32 v46, v29;
	v59 =	vld.idx.msk [tilespmem:v59+s24+$0x0], $0xffff;
	v46 =	vand.u32 $0x1C00, v61;
	v48 =	vmul.f32 v53, v26  }
0x1bf: {  	v45 =	vadd.s32 s14, v23;
	v60 =	vld.idx.msk [tilespmem:v60+s24+$0x0], $0xffff;
	v61 =	vor.u32 v46, v30;
	v53 =	vmul.f32 v54, v26  }
0x1c0: {  	v57 =	vor.u32 v57, v28;
	v46 =	vadd.s32 s14, v21;
	v50 =	vmul.f32 v50, v26;
	[tilespmem:v51+s29+$0x0] =	vst.idx.msk $0xffff, v48  }
0x1c1: {  	v49 =	vmul.f32 v49, v26;
	v48 =	vadd.s32 s14, v20;
	[tilespmem:v52+s29+$0x0] =	vst.idx.msk $0xffff, v53;
	v53 =	vmul.f32 v55, v26  }
0x1c2: {  	v52 =	vadd.s32 s14, v19;
	v51 =	vand.u32 $0x38, v48;
	[tilespmem:v62+s29+$0x0] =	vst.idx.msk $0xffff, v50;
	v50 =	vmul.f32 v58, v26  }
0x1c3: {  	v62 =	vand.u32 $0x38, v52;
	v54 =	vor.u32 v51, v41;
	[tilespmem:v56+s29+$0x0] =	vst.idx.msk $0xffff, v49;
	v56 =	vmul.f32 v59, v26  }
0x1c4: {  	v58 =	vadd.s32 s14, v1;
	v51 =	vor.u32 v62, v40;
	[tilespmem:v61+s29+$0x0] =	vst.idx.msk $0xffff, v50;
	v61 =	vmul.f32 v60, v26  }
0x1c5: {  	v49 =	vadd.s32 s14, v18;
	v62 =	vand.u32 $0x38, v58;
	v58 =	vshll.u32 v58, $0x7;
	[tilespmem:v57+s29+$0x0] =	vst.idx.msk $0xffff, v56  }
0x1c6: {  	s15 =	simm.s32 $0x10;
	v55 =	vor.u32 v62, v39;
	v50 =	vand.u32 $0x1C00, v58;
	v56 =	vand.u32 $0x38, v49;
	[tilespmem:v63+s29+$0x0] =	vst.idx.msk $0xffff, v61  }
.LBB2_16:
0x1c7: {  	p1 =	sne.s32 s15, $0x38;
	v56 =	vor.u32 v56, v38;
	v52 =	vshll.u32 v52, $0x7;
	v48 =	vshll.u32 v48, $0x7;
	[tilespmem:v47+s29+$0x0] =	vst.idx.msk $0xffff, v53;
	s21 =	smov.u32 s15;
	s15 =	sadd.s32 $0x8, s15  }
0x1c8: {  	v47 =	vadd.s32 s21, v24;
	v53 =	vld.idx.msk [tilespmem:v54+s24+$0x0], $0xffff;
	v52 =	vand.u32 $0x1C00, v52;
	v48 =	vand.u32 $0x1C00, v48  }
0x1c9: {  	v57 =	vadd.s32 s14, v22;
	v58 =	vand.u32 $0x38, v46;
	s14 =	smov.u32 s21;
	v54 =	vand.u32 $0x38, v47;
	v51 =	vld.idx.msk [tilespmem:v51+s24+$0x0], $0xffff  }
0x1ca: {  	v58 =	vor.u32 v58, v37;
	v59 =	vand.u32 $0x38, v57;
	v54 =	vor.u32 v54, v42  }
0x1cb: {  	v60 =	vand.u32 $0x38, v45;
	v57 =	vshll.u32 v57, $0x7;
	v59 =	vor.u32 v59, v36;
	v55 =	vld.idx.msk [tilespmem:v55+s24+$0x0], $0xffff  }
0x1cc: {  	v46 =	vshll.u32 v46, $0x7;
	v60 =	vor.u32 v60, v35;
	v57 =	vand.u32 $0x1C00, v57;
	v56 =	vld.idx.msk [tilespmem:v56+s24+$0x0], $0xffff  }
0x1cd: {  	v49 =	vshll.u32 v49, $0x7;
	v45 =	vshll.u32 v45, $0x7;
	v47 =	vshll.u32 v47, $0x7  }
0x1ce: {  	v50 =	vor.u32 v50, v34;
	v49 =	vand.u32 $0x1C00, v49;
	v45 =	vand.u32 $0x1C00, v45;
	v61 =	vld.idx.msk [tilespmem:v43+s24+$0x0], $0xffff;
	v43 =	vmovc v54  }
0x1cf: {  	v49 =	vor.u32 v49, v33;
	v54 =	vand.u32 $0x1C00, v47;
	v58 =	vld.idx.msk [tilespmem:v58+s24+$0x0], $0xffff  }
0x1d0: {  	v62 =	vor.u32 v52, v32;
	v63 =	vor.u32 v45, v29;
	v47 =	vor.u32 v44, v27;
	v59 =	vld.idx.msk [tilespmem:v59+s24+$0x0], $0xffff  }
0x1d1: {  	v46 =	vand.u32 $0x1C00, v46;
	v44 =	vmovc v54;
	v52 =	vmul.f32 v55, v26;
	v55 =	vor.u32 v48, v31;
	v60 =	vld.idx.msk [tilespmem:v60+s24+$0x0], $0xffff  }
0x1d2: {  	v45 =	vadd.s32 s14, v23;
	v54 =	vmul.f32 v56, v26;
	v56 =	vor.u32 v46, v30  }
0x1d3: {  	v57 =	vor.u32 v57, v28;
	v46 =	vadd.s32 s14, v21;
	[tilespmem:v50+s29+$0x0] =	vst.idx.msk $0xffff, v52;
	v50 =	vmul.f32 v51, v26  }
0x1d4: {  	v48 =	vadd.s32 s14, v20;
	[tilespmem:v49+s29+$0x0] =	vst.idx.msk $0xffff, v54;
	v49 =	vmul.f32 v53, v26;
	v53 =	vmul.f32 v61, v26  }
.Ltmp7:
0x1d5: {  	v52 =	vadd.s32 s14, v19;
	v51 =	vand.u32 $0x38, v48;
	[tilespmem:v62+s29+$0x0] =	vst.idx.msk $0xffff, v50;
	v50 =	vmul.f32 v58, v26;
	(pc) =	sbr.rel @p1 .LBB2_16-.Ltmp7, $4  }
0x1d6: {  	v54 =	vor.u32 v51, v41;
	v58 =	vand.u32 $0x38, v52;
	[tilespmem:v55+s29+$0x0] =	vst.idx.msk $0xffff, v49;
	v55 =	vmul.f32 v59, v26  }
0x1d7: {  	v59 =	vadd.s32 s14, v1;
	v51 =	vor.u32 v58, v40;
	v58 =	vmul.f32 v60, v26;
	[tilespmem:v56+s29+$0x0] =	vst.idx.msk $0xffff, v50  }
0x1d8: {  	v49 =	vadd.s32 s14, v18;
	v50 =	vand.u32 $0x38, v59;
	v59 =	vshll.u32 v59, $0x7;
	[tilespmem:v57+s29+$0x0] =	vst.idx.msk $0xffff, v55  }
0x1d9: {  	v56 =	vand.u32 $0x38, v49;
	v55 =	vor.u32 v50, v39;
	v50 =	vand.u32 $0x1C00, v59;
	[tilespmem:v63+s29+$0x0] =	vst.idx.msk $0xffff, v58  }
0x1da: {  	_ =	sdelay $0x1  }
0x1db: {  	v38 =	vor.u32 v56, v38;
	_ =	sdelay $0x1  }
0x1dc: {  	[tilespmem:v47+s29+$0x0] =	vst.idx.msk $0xffff, v53;
	v39 =	vadd.s32 s14, v22;
	v40 =	vand.u32 $0x38, v46  }
0x1dd: {  	v41 =	vld.idx.msk [tilespmem:v54+s24+$0x0], $0xffff;
	v37 =	vor.u32 v40, v37;
	v63 =	vand.u32 $0x38, v39  }
0x1de: {  	v42 =	vshll.u32 v52, $0x7;
	v52 =	vand.u32 $0x38, v45;
	v47 =	vld.idx.msk [tilespmem:v55+s24+$0x0], $0xffff;
	v36 =	vor.u32 v63, v36  }
0x1df: {  	v48 =	vshll.u32 v48, $0x7;
	v53 =	vshll.u32 v49, $0x7;
	v35 =	vor.u32 v52, v35;
	v38 =	vld.idx.msk [tilespmem:v38+s24+$0x0], $0xffff  }
0x1e0: {  	v34 =	vor.u32 v50, v34;
	v57 =	vshll.u32 v45, $0x7;
	v54 =	vld.idx.msk [tilespmem:v51+s24+$0x0], $0xffff;
	v40 =	vand.u32 $0x1C00, v53  }
0x1e1: {  	v42 =	vand.u32 $0x1C00, v42;
	v48 =	vand.u32 $0x1C00, v48;
	v43 =	vld.idx.msk [tilespmem:v43+s24+$0x0], $0xffff;
	v33 =	vor.u32 v40, v33  }
0x1e2: {  	v39 =	vshll.u32 v39, $0x7;
	v55 =	vshll.u32 v46, $0x7;
	v32 =	vor.u32 v42, v32;
	v37 =	vld.idx.msk [tilespmem:v37+s24+$0x0], $0xffff  }
0x1e3: {  	v31 =	vor.u32 v48, v31;
	v40 =	vand.u32 $0x1C00, v55;
	v56 =	vmul.f32 v47, v26;
	v36 =	vld.idx.msk [tilespmem:v36+s24+$0x0], $0xffff  }
0x1e4: {  	v39 =	vand.u32 $0x1C00, v39;
	v30 =	vor.u32 v40, v30;
	v35 =	vld.idx.msk [tilespmem:v35+s24+$0x0], $0xffff;
	v38 =	vmul.f32 v38, v26  }
0x1e5: {  	v58 =	vand.u32 $0x1C00, v57;
	v28 =	vor.u32 v39, v28;
	v59 =	vmul.f32 v54, v26;
	[tilespmem:v34+s29+$0x0] =	vst.idx.msk $0xffff, v56  }
0x1e6: {  	s12 =	sadd.s32 $0x1, s12;
	v29 =	vor.u32 v58, v29;
	v60 =	vmul.f32 v41, v26;
	[tilespmem:v33+s29+$0x0] =	vst.idx.msk $0xffff, v38  }
0x1e7: {  	v27 =	vor.u32 v44, v27;
	p1 =	sne.s32 s12, $0x8;
	v61 =	vmul.f32 v37, v26;
	[tilespmem:v32+s29+$0x0] =	vst.idx.msk $0xffff, v59  }
.Ltmp8:
0x1e8: {  	v62 =	vmul.f32 v36, v26;
	[tilespmem:v31+s29+$0x0] =	vst.idx.msk $0xffff, v60;
	(pc) =	sbr.rel @p1 .LBB2_15-.Ltmp8, $4  }
0x1e9: {  	v63 =	vmul.f32 v35, v26;
	[tilespmem:v30+s29+$0x0] =	vst.idx.msk $0xffff, v61  }
0x1ea: {  	v26 =	vmul.f32 v43, v26;
	[tilespmem:v28+s29+$0x0] =	vst.idx.msk $0xffff, v62  }
0x1eb: {  	[tilespmem:v29+s29+$0x0] =	vst.idx.msk $0xffff, v63  }
0x1ec: {  	[tilespmem:v27+s29+$0x0] =	vst.idx.msk $0xffff, v26  }
0x1ed: {  	s7 =	sadd.s32 s6, s10  }
0x1ee: {  	[hbm4b:s7+s30] =	stream.strided.scatter [tilespmem:s29], [sflag:$0x5], $0x2000, s31, s30, $0x38;
	[tilespmem:$0x12600] =	vst v63  }
0x1ef: {  	v25 =	vld @!p0 [tilespmem:s4+$0x3280];
	_ =	sdelay $0x4  }
0x1f0: {  	v25 =	vadd.s32 @!p0 $0xFFFFFFFF, v25  }
0x1f1: {  	vm0 =	vgt.s32 @!p0 v25, $0x0  }
0x1f2: {  	v25 =	vnsel @!p0 vm0, $0x0, v25  }
0x1f3: {  	[tilespmem:$0x6500] =	vst @!p0 v25  }
0x1f4: {  	v25 =	vld @!p0 [tilespmem:s4+$0x3290];
	_ =	sdelay $0x4  }
0x1f5: {  	v25 =	vadd.s32 @!p0 $0xFFFFFFFF, v25  }
0x1f6: {  	vm0 =	vgt.s32 @!p0 v25, $0x0  }
0x1f7: {  	v25 =	vnsel @!p0 vm0, $0x0, v25  }
0x1f8: {  	[tilespmem:$0x6510] =	vst @!p0 v25  }
0x1f9: {  	v25 =	vld @!p0 [tilespmem:s4+$0x32A0];
	_ =	sdelay $0x4  }
0x1fa: {  	v25 =	vadd.s32 @!p0 $0xFFFFFFFF, v25  }
0x1fb: {  	vm0 =	vgt.s32 @!p0 v25, $0x0  }
0x1fc: {  	v25 =	vnsel @!p0 vm0, $0x0, v25  }
0x1fd: {  	[tilespmem:$0x6520] =	vst @!p0 v25  }
0x1fe: {  	v25 =	vld @!p0 [tilespmem:s4+$0x32B0];
	_ =	sdelay $0x4  }
0x1ff: {  	v25 =	vadd.s32 @!p0 $0xFFFFFFFF, v25  }
0x200: {  	vm0 =	vgt.s32 @!p0 v25, $0x0  }
0x201: {  	v25 =	vnsel @!p0 vm0, $0x0, v25  }
0x202: {  	[tilespmem:$0x6530] =	vst @!p0 v25  }
0x203: {  	v25 =	vld @!p0 [tilespmem:s4+$0x32C0];
	_ =	sdelay $0x4  }
0x204: {  	v25 =	vadd.s32 @!p0 $0xFFFFFFFF, v25  }
0x205: {  	vm0 =	vgt.s32 @!p0 v25, $0x0  }
0x206: {  	v25 =	vnsel @!p0 vm0, $0x0, v25  }
0x207: {  	[tilespmem:$0x6540] =	vst @!p0 v25  }
0x208: {  	v25 =	vld @!p0 [tilespmem:s4+$0x32D0];
	_ =	sdelay $0x4  }
0x209: {  	v25 =	vadd.s32 @!p0 $0xFFFFFFFF, v25  }
0x20a: {  	vm0 =	vgt.s32 @!p0 v25, $0x0  }
0x20b: {  	v25 =	vnsel @!p0 vm0, $0x0, v25  }
0x20c: {  	[tilespmem:$0x6550] =	vst @!p0 v25  }
0x20d: {  	v25 =	vld @!p0 [tilespmem:s4+$0x32E0];
	_ =	sdelay $0x4  }
0x20e: {  	v25 =	vadd.s32 @!p0 $0xFFFFFFFF, v25  }
0x20f: {  	vm0 =	vgt.s32 @!p0 v25, $0x0  }
0x210: {  	v25 =	vnsel @!p0 vm0, $0x0, v25  }
0x211: {  	[tilespmem:$0x6560] =	vst @!p0 v25  }
0x212: {  	v25 =	vld @!p0 [tilespmem:s4+$0x32F0];
	_ =	sdelay $0x4  }
0x213: {  	v25 =	vadd.s32 @!p0 $0xFFFFFFFF, v25  }
0x214: {  	vm0 =	vgt.s32 @!p0 v25, $0x0  }
0x215: {  	v25 =	vnsel @!p0 vm0, $0x0, v25  }
0x216: {  	s12 =	simm.s32 @!p0 $0xA600;
	s7 =	simm.s32 @!p0 $0x6500;
	s4 =	simm.s32 @!p0 $0x80;
	[tilespmem:$0x6570] =	vst @!p0 v25  }
0x217: {  	[tilespmem:s12], [sflag:$0x3] =	stream.indirect.gather @!p0 [hbm4b:s3+s4], $0x40, s7, s4, $0xb8;
	[tilespmem:$0x12600] =	vst v63  }
0x218: {  	_ =	swait.ge [sflag:s18], $0x2000  }
0x219: {  	[sflag:s18] =	ssyncset.done $0x0  }
0x21a: {  	[sflag:s18] =	ssyncadd.s32 $0xFFFFE000  }
0x21b: {  	_ =	swait.ge [sflag:s2], $0x2000  }
0x21c: {  	[sflag:s2] =	ssyncset.done $0x0  }
0x21d: {  	v25 =	vmov s5;
	s5 =	simm.s32 $0x0;
	s4 =	simm.s32 $0x0;
	[sflag:s2] =	ssyncadd.s32 $0xFFFFE000  }
.LBB2_19:
0x21e: {  	v43 =	vadd.s32 s4, v24  }
0x21f: {  	v46 =	vadd.s32 s4, v23;
	v61 =	vadd.s32 s4, v20;
	v47 =	vadd.s32 s4, v21  }
0x220: {  	s7 =	sshll.u32 s5, $0x4;
	v48 =	vadd.s32 s4, v19;
	v51 =	vadd.s32 s4, v1;
	v52 =	vadd.s32 s4, v18  }
0x221: {  	v57 =	vadd.s32 s4, v22;
	v27 =	vor.u32 s7, v1;
	v44 =	vand.u32 $0x38, v43  }
0x222: {  	v43 =	vshll.u32 v43, $0x7;
	v49 =	vand.u32 $0x38, v61;
	v50 =	vand.u32 $0x38, v48  }
0x223: {  	v53 =	vand.u32 $0x38, v51;
	v51 =	vshll.u32 v51, $0x7;
	v54 =	vand.u32 $0x38, v52  }
0x224: {  	v48 =	vshll.u32 v48, $0x7;
	v58 =	vand.u32 $0x38, v47;
	v59 =	vand.u32 $0x38, v57  }
0x225: {  	v60 =	vand.u32 $0x38, v46;
	v57 =	vshll.u32 v57, $0x7;
	v52 =	vshll.u32 v52, $0x7  }
0x226: {  	v46 =	vshll.u32 v46, $0x7;
	v28 =	vshll.u32 v27, $0x6;
	v27 =	vand.u32 $0x78, v27  }
0x227: {  	v26 =	vld.idx.msk [tilespmem:v25+s7+$0x0 ss:$0x1], $0xffff;
	s7 =	simm.s32 $0x8;
	v45 =	vand.u32 $0x1C00, v43;
	v51 =	vand.u32 $0x1C00, v51;
	v43 =	vshll.u32 v61, $0x7  }
0x228: {  	v55 =	vadd.s32 s7, v24;
	v48 =	vand.u32 $0x1C00, v48;
	v61 =	vshll.u32 v47, $0x7  }
0x229: {  	v57 =	vand.u32 $0x1C00, v57;
	v52 =	vand.u32 $0x1C00, v52;
	v46 =	vand.u32 $0x1C00, v46  }
0x22a: {  	v39 =	vor.u32 v2, v28;
	v38 =	vor.u32 v3, v28;
	v41 =	vor.u32 v5, v28  }
0x22b: {  	v40 =	vor.u32 v4, v28;
	v37 =	vor.u32 v6, v28;
	v49 =	vor.u32 v49, v41  }
0x22c: {  	v36 =	vor.u32 v7, v28;
	v35 =	vor.u32 v8, v28;
	v53 =	vor.u32 v53, v39  }
0x22d: {  	v42 =	vor.u32 v9, v28;
	v34 =	vor.u32 v10, v27;
	v54 =	vor.u32 v54, v38  }
0x22e: {  	v33 =	vor.u32 v11, v27;
	v32 =	vor.u32 v12, v27;
	v50 =	vor.u32 v50, v40  }
0x22f: {  	v31 =	vor.u32 v13, v27;
	v30 =	vor.u32 v14, v27;
	v44 =	vor.u32 v44, v42  }
0x230: {  	v28 =	vor.u32 v15, v27;
	v29 =	vor.u32 v16, v27;
	v58 =	vor.u32 v58, v37;
	v49 =	vld.idx.msk [tilespmem:v49+s26+$0x0], $0xffff  }
0x231: {  	v27 =	vor.u32 v17, v27;
	v56 =	vand.u32 $0x1C00, v43;
	v59 =	vor.u32 v59, v36;
	v53 =	vld.idx.msk [tilespmem:v53+s26+$0x0], $0xffff  }
0x232: {  	v62 =	vand.u32 $0x38, v55;
	v63 =	vshll.u32 v55, $0x7;
	v60 =	vor.u32 v60, v35;
	v54 =	vld.idx.msk [tilespmem:v54+s26+$0x0], $0xffff  }
0x233: {  	v43 =	vor.u32 v62, v42;
	v51 =	vor.u32 v51, v34;
	v52 =	vor.u32 v52, v33;
	v50 =	vld.idx.msk [tilespmem:v50+s26+$0x0], $0xffff  }
0x234: {  	v62 =	vor.u32 v48, v32;
	v47 =	vor.u32 v45, v27;
	vm0 =	veq.s32 v26, $0x0;
	v55 =	vld.idx.msk [tilespmem:v44+s26+$0x0], $0xffff  }
0x235: {  	v56 =	vor.u32 v56, v31;
	v26 =	vsel vm0, $0x0, v0;
	v44 =	vand.u32 $0x1C00, v63;
	v58 =	vld.idx.msk [tilespmem:v58+s26+$0x0], $0xffff  }
0x236: {  	v63 =	vor.u32 v46, v29;
	v59 =	vld.idx.msk [tilespmem:v59+s26+$0x0], $0xffff;
	v46 =	vand.u32 $0x1C00, v61;
	v48 =	vmul.f32 v53, v26  }
0x237: {  	v45 =	vadd.s32 s7, v23;
	v60 =	vld.idx.msk [tilespmem:v60+s26+$0x0], $0xffff;
	v61 =	vor.u32 v46, v30;
	v53 =	vmul.f32 v54, v26  }
0x238: {  	v57 =	vor.u32 v57, v28;
	v46 =	vadd.s32 s7, v21;
	v50 =	vmul.f32 v50, v26;
	[tilespmem:v51+s1+$0x0] =	vst.idx.msk $0xffff, v48  }
0x239: {  	v49 =	vmul.f32 v49, v26;
	v48 =	vadd.s32 s7, v20;
	[tilespmem:v52+s1+$0x0] =	vst.idx.msk $0xffff, v53;
	v53 =	vmul.f32 v55, v26  }
0x23a: {  	v52 =	vadd.s32 s7, v19;
	v51 =	vand.u32 $0x38, v48;
	[tilespmem:v62+s1+$0x0] =	vst.idx.msk $0xffff, v50;
	v50 =	vmul.f32 v58, v26  }
0x23b: {  	v62 =	vand.u32 $0x38, v52;
	v54 =	vor.u32 v51, v41;
	[tilespmem:v56+s1+$0x0] =	vst.idx.msk $0xffff, v49;
	v56 =	vmul.f32 v59, v26  }
0x23c: {  	v58 =	vadd.s32 s7, v1;
	v51 =	vor.u32 v62, v40;
	[tilespmem:v61+s1+$0x0] =	vst.idx.msk $0xffff, v50;
	v61 =	vmul.f32 v60, v26  }
0x23d: {  	v49 =	vadd.s32 s7, v18;
	v62 =	vand.u32 $0x38, v58;
	v58 =	vshll.u32 v58, $0x7;
	[tilespmem:v57+s1+$0x0] =	vst.idx.msk $0xffff, v56  }
0x23e: {  	s12 =	simm.s32 $0x10;
	v55 =	vor.u32 v62, v39;
	v50 =	vand.u32 $0x1C00, v58;
	v56 =	vand.u32 $0x38, v49;
	[tilespmem:v63+s1+$0x0] =	vst.idx.msk $0xffff, v61  }
.LBB2_20:
0x23f: {  	p0 =	sne.s32 s12, $0x38;
	v56 =	vor.u32 v56, v38;
	v52 =	vshll.u32 v52, $0x7;
	v48 =	vshll.u32 v48, $0x7;
	[tilespmem:v47+s1+$0x0] =	vst.idx.msk $0xffff, v53;
	s14 =	smov.u32 s12;
	s12 =	sadd.s32 $0x8, s12  }
0x240: {  	v47 =	vadd.s32 s14, v24;
	v53 =	vld.idx.msk [tilespmem:v54+s26+$0x0], $0xffff;
	v52 =	vand.u32 $0x1C00, v52;
	v48 =	vand.u32 $0x1C00, v48  }
0x241: {  	v57 =	vadd.s32 s7, v22;
	v58 =	vand.u32 $0x38, v46;
	s7 =	smov.u32 s14;
	v54 =	vand.u32 $0x38, v47;
	v51 =	vld.idx.msk [tilespmem:v51+s26+$0x0], $0xffff  }
0x242: {  	v58 =	vor.u32 v58, v37;
	v59 =	vand.u32 $0x38, v57;
	v54 =	vor.u32 v54, v42  }
0x243: {  	v60 =	vand.u32 $0x38, v45;
	v57 =	vshll.u32 v57, $0x7;
	v59 =	vor.u32 v59, v36;
	v55 =	vld.idx.msk [tilespmem:v55+s26+$0x0], $0xffff  }
0x244: {  	v46 =	vshll.u32 v46, $0x7;
	v60 =	vor.u32 v60, v35;
	v57 =	vand.u32 $0x1C00, v57;
	v56 =	vld.idx.msk [tilespmem:v56+s26+$0x0], $0xffff  }
0x245: {  	v49 =	vshll.u32 v49, $0x7;
	v45 =	vshll.u32 v45, $0x7;
	v47 =	vshll.u32 v47, $0x7  }
0x246: {  	v50 =	vor.u32 v50, v34;
	v49 =	vand.u32 $0x1C00, v49;
	v45 =	vand.u32 $0x1C00, v45;
	v61 =	vld.idx.msk [tilespmem:v43+s26+$0x0], $0xffff;
	v43 =	vmovc v54  }
0x247: {  	v49 =	vor.u32 v49, v33;
	v54 =	vand.u32 $0x1C00, v47;
	v58 =	vld.idx.msk [tilespmem:v58+s26+$0x0], $0xffff  }
0x248: {  	v62 =	vor.u32 v52, v32;
	v63 =	vor.u32 v45, v29;
	v47 =	vor.u32 v44, v27;
	v59 =	vld.idx.msk [tilespmem:v59+s26+$0x0], $0xffff  }
0x249: {  	v46 =	vand.u32 $0x1C00, v46;
	v44 =	vmovc v54;
	v52 =	vmul.f32 v55, v26;
	v55 =	vor.u32 v48, v31;
	v60 =	vld.idx.msk [tilespmem:v60+s26+$0x0], $0xffff  }
0x24a: {  	v45 =	vadd.s32 s7, v23;
	v54 =	vmul.f32 v56, v26;
	v56 =	vor.u32 v46, v30  }
0x24b: {  	v57 =	vor.u32 v57, v28;
	v46 =	vadd.s32 s7, v21;
	[tilespmem:v50+s1+$0x0] =	vst.idx.msk $0xffff, v52;
	v50 =	vmul.f32 v51, v26  }
0x24c: {  	v48 =	vadd.s32 s7, v20;
	[tilespmem:v49+s1+$0x0] =	vst.idx.msk $0xffff, v54;
	v49 =	vmul.f32 v53, v26;
	v53 =	vmul.f32 v61, v26  }
.Ltmp9:
0x24d: {  	v52 =	vadd.s32 s7, v19;
	v51 =	vand.u32 $0x38, v48;
	[tilespmem:v62+s1+$0x0] =	vst.idx.msk $0xffff, v50;
	v50 =	vmul.f32 v58, v26;
	(pc) =	sbr.rel @p0 .LBB2_20-.Ltmp9, $4  }
0x24e: {  	v54 =	vor.u32 v51, v41;
	v58 =	vand.u32 $0x38, v52;
	[tilespmem:v55+s1+$0x0] =	vst.idx.msk $0xffff, v49;
	v55 =	vmul.f32 v59, v26  }
0x24f: {  	v59 =	vadd.s32 s7, v1;
	v51 =	vor.u32 v58, v40;
	v58 =	vmul.f32 v60, v26;
	[tilespmem:v56+s1+$0x0] =	vst.idx.msk $0xffff, v50  }
0x250: {  	v49 =	vadd.s32 s7, v18;
	v50 =	vand.u32 $0x38, v59;
	v59 =	vshll.u32 v59, $0x7;
	[tilespmem:v57+s1+$0x0] =	vst.idx.msk $0xffff, v55  }
0x251: {  	v56 =	vand.u32 $0x38, v49;
	v55 =	vor.u32 v50, v39;
	v50 =	vand.u32 $0x1C00, v59;
	[tilespmem:v63+s1+$0x0] =	vst.idx.msk $0xffff, v58  }
0x252: {  	_ =	sdelay $0x1  }
0x253: {  	v38 =	vor.u32 v56, v38;
	_ =	sdelay $0x1  }
0x254: {  	[tilespmem:v47+s1+$0x0] =	vst.idx.msk $0xffff, v53;
	v39 =	vadd.s32 s7, v22;
	v40 =	vand.u32 $0x38, v46  }
0x255: {  	v41 =	vld.idx.msk [tilespmem:v54+s26+$0x0], $0xffff;
	v37 =	vor.u32 v40, v37;
	v63 =	vand.u32 $0x38, v39  }
0x256: {  	v42 =	vshll.u32 v52, $0x7;
	v52 =	vand.u32 $0x38, v45;
	v47 =	vld.idx.msk [tilespmem:v55+s26+$0x0], $0xffff;
	v36 =	vor.u32 v63, v36  }
0x257: {  	v48 =	vshll.u32 v48, $0x7;
	v53 =	vshll.u32 v49, $0x7;
	v35 =	vor.u32 v52, v35;
	v38 =	vld.idx.msk [tilespmem:v38+s26+$0x0], $0xffff  }
0x258: {  	v34 =	vor.u32 v50, v34;
	v57 =	vshll.u32 v45, $0x7;
	v54 =	vld.idx.msk [tilespmem:v51+s26+$0x0], $0xffff;
	v40 =	vand.u32 $0x1C00, v53  }
0x259: {  	v42 =	vand.u32 $0x1C00, v42;
	v48 =	vand.u32 $0x1C00, v48;
	v43 =	vld.idx.msk [tilespmem:v43+s26+$0x0], $0xffff;
	v33 =	vor.u32 v40, v33  }
0x25a: {  	v39 =	vshll.u32 v39, $0x7;
	v55 =	vshll.u32 v46, $0x7;
	v32 =	vor.u32 v42, v32;
	v37 =	vld.idx.msk [tilespmem:v37+s26+$0x0], $0xffff  }
0x25b: {  	v31 =	vor.u32 v48, v31;
	v40 =	vand.u32 $0x1C00, v55;
	v56 =	vmul.f32 v47, v26;
	v36 =	vld.idx.msk [tilespmem:v36+s26+$0x0], $0xffff  }
0x25c: {  	v39 =	vand.u32 $0x1C00, v39;
	v30 =	vor.u32 v40, v30;
	v35 =	vld.idx.msk [tilespmem:v35+s26+$0x0], $0xffff;
	v38 =	vmul.f32 v38, v26  }
0x25d: {  	v58 =	vand.u32 $0x1C00, v57;
	v28 =	vor.u32 v39, v28;
	v59 =	vmul.f32 v54, v26;
	[tilespmem:v34+s1+$0x0] =	vst.idx.msk $0xffff, v56  }
0x25e: {  	s5 =	sadd.s32 $0x1, s5;
	v29 =	vor.u32 v58, v29;
	v60 =	vmul.f32 v41, v26;
	[tilespmem:v33+s1+$0x0] =	vst.idx.msk $0xffff, v38  }
0x25f: {  	v27 =	vor.u32 v44, v27;
	p0 =	sne.s32 s5, $0x8;
	v61 =	vmul.f32 v37, v26;
	[tilespmem:v32+s1+$0x0] =	vst.idx.msk $0xffff, v59  }
.Ltmp10:
0x260: {  	v62 =	vmul.f32 v36, v26;
	[tilespmem:v31+s1+$0x0] =	vst.idx.msk $0xffff, v60;
	(pc) =	sbr.rel @p0 .LBB2_19-.Ltmp10, $4  }
0x261: {  	v63 =	vmul.f32 v35, v26;
	[tilespmem:v30+s1+$0x0] =	vst.idx.msk $0xffff, v61  }
0x262: {  	v26 =	vmul.f32 v43, v26;
	[tilespmem:v28+s1+$0x0] =	vst.idx.msk $0xffff, v62  }
0x263: {  	[tilespmem:v29+s1+$0x0] =	vst.idx.msk $0xffff, v63  }
0x264: {  	[tilespmem:v27+s1+$0x0] =	vst.idx.msk $0xffff, v26  }
0x265: {  	s23 =	sadd.s32 $0x1, s23  }
0x266: {  	p0 =	sne.s32 s23, $0x32  }
.Ltmp11:
0x267: {  	_ = 	snop;
	(pc) =	sbr.rel @p0 .LBB2_2-.Ltmp11, $3  }
0x268: {  	_ =	sdelay $0x1  }
0x269: {  	s4 =	sadd.s32 s6, s11  }
0x26a: {  	[hbm4b:s4+s30] =	stream.strided.scatter [tilespmem:s1], [sflag:$0x6], $0x2000, s31, s30, $0x38;
	[tilespmem:$0x12600] =	vst v63  }
0x26b: {  	_ =	swait.ge [sflag:s17], $0x2000  }
0x26c: {  	[sflag:s17] =	ssyncset.done $0x0  }
0x26d: {  	[sflag:s17] =	ssyncadd.s32 $0xFFFFE000  }
0x26e: {  	_ =	swait.ge [sflag:s2], $0x2000  }
0x26f: {  	s5 =	rddreg [dreg:$0x8]  }
0x270: {  	s4 =	rddreg [dreg:$0x7];
	s5 =	sadd.s32 $0x1, s5  }
0x271: {  	p0 =	sne.s32 s5, s4  }
.Ltmp12:
0x272: {  	_ = 	snop;
	(pc) =	sbr.rel @p0 .LBB2_1-.Ltmp12, $3  }
0x273: {  	_ =	sdelay $0x1  }
0x274: {  	[sflag:s2] =	ssyncset.done $0x0  }
0x275: {  	[sflag:s2] =	ssyncadd.s32 $0xFFFFE000  }
0x276: {  	_ =	sfence.sel $0x180000  }
0x277: {  	[bflag:$0x0] =	sbarrier.arrive $0xFFFF  }
0x278: {  	_ =	strace $0x90000047  }
0x279: {  	s0 =	stileid.u32;
	[bflag:$0x2] =	sbarrier.arrive $0xFFFF  }
0x27a: {  	p0 =	sne.s32 s0, $0x0;
	s0 =	rddreg [dreg:$0x2]  }
0x27b: {  	s0 =	sadd.s32 @!p0 $0x100000, s0  }
0x27c: {  	[sflag:s0] =	ssyncadd.tile.s32 @!p0 $0x1;
	_ =	shalt  }
.Lfunc_end2:
_tile_overlayer_lowered:
.L_overlay_start_2:
0x27d: {  	(tag) =	ssettag $0x2  }
0x27e: {  	s0 =	rddreg [dreg:$0x0];
	s2 =	stileid.u32  }
0x27f: {  	s1 =	rddreg [dreg:$0x1];
	p0 =	sne.s32 s2, $0x0  }
0x280: {  	s3 =	rddreg [dreg:$0x2];
	[bflag:$0x3] =	sbarrier.arrive $0xFFFF;
	s2 =	simm.s32 @!p0 $0x1C07  }
0x281: {  	[timem:s3], [sflag:s2] =	dma.local @!p0 [hbm:s0], s1  }
0x282: {  	s0 =	simm.s32 @!p0 $0x7  }
0x283: {  	_ =	swait.ge @!p0 [sflag:s0], s1  }
0x284: {  	s1 =	ssub.s32 @!p0 $0x0, s1;
	[sflag:s0] =	ssyncset.done @!p0 $0x0  }
0x285: {  	[sflag:s0] =	ssyncadd.s32 @!p0 s1  }
0x286: {  	[bflag:$0x3] =	sbarrier.arrive $0xFFFF  }
0x287: {  	_ =	shalt  }

</sc_bundles>
